<compile_context>
chip_gen: v7x
topology: tpu7x:2x2x1
jax: 0.10.2.dev20260603
libtpu: 0.0.44.dev20260713+nightly
codegen_flags: <defaults>
</compile_context>

<pallas_src>
import jax
import jax.numpy as jnp
from jax import lax
from jax.experimental import pallas as pl
from jax.experimental.pallas import tpu as pltpu
from jax.experimental.pallas import tpu_sc as plsc

_EMBED = 128
_BATCH = 16384
_NC, _NS, _L = 2, 16, 16
_NW = _NC * _NS
_BPW = _BATCH // _NW
_CH = 128
_NCH = _BPW // _CH


def _log_sigmoid(x):
    u = jnp.exp(-jnp.abs(x))
    z = u / (u + 2.0)
    z2 = z * z
    p = jnp.float32(1.0 / 11.0)
    p = p * z2 + jnp.float32(1.0 / 9.0)
    p = p * z2 + jnp.float32(1.0 / 7.0)
    p = p * z2 + jnp.float32(1.0 / 5.0)
    p = p * z2 + jnp.float32(1.0 / 3.0)
    p = p * z2 + jnp.float32(1.0)
    log1p_u = 2.0 * z * p
    return jnp.minimum(x, 0.0) - log1p_u


def _body(tw_hbm, cw_hbm, wt_hbm, ct_hbm, out_hbm,
          tw_idx, cw_idx, tbuf, cbuf, obuf, sbuf, st0, sc0, st1, sc1):
    cid = lax.axis_index("c")
    sid = lax.axis_index("s")
    wid = sid * _NC + cid

    hti = pltpu.async_copy(tw_hbm.at[pl.ds(wid * _NCH, _NCH)], tw_idx, st1)
    hci = pltpu.async_copy(cw_hbm.at[pl.ds(wid * _NCH, _NCH)], cw_idx, sc1)

    sems = ((st0, sc0), (st1, sc1))

    def fire(j, par):
        st, sc = sems[par]
        ht = pltpu.async_copy(wt_hbm.at[tw_idx.at[j]], tbuf.at[par], st)
        hc = pltpu.async_copy(ct_hbm.at[cw_idx.at[j]], cbuf.at[par], sc)
        return ht, hc

    lanes = lax.iota(jnp.int32, _L)

    def compute(j, par):
        tb = tbuf.at[par]
        cb = cbuf.at[par]

        def abody(i, carry):
            for u in range(2):
                p = i * 2 + u
                acc = tb[p, pl.ds(0, _L)] * cb[p, pl.ds(0, _L)]
                for e in range(1, _EMBED // _L):
                    acc = acc + (tb[p, pl.ds(e * _L, _L)] *
                                 cb[p, pl.ds(e * _L, _L)])
                sbuf[p, pl.ds(0, _L)] = acc
            return carry

        lax.fori_loop(0, _CH // 2, abody, 0)

        def bbody(g, carry):
            rows = lanes + g * _L
            tot = plsc.load_gather(sbuf, [rows, jnp.full((_L,), 0,
                                                         jnp.int32)])
            for c in range(1, _L):
                tot = tot + plsc.load_gather(
                    sbuf, [rows, jnp.full((_L,), c, jnp.int32)])
            obuf[pl.ds(j * _CH + g * _L, _L)] = _log_sigmoid(tot)
            return carry

        lax.fori_loop(0, _CH // _L, bbody, 0)

    hti.wait()
    hci.wait()
    handles = [None] * _NCH
    handles[0] = fire(0, 0)
    for j in range(_NCH):
        if j + 1 < _NCH:
            handles[j + 1] = fire(j + 1, (j + 1) % 2)
        ht, hc = handles[j]
        ht.wait()
        hc.wait()
        compute(j, j % 2)

    pltpu.sync_copy(obuf, out_hbm.at[pl.ds(wid * _BPW, _BPW)])


def kernel(target_word, context_word, word_table, context_table):
    tw = target_word.reshape(_NW * _NCH, _CH)
    cw = context_word.reshape(_NW * _NCH, _CH)
    mesh = plsc.VectorSubcoreMesh(core_axis_name="c", subcore_axis_name="s",
                                  num_cores=_NC, num_subcores=_NS)
    return pl.kernel(
        _body,
        out_type=jax.ShapeDtypeStruct((_BATCH,), jnp.float32),
        mesh=mesh,
        compiler_params=pltpu.CompilerParams(needs_layout_passes=False),
        scratch_types=[
            pltpu.VMEM((_NCH, _CH), jnp.int32),
            pltpu.VMEM((_NCH, _CH), jnp.int32),
            pltpu.VMEM((2, _CH, _EMBED), jnp.float32),
            pltpu.VMEM((2, _CH, _EMBED), jnp.float32),
            pltpu.VMEM((_BPW,), jnp.float32),
            pltpu.VMEM((_CH, _L + 1), jnp.float32),
            pltpu.SemaphoreType.DMA,
            pltpu.SemaphoreType.DMA,
            pltpu.SemaphoreType.DMA,
            pltpu.SemaphoreType.DMA,
        ],
    )(tw, cw, word_table, context_table)

# --- scband reference (transcript-rebuilt; emitter-appended) ---
"""Pipeline reference for scband-word2-vec-20581483282901 (READ-ONLY COPY).

The authoritative reference and input builder live on the scoring server;
editing this copy changes nothing except your own understanding.
"""

import jax, jax.numpy as jnp
import numpy as np

VOCAB = 100000
EMBED = 128
BATCH = 16384

def setup_inputs(seed: int = 0) -> dict:
    key = jax.random.key(seed)
    k1, k2, k3, k4 = jax.random.split(key, 4)
    target_word = jax.random.randint(k1, (BATCH,), 0, VOCAB, dtype=jnp.int64 if jax.config.jax_enable_x64 else jnp.int32).astype(jnp.int32)
    context_word = jax.random.randint(k2, (BATCH,), 0, VOCAB, dtype=jnp.int64 if jax.config.jax_enable_x64 else jnp.int32).astype(jnp.int32)
    word_table = jax.random.normal(k3, (VOCAB, EMBED), dtype=jnp.float32) * 0.02
    context_table = jax.random.normal(k4, (VOCAB, EMBED), dtype=jnp.float32) * 0.02
    return {"target_word": target_word, "context_word": context_word, "word_table": word_table, "context_table": context_table}

def reference(target_word, context_word, word_table, context_table):
    # nn.Embedding lookups -> gathers
    target_embed = jnp.take(word_table, target_word, axis=0)      # [B, E]
    context_embed = jnp.take(context_table, context_word, axis=0) # [B, E]
    # bmm([B,1,E], [B,E,1]).squeeze() == rowwise dot product -> [B]
    scores = jnp.sum(context_embed * target_embed, axis=-1)
    loglogits = jax.nn.log_sigmoid(scores)
    return loglogits

if __name__ == "__main__":
    import jax
    _d = setup_inputs()
    print(jax.jit(kernel)(*tuple(_d.values())))

</pallas_src>

<mosaic_0001>
#map = affine_map<(d0, d1) -> (0, 0)>
#map1 = affine_map<(d0, d1) -> (0)>
module attributes {stable_mosaic.version = 14 : i64} {
  func.func @_body(%arg0: i32, %arg1: i32, %arg2: memref<128x128xi32, #tpu.memory_space<hbm>>, %arg3: memref<128x128xi32, #tpu.memory_space<hbm>>, %arg4: memref<100000x128xf32, #tpu.memory_space<hbm>>, %arg5: memref<100000x128xf32, #tpu.memory_space<hbm>>, %arg6: memref<16384xf32, #tpu.memory_space<hbm>>, %arg7: memref<4x128xi32, #tpu.memory_space<vmem>>, %arg8: memref<4x128xi32, #tpu.memory_space<vmem>>, %arg9: memref<2x128x128xf32, #tpu.memory_space<vmem>>, %arg10: memref<2x128x128xf32, #tpu.memory_space<vmem>>, %arg11: memref<512xf32, #tpu.memory_space<vmem>>, %arg12: memref<128x17xf32, #tpu.memory_space<vmem>>, %arg13: memref<!tpu.dma_semaphore, #tpu.memory_space<semaphore_mem>>, %arg14: memref<!tpu.dma_semaphore, #tpu.memory_space<semaphore_mem>>, %arg15: memref<!tpu.dma_semaphore, #tpu.memory_space<semaphore_mem>>, %arg16: memref<!tpu.dma_semaphore, #tpu.memory_space<semaphore_mem>>) attributes {dimension_semantics = [#tpu.dimension_semantics<core_parallel>, #tpu.dimension_semantics<subcore_parallel>], iteration_bounds = array<i64: 2, 16>, scalar_prefetch = 0 : i64, scratch_operands = 10 : i64, tpu.core_type = #tpu.core_type<sc_vector_subcore>, window_params = [{transform_indices = #map}, {transform_indices = #map}, {transform_indices = #map}, {transform_indices = #map}, {transform_indices = #map1}]} {
    %mul3A = arith.constant 2 : i32
    %mul3A_0 = arith.muli %arg1, %mul3A : i32
    %add3A = arith.addi %mul3A_0, %arg0 : i32
    %mul3A_1 = arith.constant 4 : i32
    %mul3A_2 = arith.muli %add3A, %mul3A_1 : i32
    %dma_start3A = arith.constant 0 : i32
    %dma_start3A_3 = tpu.memref_slice %arg2[%mul3A_2, %dma_start3A] : memref<128x128xi32, #tpu.memory_space<hbm>> -> memref<4x128xi32, #tpu.memory_space<hbm>>
    %dma_start3A_4 = arith.constant 0 : i32
    %dma_start3A_5 = tpu.memref_slice %arg2[%mul3A_2, %dma_start3A_4] : memref<128x128xi32, #tpu.memory_space<hbm>> -> memref<4x128xi32, #tpu.memory_space<hbm>>
    tpu.enqueue_dma source(%dma_start3A_5 : memref<4x128xi32, #tpu.memory_space<hbm>>) target(%arg7 : memref<4x128xi32, #tpu.memory_space<vmem>>) target_semaphore(%arg15 : memref<!tpu.dma_semaphore, #tpu.memory_space<semaphore_mem>>)
    %mul3A_6 = arith.constant 4 : i32
    %mul3A_7 = arith.muli %add3A, %mul3A_6 : i32
    %dma_start3A_8 = arith.constant 0 : i32
    %dma_start3A_9 = tpu.memref_slice %arg3[%mul3A_7, %dma_start3A_8] : memref<128x128xi32, #tpu.memory_space<hbm>> -> memref<4x128xi32, #tpu.memory_space<hbm>>
    %dma_start3A_10 = arith.constant 0 : i32
    %dma_start3A_11 = tpu.memref_slice %arg3[%mul3A_7, %dma_start3A_10] : memref<128x128xi32, #tpu.memory_space<hbm>> -> memref<4x128xi32, #tpu.memory_space<hbm>>
    tpu.enqueue_dma source(%dma_start3A_11 : memref<4x128xi32, #tpu.memory_space<hbm>>) target(%arg8 : memref<4x128xi32, #tpu.memory_space<vmem>>) target_semaphore(%arg16 : memref<!tpu.dma_semaphore, #tpu.memory_space<semaphore_mem>>)
    %iota3A = tpu.iota {dimensions = array<i32: 0>} : vector<16xi32>
    %dma_wait3A = arith.constant 0 : i32
    %dma_wait3A_12 = tpu.memref_slice %arg2[%mul3A_2, %dma_wait3A] : memref<128x128xi32, #tpu.memory_space<hbm>> -> memref<4x128xi32, #tpu.memory_space<hbm>>
    %dma_wait3A_13 = arith.constant 0 : i32
    %dma_wait3A_14 = tpu.memref_slice %arg2[%mul3A_2, %dma_wait3A_13] : memref<128x128xi32, #tpu.memory_space<hbm>> -> memref<4x128xi32, #tpu.memory_space<hbm>>
    tpu.wait_dma2 semaphore(%arg15 : memref<!tpu.dma_semaphore, #tpu.memory_space<semaphore_mem>>) src(%dma_wait3A_14 : memref<4x128xi32, #tpu.memory_space<hbm>>) dst(%arg7 : memref<4x128xi32, #tpu.memory_space<vmem>>)
    %dma_wait3A_15 = arith.constant 0 : i32
    %dma_wait3A_16 = tpu.memref_slice %arg3[%mul3A_7, %dma_wait3A_15] : memref<128x128xi32, #tpu.memory_space<hbm>> -> memref<4x128xi32, #tpu.memory_space<hbm>>
    %dma_wait3A_17 = arith.constant 0 : i32
    %dma_wait3A_18 = tpu.memref_slice %arg3[%mul3A_7, %dma_wait3A_17] : memref<128x128xi32, #tpu.memory_space<hbm>> -> memref<4x128xi32, #tpu.memory_space<hbm>>
    tpu.wait_dma2 semaphore(%arg16 : memref<!tpu.dma_semaphore, #tpu.memory_space<semaphore_mem>>) src(%dma_wait3A_18 : memref<4x128xi32, #tpu.memory_space<hbm>>) dst(%arg8 : memref<4x128xi32, #tpu.memory_space<vmem>>)
    %dma_start3A_19 = arith.constant 0 : i32
    %dma_start3A_20 = arith.constant 0 : i32
    %dma_start3A_21 = arith.constant 0 : i32
    %dma_start3A_22 = arith.constant 0 : i32
    %dma_start3A_23 = tpu.memref_slice %arg9[%dma_start3A_20, %dma_start3A_21, %dma_start3A_22] : memref<2x128x128xf32, #tpu.memory_space<vmem>> -> memref<1x128x128xf32, #tpu.memory_space<vmem>>
    %dma_start3A_24 = tpu.memref_squeeze %dma_start3A_23 : memref<1x128x128xf32, #tpu.memory_space<vmem>> -> memref<128x128xf32, #tpu.memory_space<vmem>>
    %dma_start3A_25 = arith.constant 0 : i32
    %dma_start3A_26 = tpu.memref_slice %arg7[%dma_start3A_19, %dma_start3A_25] : memref<4x128xi32, #tpu.memory_space<vmem>> -> memref<1x128xi32, #tpu.memory_space<vmem>>
    %dma_start3A_27 = tpu.memref_squeeze %dma_start3A_26 : memref<1x128xi32, #tpu.memory_space<vmem>> -> memref<128xi32, #tpu.memory_space<vmem>>
    %dma_start3A_28 = arith.constant 0 : i32
    %dma_start3A_29 = arith.constant 0 : i32
    %dma_start3A_30 = tpu.memref_slice %arg4[%dma_start3A_28, %dma_start3A_29] : memref<100000x128xf32, #tpu.memory_space<hbm>> -> memref<100000x128xf32, #tpu.memory_space<hbm>>
    tpu.enqueue_indirect_dma source(%dma_start3A_30 : memref<100000x128xf32, #tpu.memory_space<hbm>>) target(%dma_start3A_24 : memref<128x128xf32, #tpu.memory_space<vmem>>) offsets(%dma_start3A_27 : memref<128xi32, #tpu.memory_space<vmem>>) semaphore(%arg13 : memref<!tpu.dma_semaphore, #tpu.memory_space<semaphore_mem>>)
    %dma_start3A_31 = arith.constant 0 : i32
    %dma_start3A_32 = arith.constant 0 : i32
    %dma_start3A_33 = arith.constant 0 : i32
    %dma_start3A_34 = arith.constant 0 : i32
    %dma_start3A_35 = tpu.memref_slice %arg10[%dma_start3A_32, %dma_start3A_33, %dma_start3A_34] : memref<2x128x128xf32, #tpu.memory_space<vmem>> -> memref<1x128x128xf32, #tpu.memory_space<vmem>>
    %dma_start3A_36 = tpu.memref_squeeze %dma_start3A_35 : memref<1x128x128xf32, #tpu.memory_space<vmem>> -> memref<128x128xf32, #tpu.memory_space<vmem>>
    %dma_start3A_37 = arith.constant 0 : i32
    %dma_start3A_38 = tpu.memref_slice %arg8[%dma_start3A_31, %dma_start3A_37] : memref<4x128xi32, #tpu.memory_space<vmem>> -> memref<1x128xi32, #tpu.memory_space<vmem>>
    %dma_start3A_39 = tpu.memref_squeeze %dma_start3A_38 : memref<1x128xi32, #tpu.memory_space<vmem>> -> memref<128xi32, #tpu.memory_space<vmem>>
    %dma_start3A_40 = arith.constant 0 : i32
    %dma_start3A_41 = arith.constant 0 : i32
    %dma_start3A_42 = tpu.memref_slice %arg5[%dma_start3A_40, %dma_start3A_41] : memref<100000x128xf32, #tpu.memory_space<hbm>> -> memref<100000x128xf32, #tpu.memory_space<hbm>>
    tpu.enqueue_indirect_dma source(%dma_start3A_42 : memref<100000x128xf32, #tpu.memory_space<hbm>>) target(%dma_start3A_36 : memref<128x128xf32, #tpu.memory_space<vmem>>) offsets(%dma_start3A_39 : memref<128xi32, #tpu.memory_space<vmem>>) semaphore(%arg14 : memref<!tpu.dma_semaphore, #tpu.memory_space<semaphore_mem>>)
    %dma_start3A_43 = arith.constant 1 : i32
    %dma_start3A_44 = arith.constant 1 : i32
    %dma_start3A_45 = arith.constant 0 : i32
    %dma_start3A_46 = arith.constant 0 : i32
    %dma_start3A_47 = tpu.memref_slice %arg9[%dma_start3A_44, %dma_start3A_45, %dma_start3A_46] : memref<2x128x128xf32, #tpu.memory_space<vmem>> -> memref<1x128x128xf32, #tpu.memory_space<vmem>>
    %dma_start3A_48 = tpu.memref_squeeze %dma_start3A_47 : memref<1x128x128xf32, #tpu.memory_space<vmem>> -> memref<128x128xf32, #tpu.memory_space<vmem>>
    %dma_start3A_49 = arith.constant 0 : i32
    %dma_start3A_50 = tpu.memref_slice %arg7[%dma_start3A_43, %dma_start3A_49] : memref<4x128xi32, #tpu.memory_space<vmem>> -> memref<1x128xi32, #tpu.memory_space<vmem>>
    %dma_start3A_51 = tpu.memref_squeeze %dma_start3A_50 : memref<1x128xi32, #tpu.memory_space<vmem>> -> memref<128xi32, #tpu.memory_space<vmem>>
    %dma_start3A_52 = arith.constant 0 : i32
    %dma_start3A_53 = arith.constant 0 : i32
    %dma_start3A_54 = tpu.memref_slice %arg4[%dma_start3A_52, %dma_start3A_53] : memref<100000x128xf32, #tpu.memory_space<hbm>> -> memref<100000x128xf32, #tpu.memory_space<hbm>>
    tpu.enqueue_indirect_dma source(%dma_start3A_54 : memref<100000x128xf32, #tpu.memory_space<hbm>>) target(%dma_start3A_48 : memref<128x128xf32, #tpu.memory_space<vmem>>) offsets(%dma_start3A_51 : memref<128xi32, #tpu.memory_space<vmem>>) semaphore(%arg15 : memref<!tpu.dma_semaphore, #tpu.memory_space<semaphore_mem>>)
    %dma_start3A_55 = arith.constant 1 : i32
    %dma_start3A_56 = arith.constant 1 : i32
    %dma_start3A_57 = arith.constant 0 : i32
    %dma_start3A_58 = arith.constant 0 : i32
    %dma_start3A_59 = tpu.memref_slice %arg10[%dma_start3A_56, %dma_start3A_57, %dma_start3A_58] : memref<2x128x128xf32, #tpu.memory_space<vmem>> -> memref<1x128x128xf32, #tpu.memory_space<vmem>>
    %dma_start3A_60 = tpu.memref_squeeze %dma_start3A_59 : memref<1x128x128xf32, #tpu.memory_space<vmem>> -> memref<128x128xf32, #tpu.memory_space<vmem>>
    %dma_start3A_61 = arith.constant 0 : i32
    %dma_start3A_62 = tpu.memref_slice %arg8[%dma_start3A_55, %dma_start3A_61] : memref<4x128xi32, #tpu.memory_space<vmem>> -> memref<1x128xi32, #tpu.memory_space<vmem>>
    %dma_start3A_63 = tpu.memref_squeeze %dma_start3A_62 : memref<1x128xi32, #tpu.memory_space<vmem>> -> memref<128xi32, #tpu.memory_space<vmem>>
    %dma_start3A_64 = arith.constant 0 : i32
    %dma_start3A_65 = arith.constant 0 : i32
    %dma_start3A_66 = tpu.memref_slice %arg5[%dma_start3A_64, %dma_start3A_65] : memref<100000x128xf32, #tpu.memory_space<hbm>> -> memref<100000x128xf32, #tpu.memory_space<hbm>>
    tpu.enqueue_indirect_dma source(%dma_start3A_66 : memref<100000x128xf32, #tpu.memory_space<hbm>>) target(%dma_start3A_60 : memref<128x128xf32, #tpu.memory_space<vmem>>) offsets(%dma_start3A_63 : memref<128xi32, #tpu.memory_space<vmem>>) semaphore(%arg16 : memref<!tpu.dma_semaphore, #tpu.memory_space<semaphore_mem>>)
    %dma_wait3A_67 = arith.constant 0 : i32
    %dma_wait3A_68 = arith.constant 0 : i32
    %dma_wait3A_69 = arith.constant 0 : i32
    %dma_wait3A_70 = arith.constant 0 : i32
    %dma_wait3A_71 = tpu.memref_slice %arg9[%dma_wait3A_68, %dma_wait3A_69, %dma_wait3A_70] : memref<2x128x128xf32, #tpu.memory_space<vmem>> -> memref<1x128x128xf32, #tpu.memory_space<vmem>>
    %dma_wait3A_72 = tpu.memref_squeeze %dma_wait3A_71 : memref<1x128x128xf32, #tpu.memory_space<vmem>> -> memref<128x128xf32, #tpu.memory_space<vmem>>
    %dma_wait3A_73 = arith.constant 0 : i32
    %dma_wait3A_74 = tpu.memref_slice %arg7[%dma_wait3A_67, %dma_wait3A_73] : memref<4x128xi32, #tpu.memory_space<vmem>> -> memref<1x128xi32, #tpu.memory_space<vmem>>
    %dma_wait3A_75 = tpu.memref_squeeze %dma_wait3A_74 : memref<1x128xi32, #tpu.memory_space<vmem>> -> memref<128xi32, #tpu.memory_space<vmem>>
    %dma_wait3A_76 = arith.constant 0 : i32
    %dma_wait3A_77 = arith.constant 0 : i32
    %dma_wait3A_78 = tpu.memref_slice %arg4[%dma_wait3A_76, %dma_wait3A_77] : memref<100000x128xf32, #tpu.memory_space<hbm>> -> memref<100000x128xf32, #tpu.memory_space<hbm>>
    tpu.wait_indirect_dma semaphore(%arg13 : memref<!tpu.dma_semaphore, #tpu.memory_space<semaphore_mem>>) src(%dma_wait3A_78 : memref<100000x128xf32, #tpu.memory_space<hbm>>) dst(%dma_wait3A_72 : memref<128x128xf32, #tpu.memory_space<vmem>>)
    %dma_wait3A_79 = arith.constant 0 : i32
    %dma_wait3A_80 = arith.constant 0 : i32
    %dma_wait3A_81 = arith.constant 0 : i32
    %dma_wait3A_82 = arith.constant 0 : i32
    %dma_wait3A_83 = tpu.memref_slice %arg10[%dma_wait3A_80, %dma_wait3A_81, %dma_wait3A_82] : memref<2x128x128xf32, #tpu.memory_space<vmem>> -> memref<1x128x128xf32, #tpu.memory_space<vmem>>
    %dma_wait3A_84 = tpu.memref_squeeze %dma_wait3A_83 : memref<1x128x128xf32, #tpu.memory_space<vmem>> -> memref<128x128xf32, #tpu.memory_space<vmem>>
    %dma_wait3A_85 = arith.constant 0 : i32
    %dma_wait3A_86 = tpu.memref_slice %arg8[%dma_wait3A_79, %dma_wait3A_85] : memref<4x128xi32, #tpu.memory_space<vmem>> -> memref<1x128xi32, #tpu.memory_space<vmem>>
    %dma_wait3A_87 = tpu.memref_squeeze %dma_wait3A_86 : memref<1x128xi32, #tpu.memory_space<vmem>> -> memref<128xi32, #tpu.memory_space<vmem>>
    %dma_wait3A_88 = arith.constant 0 : i32
    %dma_wait3A_89 = arith.constant 0 : i32
    %dma_wait3A_90 = tpu.memref_slice %arg5[%dma_wait3A_88, %dma_wait3A_89] : memref<100000x128xf32, #tpu.memory_space<hbm>> -> memref<100000x128xf32, #tpu.memory_space<hbm>>
    tpu.wait_indirect_dma semaphore(%arg14 : memref<!tpu.dma_semaphore, #tpu.memory_space<semaphore_mem>>) src(%dma_wait3A_90 : memref<100000x128xf32, #tpu.memory_space<hbm>>) dst(%dma_wait3A_84 : memref<128x128xf32, #tpu.memory_space<vmem>>)
    %scan3A = arith.constant 0 : i32
    %scan3A_91 = arith.constant 0 : i32
    %scan3A_92 = arith.constant 0 : i32
    %scan3A_93 = arith.constant 0 : i32
    %scan3A_94 = arith.constant 64 : i32
    %scan3A_95 = arith.addi %scan3A_93, %scan3A_94 : i32
    %scan3A_96 = arith.constant 1 : i32
    scf.for %scan3A_268 = %scan3A_93 to %scan3A_95 step %scan3A_96  : i32 {
      %mul3A_269 = arith.constant 2 : i32
      %mul3A_270 = arith.muli %scan3A_268, %mul3A_269 : i32
      %add3A_271 = arith.constant 0 : i32
      %add3A_272 = arith.addi %mul3A_270, %add3A_271 : i32
      %get3A = arith.constant 0 : i32
      %get3A_273 = arith.constant 0 : i32
      %get3A_274 = tpu.memref_slice %arg9[%scan3A_91, %get3A, %get3A_273] : memref<2x128x128xf32, #tpu.memory_space<vmem>> -> memref<1x128x128xf32, #tpu.memory_space<vmem>>
      %get3A_275 = tpu.memref_squeeze %get3A_274 : memref<1x128x128xf32, #tpu.memory_space<vmem>> -> memref<128x128xf32, #tpu.memory_space<vmem>>
      %get3A_276 = arith.index_cast %add3A_272 : i32 to index
      %get3A_277 = arith.constant 0 : index
      %get3A_278 = tpu.vector_load %get3A_275[%get3A_276, %get3A_277] {strides = array<i32>} : memref<128x128xf32, #tpu.memory_space<vmem>>, vector<16xf32>,
      %get3A_279 = arith.constant 0 : i32
      %get3A_280 = arith.constant 0 : i32
      %get3A_281 = tpu.memref_slice %arg10[%scan3A_92, %get3A_279, %get3A_280] : memref<2x128x128xf32, #tpu.memory_space<vmem>> -> memref<1x128x128xf32, #tpu.memory_space<vmem>>
      %get3A_282 = tpu.memref_squeeze %get3A_281 : memref<1x128x128xf32, #tpu.memory_space<vmem>> -> memref<128x128xf32, #tpu.memory_space<vmem>>
      %get3A_283 = arith.index_cast %add3A_272 : i32 to index
      %get3A_284 = arith.constant 0 : index
      %get3A_285 = tpu.vector_load %get3A_282[%get3A_283, %get3A_284] {strides = array<i32>} : memref<128x128xf32, #tpu.memory_space<vmem>>, vector<16xf32>,
      %mul3A_286 = arith.mulf %get3A_278, %get3A_285 : vector<16xf32>
      %get3A_287 = arith.constant 0 : i32
      %get3A_288 = arith.constant 0 : i32
      %get3A_289 = tpu.memref_slice %arg9[%scan3A_91, %get3A_287, %get3A_288] : memref<2x128x128xf32, #tpu.memory_space<vmem>> -> memref<1x128x128xf32, #tpu.memory_space<vmem>>
      %get3A_290 = tpu.memref_squeeze %get3A_289 : memref<1x128x128xf32, #tpu.memory_space<vmem>> -> memref<128x128xf32, #tpu.memory_space<vmem>>
      %get3A_291 = arith.index_cast %add3A_272 : i32 to index
      %get3A_292 = arith.constant 16 : index
      %get3A_293 = tpu.vector_load %get3A_290[%get3A_291, %get3A_292] {strides = array<i32>} : memref<128x128xf32, #tpu.memory_space<vmem>>, vector<16xf32>,
      %get3A_294 = arith.constant 0 : i32
      %get3A_295 = arith.constant 0 : i32
      %get3A_296 = tpu.memref_slice %arg10[%scan3A_92, %get3A_294, %get3A_295] : memref<2x128x128xf32, #tpu.memory_space<vmem>> -> memref<1x128x128xf32, #tpu.memory_space<vmem>>
      %get3A_297 = tpu.memref_squeeze %get3A_296 : memref<1x128x128xf32, #tpu.memory_space<vmem>> -> memref<128x128xf32, #tpu.memory_space<vmem>>
      %get3A_298 = arith.index_cast %add3A_272 : i32 to index
      %get3A_299 = arith.constant 16 : index
      %get3A_300 = tpu.vector_load %get3A_297[%get3A_298, %get3A_299] {strides = array<i32>} : memref<128x128xf32, #tpu.memory_space<vmem>>, vector<16xf32>,
      %mul3A_301 = arith.mulf %get3A_293, %get3A_300 : vector<16xf32>
      %add3A_302 = arith.addf %mul3A_286, %mul3A_301 : vector<16xf32>
      %get3A_303 = arith.constant 0 : i32
      %get3A_304 = arith.constant 0 : i32
      %get3A_305 = tpu.memref_slice %arg9[%scan3A_91, %get3A_303, %get3A_304] : memref<2x128x128xf32, #tpu.memory_space<vmem>> -> memref<1x128x128xf32, #tpu.memory_space<vmem>>
      %get3A_306 = tpu.memref_squeeze %get3A_305 : memref<1x128x128xf32, #tpu.memory_space<vmem>> -> memref<128x128xf32, #tpu.memory_space<vmem>>
      %get3A_307 = arith.index_cast %add3A_272 : i32 to index
      %get3A_308 = arith.constant 32 : index
      %get3A_309 = tpu.vector_load %get3A_306[%get3A_307, %get3A_308] {strides = array<i32>} : memref<128x128xf32, #tpu.memory_space<vmem>>, vector<16xf32>,
      %get3A_310 = arith.constant 0 : i32
      %get3A_311 = arith.constant 0 : i32
      %get3A_312 = tpu.memref_slice %arg10[%scan3A_92, %get3A_310, %get3A_311] : memref<2x128x128xf32, #tpu.memory_space<vmem>> -> memref<1x128x128xf32, #tpu.memory_space<vmem>>
      %get3A_313 = tpu.memref_squeeze %get3A_312 : memref<1x128x128xf32, #tpu.memory_space<vmem>> -> memref<128x128xf32, #tpu.memory_space<vmem>>
      %get3A_314 = arith.index_cast %add3A_272 : i32 to index
      %get3A_315 = arith.constant 32 : index
      %get3A_316 = tpu.vector_load %get3A_313[%get3A_314, %get3A_315] {strides = array<i32>} : memref<128x128xf32, #tpu.memory_space<vmem>>, vector<16xf32>,
      %mul3A_317 = arith.mulf %get3A_309, %get3A_316 : vector<16xf32>
      %add3A_318 = arith.addf %add3A_302, %mul3A_317 : vector<16xf32>
      %get3A_319 = arith.constant 0 : i32
      %get3A_320 = arith.constant 0 : i32
      %get3A_321 = tpu.memref_slice %arg9[%scan3A_91, %get3A_319, %get3A_320] : memref<2x128x128xf32, #tpu.memory_space<vmem>> -> memref<1x128x128xf32, #tpu.memory_space<vmem>>
      %get3A_322 = tpu.memref_squeeze %get3A_321 : memref<1x128x128xf32, #tpu.memory_space<vmem>> -> memref<128x128xf32, #tpu.memory_space<vmem>>
      %get3A_323 = arith.index_cast %add3A_272 : i32 to index
      %get3A_324 = arith.constant 48 : index
      %get3A_325 = tpu.vector_load %get3A_322[%get3A_323, %get3A_324] {strides = array<i32>} : memref<128x128xf32, #tpu.memory_space<vmem>>, vector<16xf32>,
      %get3A_326 = arith.constant 0 : i32
      %get3A_327 = arith.constant 0 : i32
      %get3A_328 = tpu.memref_slice %arg10[%scan3A_92, %get3A_326, %get3A_327] : memref<2x128x128xf32, #tpu.memory_space<vmem>> -> memref<1x128x128xf32, #tpu.memory_space<vmem>>
      %get3A_329 = tpu.memref_squeeze %get3A_328 : memref<1x128x128xf32, #tpu.memory_space<vmem>> -> memref<128x128xf32, #tpu.memory_space<vmem>>
      %get3A_330 = arith.index_cast %add3A_272 : i32 to index
      %get3A_331 = arith.constant 48 : index
      %get3A_332 = tpu.vector_load %get3A_329[%get3A_330, %get3A_331] {strides = array<i32>} : memref<128x128xf32, #tpu.memory_space<vmem>>, vector<16xf32>,
      %mul3A_333 = arith.mulf %get3A_325, %get3A_332 : vector<16xf32>
      %add3A_334 = arith.addf %add3A_318, %mul3A_333 : vector<16xf32>
      %get3A_335 = arith.constant 0 : i32
      %get3A_336 = arith.constant 0 : i32
      %get3A_337 = tpu.memref_slice %arg9[%scan3A_91, %get3A_335, %get3A_336] : memref<2x128x128xf32, #tpu.memory_space<vmem>> -> memref<1x128x128xf32, #tpu.memory_space<vmem>>
      %get3A_338 = tpu.memref_squeeze %get3A_337 : memref<1x128x128xf32, #tpu.memory_space<vmem>> -> memref<128x128xf32, #tpu.memory_space<vmem>>
      %get3A_339 = arith.index_cast %add3A_272 : i32 to index
      %get3A_340 = arith.constant 64 : index
      %get3A_341 = tpu.vector_load %get3A_338[%get3A_339, %get3A_340] {strides = array<i32>} : memref<128x128xf32, #tpu.memory_space<vmem>>, vector<16xf32>,
      %get3A_342 = arith.constant 0 : i32
      %get3A_343 = arith.constant 0 : i32
      %get3A_344 = tpu.memref_slice %arg10[%scan3A_92, %get3A_342, %get3A_343] : memref<2x128x128xf32, #tpu.memory_space<vmem>> -> memref<1x128x128xf32, #tpu.memory_space<vmem>>
      %get3A_345 = tpu.memref_squeeze %get3A_344 : memref<1x128x128xf32, #tpu.memory_space<vmem>> -> memref<128x128xf32, #tpu.memory_space<vmem>>
      %get3A_346 = arith.index_cast %add3A_272 : i32 to index
      %get3A_347 = arith.constant 64 : index
      %get3A_348 = tpu.vector_load %get3A_345[%get3A_346, %get3A_347] {strides = array<i32>} : memref<128x128xf32, #tpu.memory_space<vmem>>, vector<16xf32>,
      %mul3A_349 = arith.mulf %get3A_341, %get3A_348 : vector<16xf32>
      %add3A_350 = arith.addf %add3A_334, %mul3A_349 : vector<16xf32>
      %get3A_351 = arith.constant 0 : i32
      %get3A_352 = arith.constant 0 : i32
      %get3A_353 = tpu.memref_slice %arg9[%scan3A_91, %get3A_351, %get3A_352] : memref<2x128x128xf32, #tpu.memory_space<vmem>> -> memref<1x128x128xf32, #tpu.memory_space<vmem>>
      %get3A_354 = tpu.memref_squeeze %get3A_353 : memref<1x128x128xf32, #tpu.memory_space<vmem>> -> memref<128x128xf32, #tpu.memory_space<vmem>>
      %get3A_355 = arith.index_cast %add3A_272 : i32 to index
      %get3A_356 = arith.constant 80 : index
      %get3A_357 = tpu.vector_load %get3A_354[%get3A_355, %get3A_356] {strides = array<i32>} : memref<128x128xf32, #tpu.memory_space<vmem>>, vector<16xf32>,
      %get3A_358 = arith.constant 0 : i32
      %get3A_359 = arith.constant 0 : i32
      %get3A_360 = tpu.memref_slice %arg10[%scan3A_92, %get3A_358, %get3A_359] : memref<2x128x128xf32, #tpu.memory_space<vmem>> -> memref<1x128x128xf32, #tpu.memory_space<vmem>>
      %get3A_361 = tpu.memref_squeeze %get3A_360 : memref<1x128x128xf32, #tpu.memory_space<vmem>> -> memref<128x128xf32, #tpu.memory_space<vmem>>
      %get3A_362 = arith.index_cast %add3A_272 : i32 to index
      %get3A_363 = arith.constant 80 : index
      %get3A_364 = tpu.vector_load %get3A_361[%get3A_362, %get3A_363] {strides = array<i32>} : memref<128x128xf32, #tpu.memory_space<vmem>>, vector<16xf32>,
      %mul3A_365 = arith.mulf %get3A_357, %get3A_364 : vector<16xf32>
      %add3A_366 = arith.addf %add3A_350, %mul3A_365 : vector<16xf32>
      %get3A_367 = arith.constant 0 : i32
      %get3A_368 = arith.constant 0 : i32
      %get3A_369 = tpu.memref_slice %arg9[%scan3A_91, %get3A_367, %get3A_368] : memref<2x128x128xf32, #tpu.memory_space<vmem>> -> memref<1x128x128xf32, #tpu.memory_space<vmem>>
      %get3A_370 = tpu.memref_squeeze %get3A_369 : memref<1x128x128xf32, #tpu.memory_space<vmem>> -> memref<128x128xf32, #tpu.memory_space<vmem>>
      %get3A_371 = arith.index_cast %add3A_272 : i32 to index
      %get3A_372 = arith.constant 96 : index
      %get3A_373 = tpu.vector_load %get3A_370[%get3A_371, %get3A_372] {strides = array<i32>} : memref<128x128xf32, #tpu.memory_space<vmem>>, vector<16xf32>,
      %get3A_374 = arith.constant 0 : i32
      %get3A_375 = arith.constant 0 : i32
      %get3A_376 = tpu.memref_slice %arg10[%scan3A_92, %get3A_374, %get3A_375] : memref<2x128x128xf32, #tpu.memory_space<vmem>> -> memref<1x128x128xf32, #tpu.memory_space<vmem>>
      %get3A_377 = tpu.memref_squeeze %get3A_376 : memref<1x128x128xf32, #tpu.memory_space<vmem>> -> memref<128x128xf32, #tpu.memory_space<vmem>>
      %get3A_378 = arith.index_cast %add3A_272 : i32 to index
      %get3A_379 = arith.constant 96 : index
      %get3A_380 = tpu.vector_load %get3A_377[%get3A_378, %get3A_379] {strides = array<i32>} : memref<128x128xf32, #tpu.memory_space<vmem>>, vector<16xf32>,
      %mul3A_381 = arith.mulf %get3A_373, %get3A_380 : vector<16xf32>
      %add3A_382 = arith.addf %add3A_366, %mul3A_381 : vector<16xf32>
      %get3A_383 = arith.constant 0 : i32
      %get3A_384 = arith.constant 0 : i32
      %get3A_385 = tpu.memref_slice %arg9[%scan3A_91, %get3A_383, %get3A_384] : memref<2x128x128xf32, #tpu.memory_space<vmem>> -> memref<1x128x128xf32, #tpu.memory_space<vmem>>
      %get3A_386 = tpu.memref_squeeze %get3A_385 : memref<1x128x128xf32, #tpu.memory_space<vmem>> -> memref<128x128xf32, #tpu.memory_space<vmem>>
      %get3A_387 = arith.index_cast %add3A_272 : i32 to index
      %get3A_388 = arith.constant 112 : index
      %get3A_389 = tpu.vector_load %get3A_386[%get3A_387, %get3A_388] {strides = array<i32>} : memref<128x128xf32, #tpu.memory_space<vmem>>, vector<16xf32>,
      %get3A_390 = arith.constant 0 : i32
      %get3A_391 = arith.constant 0 : i32
      %get3A_392 = tpu.memref_slice %arg10[%scan3A_92, %get3A_390, %get3A_391] : memref<2x128x128xf32, #tpu.memory_space<vmem>> -> memref<1x128x128xf32, #tpu.memory_space<vmem>>
      %get3A_393 = tpu.memref_squeeze %get3A_392 : memref<1x128x128xf32, #tpu.memory_space<vmem>> -> memref<128x128xf32, #tpu.memory_space<vmem>>
      %get3A_394 = arith.index_cast %add3A_272 : i32 to index
      %get3A_395 = arith.constant 112 : index
      %get3A_396 = tpu.vector_load %get3A_393[%get3A_394, %get3A_395] {strides = array<i32>} : memref<128x128xf32, #tpu.memory_space<vmem>>, vector<16xf32>,
      %mul3A_397 = arith.mulf %get3A_389, %get3A_396 : vector<16xf32>
      %add3A_398 = arith.addf %add3A_382, %mul3A_397 : vector<16xf32>
      %swap3A = arith.index_cast %add3A_272 : i32 to index
      %swap3A_399 = arith.constant 0 : index
      %swap3A_400 = tpu.vector_load %arg12[%swap3A, %swap3A_399] {strides = array<i32>} : memref<128x17xf32, #tpu.memory_space<vmem>>, vector<16xf32>,
      tpu.vector_store %arg12[%swap3A, %swap3A_399], %add3A_398 {strides = array<i32>} : memref<128x17xf32, #tpu.memory_space<vmem>>, vector<16xf32>,
      %mul3A_401 = arith.constant 2 : i32
      %mul3A_402 = arith.muli %scan3A_268, %mul3A_401 : i32
      %add3A_403 = arith.constant 1 : i32
      %add3A_404 = arith.addi %mul3A_402, %add3A_403 : i32
      %get3A_405 = arith.constant 0 : i32
      %get3A_406 = arith.constant 0 : i32
      %get3A_407 = tpu.memref_slice %arg9[%scan3A_91, %get3A_405, %get3A_406] : memref<2x128x128xf32, #tpu.memory_space<vmem>> -> memref<1x128x128xf32, #tpu.memory_space<vmem>>
      %get3A_408 = tpu.memref_squeeze %get3A_407 : memref<1x128x128xf32, #tpu.memory_space<vmem>> -> memref<128x128xf32, #tpu.memory_space<vmem>>
      %get3A_409 = arith.index_cast %add3A_404 : i32 to index
      %get3A_410 = arith.constant 0 : index
      %get3A_411 = tpu.vector_load %get3A_408[%get3A_409, %get3A_410] {strides = array<i32>} : memref<128x128xf32, #tpu.memory_space<vmem>>, vector<16xf32>,
      %get3A_412 = arith.constant 0 : i32
      %get3A_413 = arith.constant 0 : i32
      %get3A_414 = tpu.memref_slice %arg10[%scan3A_92, %get3A_412, %get3A_413] : memref<2x128x128xf32, #tpu.memory_space<vmem>> -> memref<1x128x128xf32, #tpu.memory_space<vmem>>
      %get3A_415 = tpu.memref_squeeze %get3A_414 : memref<1x128x128xf32, #tpu.memory_space<vmem>> -> memref<128x128xf32, #tpu.memory_space<vmem>>
      %get3A_416 = arith.index_cast %add3A_404 : i32 to index
      %get3A_417 = arith.constant 0 : index
      %get3A_418 = tpu.vector_load %get3A_415[%get3A_416, %get3A_417] {strides = array<i32>} : memref<128x128xf32, #tpu.memory_space<vmem>>, vector<16xf32>,
      %mul3A_419 = arith.mulf %get3A_411, %get3A_418 : vector<16xf32>
      %get3A_420 = arith.constant 0 : i32
      %get3A_421 = arith.constant 0 : i32
      %get3A_422 = tpu.memref_slice %arg9[%scan3A_91, %get3A_420, %get3A_421] : memref<2x128x128xf32, #tpu.memory_space<vmem>> -> memref<1x128x128xf32, #tpu.memory_space<vmem>>
      %get3A_423 = tpu.memref_squeeze %get3A_422 : memref<1x128x128xf32, #tpu.memory_space<vmem>> -> memref<128x128xf32, #tpu.memory_space<vmem>>
      %get3A_424 = arith.index_cast %add3A_404 : i32 to index
      %get3A_425 = arith.constant 16 : index
      %get3A_426 = tpu.vector_load %get3A_423[%get3A_424, %get3A_425] {strides = array<i32>} : memref<128x128xf32, #tpu.memory_space<vmem>>, vector<16xf32>,
      %get3A_427 = arith.constant 0 : i32
      %get3A_428 = arith.constant 0 : i32
      %get3A_429 = tpu.memref_slice %arg10[%scan3A_92, %get3A_427, %get3A_428] : memref<2x128x128xf32, #tpu.memory_space<vmem>> -> memref<1x128x128xf32, #tpu.memory_space<vmem>>
      %get3A_430 = tpu.memref_squeeze %get3A_429 : memref<1x128x128xf32, #tpu.memory_space<vmem>> -> memref<128x128xf32, #tpu.memory_space<vmem>>
      %get3A_431 = arith.index_cast %add3A_404 : i32 to index
      %get3A_432 = arith.constant 16 : index
      %get3A_433 = tpu.vector_load %get3A_430[%get3A_431, %get3A_432] {strides = array<i32>} : memref<128x128xf32, #tpu.memory_space<vmem>>, vector<16xf32>,
      %mul3A_434 = arith.mulf %get3A_426, %get3A_433 : vector<16xf32>
      %add3A_435 = arith.addf %mul3A_419, %mul3A_434 : vector<16xf32>
      %get3A_436 = arith.constant 0 : i32
      %get3A_437 = arith.constant 0 : i32
      %get3A_438 = tpu.memref_slice %arg9[%scan3A_91, %get3A_436, %get3A_437] : memref<2x128x128xf32, #tpu.memory_space<vmem>> -> memref<1x128x128xf32, #tpu.memory_space<vmem>>
      %get3A_439 = tpu.memref_squeeze %get3A_438 : memref<1x128x128xf32, #tpu.memory_space<vmem>> -> memref<128x128xf32, #tpu.memory_space<vmem>>
      %get3A_440 = arith.index_cast %add3A_404 : i32 to index
      %get3A_441 = arith.constant 32 : index
      %get3A_442 = tpu.vector_load %get3A_439[%get3A_440, %get3A_441] {strides = array<i32>} : memref<128x128xf32, #tpu.memory_space<vmem>>, vector<16xf32>,
      %get3A_443 = arith.constant 0 : i32
      %get3A_444 = arith.constant 0 : i32
      %get3A_445 = tpu.memref_slice %arg10[%scan3A_92, %get3A_443, %get3A_444] : memref<2x128x128xf32, #tpu.memory_space<vmem>> -> memref<1x128x128xf32, #tpu.memory_space<vmem>>
      %get3A_446 = tpu.memref_squeeze %get3A_445 : memref<1x128x128xf32, #tpu.memory_space<vmem>> -> memref<128x128xf32, #tpu.memory_space<vmem>>
      %get3A_447 = arith.index_cast %add3A_404 : i32 to index
      %get3A_448 = arith.constant 32 : index
      %get3A_449 = tpu.vector_load %get3A_446[%get3A_447, %get3A_448] {strides = array<i32>} : memref<128x128xf32, #tpu.memory_space<vmem>>, vector<16xf32>,
      %mul3A_450 = arith.mulf %get3A_442, %get3A_449 : vector<16xf32>
      %add3A_451 = arith.addf %add3A_435, %mul3A_450 : vector<16xf32>
      %get3A_452 = arith.constant 0 : i32
      %get3A_453 = arith.constant 0 : i32
      %get3A_454 = tpu.memref_slice %arg9[%scan3A_91, %get3A_452, %get3A_453] : memref<2x128x128xf32, #tpu.memory_space<vmem>> -> memref<1x128x128xf32, #tpu.memory_space<vmem>>
      %get3A_455 = tpu.memref_squeeze %get3A_454 : memref<1x128x128xf32, #tpu.memory_space<vmem>> -> memref<128x128xf32, #tpu.memory_space<vmem>>
      %get3A_456 = arith.index_cast %add3A_404 : i32 to index
      %get3A_457 = arith.constant 48 : index
      %get3A_458 = tpu.vector_load %get3A_455[%get3A_456, %get3A_457] {strides = array<i32>} : memref<128x128xf32, #tpu.memory_space<vmem>>, vector<16xf32>,
      %get3A_459 = arith.constant 0 : i32
      %get3A_460 = arith.constant 0 : i32
      %get3A_461 = tpu.memref_slice %arg10[%scan3A_92, %get3A_459, %get3A_460] : memref<2x128x128xf32, #tpu.memory_space<vmem>> -> memref<1x128x128xf32, #tpu.memory_space<vmem>>
      %get3A_462 = tpu.memref_squeeze %get3A_461 : memref<1x128x128xf32, #tpu.memory_space<vmem>> -> memref<128x128xf32, #tpu.memory_space<vmem>>
      %get3A_463 = arith.index_cast %add3A_404 : i32 to index
      %get3A_464 = arith.constant 48 : index
      %get3A_465 = tpu.vector_load %get3A_462[%get3A_463, %get3A_464] {strides = array<i32>} : memref<128x128xf32, #tpu.memory_space<vmem>>, vector<16xf32>,
      %mul3A_466 = arith.mulf %get3A_458, %get3A_465 : vector<16xf32>
      %add3A_467 = arith.addf %add3A_451, %mul3A_466 : vector<16xf32>
      %get3A_468 = arith.constant 0 : i32
      %get3A_469 = arith.constant 0 : i32
      %get3A_470 = tpu.memref_slice %arg9[%scan3A_91, %get3A_468, %get3A_469] : memref<2x128x128xf32, #tpu.memory_space<vmem>> -> memref<1x128x128xf32, #tpu.memory_space<vmem>>
      %get3A_471 = tpu.memref_squeeze %get3A_470 : memref<1x128x128xf32, #tpu.memory_space<vmem>> -> memref<128x128xf32, #tpu.memory_space<vmem>>
      %get3A_472 = arith.index_cast %add3A_404 : i32 to index
      %get3A_473 = arith.constant 64 : index
      %get3A_474 = tpu.vector_load %get3A_471[%get3A_472, %get3A_473] {strides = array<i32>} : memref<128x128xf32, #tpu.memory_space<vmem>>, vector<16xf32>,
      %get3A_475 = arith.constant 0 : i32
      %get3A_476 = arith.constant 0 : i32
      %get3A_477 = tpu.memref_slice %arg10[%scan3A_92, %get3A_475, %get3A_476] : memref<2x128x128xf32, #tpu.memory_space<vmem>> -> memref<1x128x128xf32, #tpu.memory_space<vmem>>
      %get3A_478 = tpu.memref_squeeze %get3A_477 : memref<1x128x128xf32, #tpu.memory_space<vmem>> -> memref<128x128xf32, #tpu.memory_space<vmem>>
      %get3A_479 = arith.index_cast %add3A_404 : i32 to index
      %get3A_480 = arith.constant 64 : index
      %get3A_481 = tpu.vector_load %get3A_478[%get3A_479, %get3A_480] {strides = array<i32>} : memref<128x128xf32, #tpu.memory_space<vmem>>, vector<16xf32>,
      %mul3A_482 = arith.mulf %get3A_474, %get3A_481 : vector<16xf32>
      %add3A_483 = arith.addf %add3A_467, %mul3A_482 : vector<16xf32>
      %get3A_484 = arith.constant 0 : i32
      %get3A_485 = arith.constant 0 : i32
      %get3A_486 = tpu.memref_slice %arg9[%scan3A_91, %get3A_484, %get3A_485] : memref<2x128x128xf32, #tpu.memory_space<vmem>> -> memref<1x128x128xf32, #tpu.memory_space<vmem>>
      %get3A_487 = tpu.memref_squeeze %get3A_486 : memref<1x128x128xf32, #tpu.memory_space<vmem>> -> memref<128x128xf32, #tpu.memory_space<vmem>>
      %get3A_488 = arith.index_cast %add3A_404 : i32 to index
      %get3A_489 = arith.constant 80 : index
      %get3A_490 = tpu.vector_load %get3A_487[%get3A_488, %get3A_489] {strides = array<i32>} : memref<128x128xf32, #tpu.memory_space<vmem>>, vector<16xf32>,
      %get3A_491 = arith.constant 0 : i32
      %get3A_492 = arith.constant 0 : i32
      %get3A_493 = tpu.memref_slice %arg10[%scan3A_92, %get3A_491, %get3A_492] : memref<2x128x128xf32, #tpu.memory_space<vmem>> -> memref<1x128x128xf32, #tpu.memory_space<vmem>>
      %get3A_494 = tpu.memref_squeeze %get3A_493 : memref<1x128x128xf32, #tpu.memory_space<vmem>> -> memref<128x128xf32, #tpu.memory_space<vmem>>
      %get3A_495 = arith.index_cast %add3A_404 : i32 to index
      %get3A_496 = arith.constant 80 : index
      %get3A_497 = tpu.vector_load %get3A_494[%get3A_495, %get3A_496] {strides = array<i32>} : memref<128x128xf32, #tpu.memory_space<vmem>>, vector<16xf32>,
      %mul3A_498 = arith.mulf %get3A_490, %get3A_497 : vector<16xf32>
      %add3A_499 = arith.addf %add3A_483, %mul3A_498 : vector<16xf32>
      %get3A_500 = arith.constant 0 : i32
      %get3A_501 = arith.constant 0 : i32
      %get3A_502 = tpu.memref_slice %arg9[%scan3A_91, %get3A_500, %get3A_501] : memref<2x128x128xf32, #tpu.memory_space<vmem>> -> memref<1x128x128xf32, #tpu.memory_space<vmem>>
      %get3A_503 = tpu.memref_squeeze %get3A_502 : memref<1x128x128xf32, #tpu.memory_space<vmem>> -> memref<128x128xf32, #tpu.memory_space<vmem>>
      %get3A_504 = arith.index_cast %add3A_404 : i32 to index
      %get3A_505 = arith.constant 96 : index
      %get3A_506 = tpu.vector_load %get3A_503[%get3A_504, %get3A_505] {strides = array<i32>} : memref<128x128xf32, #tpu.memory_space<vmem>>, vector<16xf32>,
      %get3A_507 = arith.constant 0 : i32
      %get3A_508 = arith.constant 0 : i32
      %get3A_509 = tpu.memref_slice %arg10[%scan3A_92, %get3A_507, %get3A_508] : memref<2x128x128xf32, #tpu.memory_space<vmem>> -> memref<1x128x128xf32, #tpu.memory_space<vmem>>
      %get3A_510 = tpu.memref_squeeze %get3A_509 : memref<1x128x128xf32, #tpu.memory_space<vmem>> -> memref<128x128xf32, #tpu.memory_space<vmem>>
      %get3A_511 = arith.index_cast %add3A_404 : i32 to index
      %get3A_512 = arith.constant 96 : index
      %get3A_513 = tpu.vector_load %get3A_510[%get3A_511, %get3A_512] {strides = array<i32>} : memref<128x128xf32, #tpu.memory_space<vmem>>, vector<16xf32>,
      %mul3A_514 = arith.mulf %get3A_506, %get3A_513 : vector<16xf32>
      %add3A_515 = arith.addf %add3A_499, %mul3A_514 : vector<16xf32>
      %get3A_516 = arith.constant 0 : i32
      %get3A_517 = arith.constant 0 : i32
      %get3A_518 = tpu.memref_slice %arg9[%scan3A_91, %get3A_516, %get3A_517] : memref<2x128x128xf32, #tpu.memory_space<vmem>> -> memref<1x128x128xf32, #tpu.memory_space<vmem>>
      %get3A_519 = tpu.memref_squeeze %get3A_518 : memref<1x128x128xf32, #tpu.memory_space<vmem>> -> memref<128x128xf32, #tpu.memory_space<vmem>>
      %get3A_520 = arith.index_cast %add3A_404 : i32 to index
      %get3A_521 = arith.constant 112 : index
      %get3A_522 = tpu.vector_load %get3A_519[%get3A_520, %get3A_521] {strides = array<i32>} : memref<128x128xf32, #tpu.memory_space<vmem>>, vector<16xf32>,
      %get3A_523 = arith.constant 0 : i32
      %get3A_524 = arith.constant 0 : i32
      %get3A_525 = tpu.memref_slice %arg10[%scan3A_92, %get3A_523, %get3A_524] : memref<2x128x128xf32, #tpu.memory_space<vmem>> -> memref<1x128x128xf32, #tpu.memory_space<vmem>>
      %get3A_526 = tpu.memref_squeeze %get3A_525 : memref<1x128x128xf32, #tpu.memory_space<vmem>> -> memref<128x128xf32, #tpu.memory_space<vmem>>
      %get3A_527 = arith.index_cast %add3A_404 : i32 to index
      %get3A_528 = arith.constant 112 : index
      %get3A_529 = tpu.vector_load %get3A_526[%get3A_527, %get3A_528] {strides = array<i32>} : memref<128x128xf32, #tpu.memory_space<vmem>>, vector<16xf32>,
      %mul3A_530 = arith.mulf %get3A_522, %get3A_529 : vector<16xf32>
      %add3A_531 = arith.addf %add3A_515, %mul3A_530 : vector<16xf32>
      %swap3A_532 = arith.index_cast %add3A_404 : i32 to index
      %swap3A_533 = arith.constant 0 : index
      %swap3A_534 = tpu.vector_load %arg12[%swap3A_532, %swap3A_533] {strides = array<i32>} : memref<128x17xf32, #tpu.memory_space<vmem>>, vector<16xf32>,
      tpu.vector_store %arg12[%swap3A_532, %swap3A_533], %add3A_531 {strides = array<i32>} : memref<128x17xf32, #tpu.memory_space<vmem>>, vector<16xf32>,
    }
    %scan3A_97 = arith.constant 64 : i32
    %scan3A_98 = arith.constant 0 : i32
    %scan3A_99 = arith.constant 0 : i32
    %scan3A_100 = arith.constant 8 : i32
    %scan3A_101 = arith.addi %scan3A_99, %scan3A_100 : i32
    %scan3A_102 = arith.constant 1 : i32
    scf.for %scan3A_268 = %scan3A_99 to %scan3A_101 step %scan3A_102  : i32 {
      %mul3A_269 = arith.constant 16 : i32
      %mul3A_270 = arith.muli %scan3A_268, %mul3A_269 : i32
      %add3A_271 = vector.broadcast %mul3A_270 : i32 to vector<16xi32>
      %add3A_272 = arith.addi %iota3A, %add3A_271 : vector<16xi32>
      %broadcast_in_dim3A = arith.constant 0 : i32
      %broadcast_in_dim3A_273 = vector.broadcast %broadcast_in_dim3A : i32 to vector<16xi32>
      %gather3A = tpu.vector_load_idx %arg12[%add3A_272, %broadcast_in_dim3A_273] : memref<128x17xf32, #tpu.memory_space<vmem>>[vector<16xi32>, vector<16xi32>], vector<16xf32>,
      %broadcast_in_dim3A_274 = arith.constant 1 : i32
      %broadcast_in_dim3A_275 = vector.broadcast %broadcast_in_dim3A_274 : i32 to vector<16xi32>
      %gather3A_276 = tpu.vector_load_idx %arg12[%add3A_272, %broadcast_in_dim3A_275] : memref<128x17xf32, #tpu.memory_space<vmem>>[vector<16xi32>, vector<16xi32>], vector<16xf32>,
      %add3A_277 = arith.addf %gather3A, %gather3A_276 : vector<16xf32>
      %broadcast_in_dim3A_278 = arith.constant 2 : i32
      %broadcast_in_dim3A_279 = vector.broadcast %broadcast_in_dim3A_278 : i32 to vector<16xi32>
      %gather3A_280 = tpu.vector_load_idx %arg12[%add3A_272, %broadcast_in_dim3A_279] : memref<128x17xf32, #tpu.memory_space<vmem>>[vector<16xi32>, vector<16xi32>], vector<16xf32>,
      %add3A_281 = arith.addf %add3A_277, %gather3A_280 : vector<16xf32>
      %broadcast_in_dim3A_282 = arith.constant 3 : i32
      %broadcast_in_dim3A_283 = vector.broadcast %broadcast_in_dim3A_282 : i32 to vector<16xi32>
      %gather3A_284 = tpu.vector_load_idx %arg12[%add3A_272, %broadcast_in_dim3A_283] : memref<128x17xf32, #tpu.memory_space<vmem>>[vector<16xi32>, vector<16xi32>], vector<16xf32>,
      %add3A_285 = arith.addf %add3A_281, %gather3A_284 : vector<16xf32>
      %broadcast_in_dim3A_286 = arith.constant 4 : i32
      %broadcast_in_dim3A_287 = vector.broadcast %broadcast_in_dim3A_286 : i32 to vector<16xi32>
      %gather3A_288 = tpu.vector_load_idx %arg12[%add3A_272, %broadcast_in_dim3A_287] : memref<128x17xf32, #tpu.memory_space<vmem>>[vector<16xi32>, vector<16xi32>], vector<16xf32>,
      %add3A_289 = arith.addf %add3A_285, %gather3A_288 : vector<16xf32>
      %broadcast_in_dim3A_290 = arith.constant 5 : i32
      %broadcast_in_dim3A_291 = vector.broadcast %broadcast_in_dim3A_290 : i32 to vector<16xi32>
      %gather3A_292 = tpu.vector_load_idx %arg12[%add3A_272, %broadcast_in_dim3A_291] : memref<128x17xf32, #tpu.memory_space<vmem>>[vector<16xi32>, vector<16xi32>], vector<16xf32>,
      %add3A_293 = arith.addf %add3A_289, %gather3A_292 : vector<16xf32>
      %broadcast_in_dim3A_294 = arith.constant 6 : i32
      %broadcast_in_dim3A_295 = vector.broadcast %broadcast_in_dim3A_294 : i32 to vector<16xi32>
      %gather3A_296 = tpu.vector_load_idx %arg12[%add3A_272, %broadcast_in_dim3A_295] : memref<128x17xf32, #tpu.memory_space<vmem>>[vector<16xi32>, vector<16xi32>], vector<16xf32>,
      %add3A_297 = arith.addf %add3A_293, %gather3A_296 : vector<16xf32>
      %broadcast_in_dim3A_298 = arith.constant 7 : i32
      %broadcast_in_dim3A_299 = vector.broadcast %broadcast_in_dim3A_298 : i32 to vector<16xi32>
      %gather3A_300 = tpu.vector_load_idx %arg12[%add3A_272, %broadcast_in_dim3A_299] : memref<128x17xf32, #tpu.memory_space<vmem>>[vector<16xi32>, vector<16xi32>], vector<16xf32>,
      %add3A_301 = arith.addf %add3A_297, %gather3A_300 : vector<16xf32>
      %broadcast_in_dim3A_302 = arith.constant 8 : i32
      %broadcast_in_dim3A_303 = vector.broadcast %broadcast_in_dim3A_302 : i32 to vector<16xi32>
      %gather3A_304 = tpu.vector_load_idx %arg12[%add3A_272, %broadcast_in_dim3A_303] : memref<128x17xf32, #tpu.memory_space<vmem>>[vector<16xi32>, vector<16xi32>], vector<16xf32>,
      %add3A_305 = arith.addf %add3A_301, %gather3A_304 : vector<16xf32>
      %broadcast_in_dim3A_306 = arith.constant 9 : i32
      %broadcast_in_dim3A_307 = vector.broadcast %broadcast_in_dim3A_306 : i32 to vector<16xi32>
      %gather3A_308 = tpu.vector_load_idx %arg12[%add3A_272, %broadcast_in_dim3A_307] : memref<128x17xf32, #tpu.memory_space<vmem>>[vector<16xi32>, vector<16xi32>], vector<16xf32>,
      %add3A_309 = arith.addf %add3A_305, %gather3A_308 : vector<16xf32>
      %broadcast_in_dim3A_310 = arith.constant 10 : i32
      %broadcast_in_dim3A_311 = vector.broadcast %broadcast_in_dim3A_310 : i32 to vector<16xi32>
      %gather3A_312 = tpu.vector_load_idx %arg12[%add3A_272, %broadcast_in_dim3A_311] : memref<128x17xf32, #tpu.memory_space<vmem>>[vector<16xi32>, vector<16xi32>], vector<16xf32>,
      %add3A_313 = arith.addf %add3A_309, %gather3A_312 : vector<16xf32>
      %broadcast_in_dim3A_314 = arith.constant 11 : i32
      %broadcast_in_dim3A_315 = vector.broadcast %broadcast_in_dim3A_314 : i32 to vector<16xi32>
      %gather3A_316 = tpu.vector_load_idx %arg12[%add3A_272, %broadcast_in_dim3A_315] : memref<128x17xf32, #tpu.memory_space<vmem>>[vector<16xi32>, vector<16xi32>], vector<16xf32>,
      %add3A_317 = arith.addf %add3A_313, %gather3A_316 : vector<16xf32>
      %broadcast_in_dim3A_318 = arith.constant 12 : i32
      %broadcast_in_dim3A_319 = vector.broadcast %broadcast_in_dim3A_318 : i32 to vector<16xi32>
      %gather3A_320 = tpu.vector_load_idx %arg12[%add3A_272, %broadcast_in_dim3A_319] : memref<128x17xf32, #tpu.memory_space<vmem>>[vector<16xi32>, vector<16xi32>], vector<16xf32>,
      %add3A_321 = arith.addf %add3A_317, %gather3A_320 : vector<16xf32>
      %broadcast_in_dim3A_322 = arith.constant 13 : i32
      %broadcast_in_dim3A_323 = vector.broadcast %broadcast_in_dim3A_322 : i32 to vector<16xi32>
      %gather3A_324 = tpu.vector_load_idx %arg12[%add3A_272, %broadcast_in_dim3A_323] : memref<128x17xf32, #tpu.memory_space<vmem>>[vector<16xi32>, vector<16xi32>], vector<16xf32>,
      %add3A_325 = arith.addf %add3A_321, %gather3A_324 : vector<16xf32>
      %broadcast_in_dim3A_326 = arith.constant 14 : i32
      %broadcast_in_dim3A_327 = vector.broadcast %broadcast_in_dim3A_326 : i32 to vector<16xi32>
      %gather3A_328 = tpu.vector_load_idx %arg12[%add3A_272, %broadcast_in_dim3A_327] : memref<128x17xf32, #tpu.memory_space<vmem>>[vector<16xi32>, vector<16xi32>], vector<16xf32>,
      %add3A_329 = arith.addf %add3A_325, %gather3A_328 : vector<16xf32>
      %broadcast_in_dim3A_330 = arith.constant 15 : i32
      %broadcast_in_dim3A_331 = vector.broadcast %broadcast_in_dim3A_330 : i32 to vector<16xi32>
      %gather3A_332 = tpu.vector_load_idx %arg12[%add3A_272, %broadcast_in_dim3A_331] : memref<128x17xf32, #tpu.memory_space<vmem>>[vector<16xi32>, vector<16xi32>], vector<16xf32>,
      %add3A_333 = arith.addf %add3A_329, %gather3A_332 : vector<16xf32>
      %abs3A = math.absf %add3A_333 : vector<16xf32>
      %neg3A = arith.constant 0.000000e+00 : f32
      %neg3A_334 = vector.broadcast %neg3A : f32 to vector<16xf32>
      %neg3A_335 = arith.subf %neg3A_334, %abs3A : vector<16xf32>
      %exp3A = math.exp %neg3A_335 : vector<16xf32>
      %add3A_336 = arith.constant 2.000000e+00 : f32
      %add3A_337 = vector.broadcast %add3A_336 : f32 to vector<16xf32>
      %add3A_338 = arith.addf %exp3A, %add3A_337 : vector<16xf32>
      %div3A = arith.divf %exp3A, %add3A_338 : vector<16xf32>
      %mul3A_339 = arith.mulf %div3A, %div3A : vector<16xf32>
      %mul3A_340 = arith.constant 0.0909090936 : f32
      %mul3A_341 = vector.broadcast %mul3A_340 : f32 to vector<16xf32>
      %mul3A_342 = arith.mulf %mul3A_341, %mul3A_339 : vector<16xf32>
      %add3A_343 = arith.constant 0.111111112 : f32
      %add3A_344 = vector.broadcast %add3A_343 : f32 to vector<16xf32>
      %add3A_345 = arith.addf %mul3A_342, %add3A_344 : vector<16xf32>
      %mul3A_346 = arith.mulf %add3A_345, %mul3A_339 : vector<16xf32>
      %add3A_347 = arith.constant 0.142857149 : f32
      %add3A_348 = vector.broadcast %add3A_347 : f32 to vector<16xf32>
      %add3A_349 = arith.addf %mul3A_346, %add3A_348 : vector<16xf32>
      %mul3A_350 = arith.mulf %add3A_349, %mul3A_339 : vector<16xf32>
      %add3A_351 = arith.constant 2.000000e-01 : f32
      %add3A_352 = vector.broadcast %add3A_351 : f32 to vector<16xf32>
      %add3A_353 = arith.addf %mul3A_350, %add3A_352 : vector<16xf32>
      %mul3A_354 = arith.mulf %add3A_353, %mul3A_339 : vector<16xf32>
      %add3A_355 = arith.constant 0.333333343 : f32
      %add3A_356 = vector.broadcast %add3A_355 : f32 to vector<16xf32>
      %add3A_357 = arith.addf %mul3A_354, %add3A_356 : vector<16xf32>
      %mul3A_358 = arith.mulf %add3A_357, %mul3A_339 : vector<16xf32>
      %add3A_359 = arith.constant 1.000000e+00 : f32
      %add3A_360 = vector.broadcast %add3A_359 : f32 to vector<16xf32>
      %add3A_361 = arith.addf %mul3A_358, %add3A_360 : vector<16xf32>
      %mul3A_362 = arith.constant 2.000000e+00 : f32
      %mul3A_363 = vector.broadcast %mul3A_362 : f32 to vector<16xf32>
      %mul3A_364 = arith.mulf %mul3A_363, %div3A : vector<16xf32>
      %mul3A_365 = arith.mulf %mul3A_364, %add3A_361 : vector<16xf32>
      %min3A = arith.constant 0.000000e+00 : f32
      %min3A_366 = vector.broadcast %min3A : f32 to vector<16xf32>
      %min3A_367 = arith.minimumf %add3A_333, %min3A_366 : vector<16xf32>
      %sub3A = arith.subf %min3A_367, %mul3A_365 : vector<16xf32>
      %mul3A_368 = arith.constant 16 : i32
      %mul3A_369 = arith.muli %scan3A_268, %mul3A_368 : i32
      %add3A_370 = arith.constant 0 : i32
      %add3A_371 = arith.addi %add3A_370, %mul3A_369 : i32
      %swap3A = arith.index_cast %add3A_371 : i32 to index
      %swap3A_372 = tpu.vector_load %arg11[%swap3A] {strides = array<i32>} : memref<512xf32, #tpu.memory_space<vmem>>, vector<16xf32>,
      tpu.vector_store %arg11[%swap3A], %sub3A {strides = array<i32>} : memref<512xf32, #tpu.memory_space<vmem>>, vector<16xf32>,
    }
    %scan3A_103 = arith.constant 8 : i32
    %dma_start3A_104 = arith.constant 2 : i32
    %dma_start3A_105 = arith.constant 0 : i32
    %dma_start3A_106 = arith.constant 0 : i32
    %dma_start3A_107 = arith.constant 0 : i32
    %dma_start3A_108 = tpu.memref_slice %arg9[%dma_start3A_105, %dma_start3A_106, %dma_start3A_107] : memref<2x128x128xf32, #tpu.memory_space<vmem>> -> memref<1x128x128xf32, #tpu.memory_space<vmem>>
    %dma_start3A_109 = tpu.memref_squeeze %dma_start3A_108 : memref<1x128x128xf32, #tpu.memory_space<vmem>> -> memref<128x128xf32, #tpu.memory_space<vmem>>
    %dma_start3A_110 = arith.constant 0 : i32
    %dma_start3A_111 = tpu.memref_slice %arg7[%dma_start3A_104, %dma_start3A_110] : memref<4x128xi32, #tpu.memory_space<vmem>> -> memref<1x128xi32, #tpu.memory_space<vmem>>
    %dma_start3A_112 = tpu.memref_squeeze %dma_start3A_111 : memref<1x128xi32, #tpu.memory_space<vmem>> -> memref<128xi32, #tpu.memory_space<vmem>>
    %dma_start3A_113 = arith.constant 0 : i32
    %dma_start3A_114 = arith.constant 0 : i32
    %dma_start3A_115 = tpu.memref_slice %arg4[%dma_start3A_113, %dma_start3A_114] : memref<100000x128xf32, #tpu.memory_space<hbm>> -> memref<100000x128xf32, #tpu.memory_space<hbm>>
    tpu.enqueue_indirect_dma source(%dma_start3A_115 : memref<100000x128xf32, #tpu.memory_space<hbm>>) target(%dma_start3A_109 : memref<128x128xf32, #tpu.memory_space<vmem>>) offsets(%dma_start3A_112 : memref<128xi32, #tpu.memory_space<vmem>>) semaphore(%arg13 : memref<!tpu.dma_semaphore, #tpu.memory_space<semaphore_mem>>)
    %dma_start3A_116 = arith.constant 2 : i32
    %dma_start3A_117 = arith.constant 0 : i32
    %dma_start3A_118 = arith.constant 0 : i32
    %dma_start3A_119 = arith.constant 0 : i32
    %dma_start3A_120 = tpu.memref_slice %arg10[%dma_start3A_117, %dma_start3A_118, %dma_start3A_119] : memref<2x128x128xf32, #tpu.memory_space<vmem>> -> memref<1x128x128xf32, #tpu.memory_space<vmem>>
    %dma_start3A_121 = tpu.memref_squeeze %dma_start3A_120 : memref<1x128x128xf32, #tpu.memory_space<vmem>> -> memref<128x128xf32, #tpu.memory_space<vmem>>
    %dma_start3A_122 = arith.constant 0 : i32
    %dma_start3A_123 = tpu.memref_slice %arg8[%dma_start3A_116, %dma_start3A_122] : memref<4x128xi32, #tpu.memory_space<vmem>> -> memref<1x128xi32, #tpu.memory_space<vmem>>
    %dma_start3A_124 = tpu.memref_squeeze %dma_start3A_123 : memref<1x128xi32, #tpu.memory_space<vmem>> -> memref<128xi32, #tpu.memory_space<vmem>>
    %dma_start3A_125 = arith.constant 0 : i32
    %dma_start3A_126 = arith.constant 0 : i32
    %dma_start3A_127 = tpu.memref_slice %arg5[%dma_start3A_125, %dma_start3A_126] : memref<100000x128xf32, #tpu.memory_space<hbm>> -> memref<100000x128xf32, #tpu.memory_space<hbm>>
    tpu.enqueue_indirect_dma source(%dma_start3A_127 : memref<100000x128xf32, #tpu.memory_space<hbm>>) target(%dma_start3A_121 : memref<128x128xf32, #tpu.memory_space<vmem>>) offsets(%dma_start3A_124 : memref<128xi32, #tpu.memory_space<vmem>>) semaphore(%arg14 : memref<!tpu.dma_semaphore, #tpu.memory_space<semaphore_mem>>)
    %dma_wait3A_128 = arith.constant 1 : i32
    %dma_wait3A_129 = arith.constant 1 : i32
    %dma_wait3A_130 = arith.constant 0 : i32
    %dma_wait3A_131 = arith.constant 0 : i32
    %dma_wait3A_132 = tpu.memref_slice %arg9[%dma_wait3A_129, %dma_wait3A_130, %dma_wait3A_131] : memref<2x128x128xf32, #tpu.memory_space<vmem>> -> memref<1x128x128xf32, #tpu.memory_space<vmem>>
    %dma_wait3A_133 = tpu.memref_squeeze %dma_wait3A_132 : memref<1x128x128xf32, #tpu.memory_space<vmem>> -> memref<128x128xf32, #tpu.memory_space<vmem>>
    %dma_wait3A_134 = arith.constant 0 : i32
    %dma_wait3A_135 = tpu.memref_slice %arg7[%dma_wait3A_128, %dma_wait3A_134] : memref<4x128xi32, #tpu.memory_space<vmem>> -> memref<1x128xi32, #tpu.memory_space<vmem>>
    %dma_wait3A_136 = tpu.memref_squeeze %dma_wait3A_135 : memref<1x128xi32, #tpu.memory_space<vmem>> -> memref<128xi32, #tpu.memory_space<vmem>>
    %dma_wait3A_137 = arith.constant 0 : i32
    %dma_wait3A_138 = arith.constant 0 : i32
    %dma_wait3A_139 = tpu.memref_slice %arg4[%dma_wait3A_137, %dma_wait3A_138] : memref<100000x128xf32, #tpu.memory_space<hbm>> -> memref<100000x128xf32, #tpu.memory_space<hbm>>
    tpu.wait_indirect_dma semaphore(%arg15 : memref<!tpu.dma_semaphore, #tpu.memory_space<semaphore_mem>>) src(%dma_wait3A_139 : memref<100000x128xf32, #tpu.memory_space<hbm>>) dst(%dma_wait3A_133 : memref<128x128xf32, #tpu.memory_space<vmem>>)
    %dma_wait3A_140 = arith.constant 1 : i32
    %dma_wait3A_141 = arith.constant 1 : i32
    %dma_wait3A_142 = arith.constant 0 : i32
    %dma_wait3A_143 = arith.constant 0 : i32
    %dma_wait3A_144 = tpu.memref_slice %arg10[%dma_wait3A_141, %dma_wait3A_142, %dma_wait3A_143] : memref<2x128x128xf32, #tpu.memory_space<vmem>> -> memref<1x128x128xf32, #tpu.memory_space<vmem>>
    %dma_wait3A_145 = tpu.memref_squeeze %dma_wait3A_144 : memref<1x128x128xf32, #tpu.memory_space<vmem>> -> memref<128x128xf32, #tpu.memory_space<vmem>>
    %dma_wait3A_146 = arith.constant 0 : i32
    %dma_wait3A_147 = tpu.memref_slice %arg8[%dma_wait3A_140, %dma_wait3A_146] : memref<4x128xi32, #tpu.memory_space<vmem>> -> memref<1x128xi32, #tpu.memory_space<vmem>>
    %dma_wait3A_148 = tpu.memref_squeeze %dma_wait3A_147 : memref<1x128xi32, #tpu.memory_space<vmem>> -> memref<128xi32, #tpu.memory_space<vmem>>
    %dma_wait3A_149 = arith.constant 0 : i32
    %dma_wait3A_150 = arith.constant 0 : i32
    %dma_wait3A_151 = tpu.memref_slice %arg5[%dma_wait3A_149, %dma_wait3A_150] : memref<100000x128xf32, #tpu.memory_space<hbm>> -> memref<100000x128xf32, #tpu.memory_space<hbm>>
    tpu.wait_indirect_dma semaphore(%arg16 : memref<!tpu.dma_semaphore, #tpu.memory_space<semaphore_mem>>) src(%dma_wait3A_151 : memref<100000x128xf32, #tpu.memory_space<hbm>>) dst(%dma_wait3A_145 : memref<128x128xf32, #tpu.memory_space<vmem>>)
    %scan3A_152 = arith.constant 0 : i32
    %scan3A_153 = arith.constant 1 : i32
    %scan3A_154 = arith.constant 1 : i32
    %scan3A_155 = arith.constant 0 : i32
    %scan3A_156 = arith.constant 64 : i32
    %scan3A_157 = arith.addi %scan3A_155, %scan3A_156 : i32
    %scan3A_158 = arith.constant 1 : i32
    scf.for %scan3A_268 = %scan3A_155 to %scan3A_157 step %scan3A_158  : i32 {
      %mul3A_269 = arith.constant 2 : i32
      %mul3A_270 = arith.muli %scan3A_268, %mul3A_269 : i32
      %add3A_271 = arith.constant 0 : i32
      %add3A_272 = arith.addi %mul3A_270, %add3A_271 : i32
      %get3A = arith.constant 0 : i32
      %get3A_273 = arith.constant 0 : i32
      %get3A_274 = tpu.memref_slice %arg9[%scan3A_153, %get3A, %get3A_273] : memref<2x128x128xf32, #tpu.memory_space<vmem>> -> memref<1x128x128xf32, #tpu.memory_space<vmem>>
      %get3A_275 = tpu.memref_squeeze %get3A_274 : memref<1x128x128xf32, #tpu.memory_space<vmem>> -> memref<128x128xf32, #tpu.memory_space<vmem>>
      %get3A_276 = arith.index_cast %add3A_272 : i32 to index
      %get3A_277 = arith.constant 0 : index
      %get3A_278 = tpu.vector_load %get3A_275[%get3A_276, %get3A_277] {strides = array<i32>} : memref<128x128xf32, #tpu.memory_space<vmem>>, vector<16xf32>,
      %get3A_279 = arith.constant 0 : i32
      %get3A_280 = arith.constant 0 : i32
      %get3A_281 = tpu.memref_slice %arg10[%scan3A_154, %get3A_279, %get3A_280] : memref<2x128x128xf32, #tpu.memory_space<vmem>> -> memref<1x128x128xf32, #tpu.memory_space<vmem>>
      %get3A_282 = tpu.memref_squeeze %get3A_281 : memref<1x128x128xf32, #tpu.memory_space<vmem>> -> memref<128x128xf32, #tpu.memory_space<vmem>>
      %get3A_283 = arith.index_cast %add3A_272 : i32 to index
      %get3A_284 = arith.constant 0 : index
      %get3A_285 = tpu.vector_load %get3A_282[%get3A_283, %get3A_284] {strides = array<i32>} : memref<128x128xf32, #tpu.memory_space<vmem>>, vector<16xf32>,
      %mul3A_286 = arith.mulf %get3A_278, %get3A_285 : vector<16xf32>
      %get3A_287 = arith.constant 0 : i32
      %get3A_288 = arith.constant 0 : i32
      %get3A_289 = tpu.memref_slice %arg9[%scan3A_153, %get3A_287, %get3A_288] : memref<2x128x128xf32, #tpu.memory_space<vmem>> -> memref<1x128x128xf32, #tpu.memory_space<vmem>>
      %get3A_290 = tpu.memref_squeeze %get3A_289 : memref<1x128x128xf32, #tpu.memory_space<vmem>> -> memref<128x128xf32, #tpu.memory_space<vmem>>
      %get3A_291 = arith.index_cast %add3A_272 : i32 to index
      %get3A_292 = arith.constant 16 : index
      %get3A_293 = tpu.vector_load %get3A_290[%get3A_291, %get3A_292] {strides = array<i32>} : memref<128x128xf32, #tpu.memory_space<vmem>>, vector<16xf32>,
      %get3A_294 = arith.constant 0 : i32
      %get3A_295 = arith.constant 0 : i32
      %get3A_296 = tpu.memref_slice %arg10[%scan3A_154, %get3A_294, %get3A_295] : memref<2x128x128xf32, #tpu.memory_space<vmem>> -> memref<1x128x128xf32, #tpu.memory_space<vmem>>
      %get3A_297 = tpu.memref_squeeze %get3A_296 : memref<1x128x128xf32, #tpu.memory_space<vmem>> -> memref<128x128xf32, #tpu.memory_space<vmem>>
      %get3A_298 = arith.index_cast %add3A_272 : i32 to index
      %get3A_299 = arith.constant 16 : index
      %get3A_300 = tpu.vector_load %get3A_297[%get3A_298, %get3A_299] {strides = array<i32>} : memref<128x128xf32, #tpu.memory_space<vmem>>, vector<16xf32>,
      %mul3A_301 = arith.mulf %get3A_293, %get3A_300 : vector<16xf32>
      %add3A_302 = arith.addf %mul3A_286, %mul3A_301 : vector<16xf32>
      %get3A_303 = arith.constant 0 : i32
      %get3A_304 = arith.constant 0 : i32
      %get3A_305 = tpu.memref_slice %arg9[%scan3A_153, %get3A_303, %get3A_304] : memref<2x128x128xf32, #tpu.memory_space<vmem>> -> memref<1x128x128xf32, #tpu.memory_space<vmem>>
      %get3A_306 = tpu.memref_squeeze %get3A_305 : memref<1x128x128xf32, #tpu.memory_space<vmem>> -> memref<128x128xf32, #tpu.memory_space<vmem>>
      %get3A_307 = arith.index_cast %add3A_272 : i32 to index
      %get3A_308 = arith.constant 32 : index
      %get3A_309 = tpu.vector_load %get3A_306[%get3A_307, %get3A_308] {strides = array<i32>} : memref<128x128xf32, #tpu.memory_space<vmem>>, vector<16xf32>,
      %get3A_310 = arith.constant 0 : i32
      %get3A_311 = arith.constant 0 : i32
      %get3A_312 = tpu.memref_slice %arg10[%scan3A_154, %get3A_310, %get3A_311] : memref<2x128x128xf32, #tpu.memory_space<vmem>> -> memref<1x128x128xf32, #tpu.memory_space<vmem>>
      %get3A_313 = tpu.memref_squeeze %get3A_312 : memref<1x128x128xf32, #tpu.memory_space<vmem>> -> memref<128x128xf32, #tpu.memory_space<vmem>>
      %get3A_314 = arith.index_cast %add3A_272 : i32 to index
      %get3A_315 = arith.constant 32 : index
      %get3A_316 = tpu.vector_load %get3A_313[%get3A_314, %get3A_315] {strides = array<i32>} : memref<128x128xf32, #tpu.memory_space<vmem>>, vector<16xf32>,
      %mul3A_317 = arith.mulf %get3A_309, %get3A_316 : vector<16xf32>
      %add3A_318 = arith.addf %add3A_302, %mul3A_317 : vector<16xf32>
      %get3A_319 = arith.constant 0 : i32
      %get3A_320 = arith.constant 0 : i32
      %get3A_321 = tpu.memref_slice %arg9[%scan3A_153, %get3A_319, %get3A_320] : memref<2x128x128xf32, #tpu.memory_space<vmem>> -> memref<1x128x128xf32, #tpu.memory_space<vmem>>
      %get3A_322 = tpu.memref_squeeze %get3A_321 : memref<1x128x128xf32, #tpu.memory_space<vmem>> -> memref<128x128xf32, #tpu.memory_space<vmem>>
      %get3A_323 = arith.index_cast %add3A_272 : i32 to index
      %get3A_324 = arith.constant 48 : index
      %get3A_325 = tpu.vector_load %get3A_322[%get3A_323, %get3A_324] {strides = array<i32>} : memref<128x128xf32, #tpu.memory_space<vmem>>, vector<16xf32>,
      %get3A_326 = arith.constant 0 : i32
      %get3A_327 = arith.constant 0 : i32
      %get3A_328 = tpu.memref_slice %arg10[%scan3A_154, %get3A_326, %get3A_327] : memref<2x128x128xf32, #tpu.memory_space<vmem>> -> memref<1x128x128xf32, #tpu.memory_space<vmem>>
      %get3A_329 = tpu.memref_squeeze %get3A_328 : memref<1x128x128xf32, #tpu.memory_space<vmem>> -> memref<128x128xf32, #tpu.memory_space<vmem>>
      %get3A_330 = arith.index_cast %add3A_272 : i32 to index
      %get3A_331 = arith.constant 48 : index
      %get3A_332 = tpu.vector_load %get3A_329[%get3A_330, %get3A_331] {strides = array<i32>} : memref<128x128xf32, #tpu.memory_space<vmem>>, vector<16xf32>,
      %mul3A_333 = arith.mulf %get3A_325, %get3A_332 : vector<16xf32>
      %add3A_334 = arith.addf %add3A_318, %mul3A_333 : vector<16xf32>
      %get3A_335 = arith.constant 0 : i32
      %get3A_336 = arith.constant 0 : i32
      %get3A_337 = tpu.memref_slice %arg9[%scan3A_153, %get3A_335, %get3A_336] : memref<2x128x128xf32, #tpu.memory_space<vmem>> -> memref<1x128x128xf32, #tpu.memory_space<vmem>>
      %get3A_338 = tpu.memref_squeeze %get3A_337 : memref<1x128x128xf32, #tpu.memory_space<vmem>> -> memref<128x128xf32, #tpu.memory_space<vmem>>
      %get3A_339 = arith.index_cast %add3A_272 : i32 to index
      %get3A_340 = arith.constant 64 : index
      %get3A_341 = tpu.vector_load %get3A_338[%get3A_339, %get3A_340] {strides = array<i32>} : memref<128x128xf32, #tpu.memory_space<vmem>>, vector<16xf32>,
      %get3A_342 = arith.constant 0 : i32
      %get3A_343 = arith.constant 0 : i32
      %get3A_344 = tpu.memref_slice %arg10[%scan3A_154, %get3A_342, %get3A_343] : memref<2x128x128xf32, #tpu.memory_space<vmem>> -> memref<1x128x128xf32, #tpu.memory_space<vmem>>
      %get3A_345 = tpu.memref_squeeze %get3A_344 : memref<1x128x128xf32, #tpu.memory_space<vmem>> -> memref<128x128xf32, #tpu.memory_space<vmem>>
      %get3A_346 = arith.index_cast %add3A_272 : i32 to index
      %get3A_347 = arith.constant 64 : index
      %get3A_348 = tpu.vector_load %get3A_345[%get3A_346, %get3A_347] {strides = array<i32>} : memref<128x128xf32, #tpu.memory_space<vmem>>, vector<16xf32>,
      %mul3A_349 = arith.mulf %get3A_341, %get3A_348 : vector<16xf32>
      %add3A_350 = arith.addf %add3A_334, %mul3A_349 : vector<16xf32>
      %get3A_351 = arith.constant 0 : i32
      %get3A_352 = arith.constant 0 : i32
      %get3A_353 = tpu.memref_slice %arg9[%scan3A_153, %get3A_351, %get3A_352] : memref<2x128x128xf32, #tpu.memory_space<vmem>> -> memref<1x128x128xf32, #tpu.memory_space<vmem>>
      %get3A_354 = tpu.memref_squeeze %get3A_353 : memref<1x128x128xf32, #tpu.memory_space<vmem>> -> memref<128x128xf32, #tpu.memory_space<vmem>>
      %get3A_355 = arith.index_cast %add3A_272 : i32 to index
      %get3A_356 = arith.constant 80 : index
      %get3A_357 = tpu.vector_load %get3A_354[%get3A_355, %get3A_356] {strides = array<i32>} : memref<128x128xf32, #tpu.memory_space<vmem>>, vector<16xf32>,
      %get3A_358 = arith.constant 0 : i32
      %get3A_359 = arith.constant 0 : i32
      %get3A_360 = tpu.memref_slice %arg10[%scan3A_154, %get3A_358, %get3A_359] : memref<2x128x128xf32, #tpu.memory_space<vmem>> -> memref<1x128x128xf32, #tpu.memory_space<vmem>>
      %get3A_361 = tpu.memref_squeeze %get3A_360 : memref<1x128x128xf32, #tpu.memory_space<vmem>> -> memref<128x128xf32, #tpu.memory_space<vmem>>
      %get3A_362 = arith.index_cast %add3A_272 : i32 to index
      %get3A_363 = arith.constant 80 : index
      %get3A_364 = tpu.vector_load %get3A_361[%get3A_362, %get3A_363] {strides = array<i32>} : memref<128x128xf32, #tpu.memory_space<vmem>>, vector<16xf32>,
      %mul3A_365 = arith.mulf %get3A_357, %get3A_364 : vector<16xf32>
      %add3A_366 = arith.addf %add3A_350, %mul3A_365 : vector<16xf32>
      %get3A_367 = arith.constant 0 : i32
      %get3A_368 = arith.constant 0 : i32
      %get3A_369 = tpu.memref_slice %arg9[%scan3A_153, %get3A_367, %get3A_368] : memref<2x128x128xf32, #tpu.memory_space<vmem>> -> memref<1x128x128xf32, #tpu.memory_space<vmem>>
      %get3A_370 = tpu.memref_squeeze %get3A_369 : memref<1x128x128xf32, #tpu.memory_space<vmem>> -> memref<128x128xf32, #tpu.memory_space<vmem>>
      %get3A_371 = arith.index_cast %add3A_272 : i32 to index
      %get3A_372 = arith.constant 96 : index
      %get3A_373 = tpu.vector_load %get3A_370[%get3A_371, %get3A_372] {strides = array<i32>} : memref<128x128xf32, #tpu.memory_space<vmem>>, vector<16xf32>,
      %get3A_374 = arith.constant 0 : i32
      %get3A_375 = arith.constant 0 : i32
      %get3A_376 = tpu.memref_slice %arg10[%scan3A_154, %get3A_374, %get3A_375] : memref<2x128x128xf32, #tpu.memory_space<vmem>> -> memref<1x128x128xf32, #tpu.memory_space<vmem>>
      %get3A_377 = tpu.memref_squeeze %get3A_376 : memref<1x128x128xf32, #tpu.memory_space<vmem>> -> memref<128x128xf32, #tpu.memory_space<vmem>>
      %get3A_378 = arith.index_cast %add3A_272 : i32 to index
      %get3A_379 = arith.constant 96 : index
      %get3A_380 = tpu.vector_load %get3A_377[%get3A_378, %get3A_379] {strides = array<i32>} : memref<128x128xf32, #tpu.memory_space<vmem>>, vector<16xf32>,
      %mul3A_381 = arith.mulf %get3A_373, %get3A_380 : vector<16xf32>
      %add3A_382 = arith.addf %add3A_366, %mul3A_381 : vector<16xf32>
      %get3A_383 = arith.constant 0 : i32
      %get3A_384 = arith.constant 0 : i32
      %get3A_385 = tpu.memref_slice %arg9[%scan3A_153, %get3A_383, %get3A_384] : memref<2x128x128xf32, #tpu.memory_space<vmem>> -> memref<1x128x128xf32, #tpu.memory_space<vmem>>
      %get3A_386 = tpu.memref_squeeze %get3A_385 : memref<1x128x128xf32, #tpu.memory_space<vmem>> -> memref<128x128xf32, #tpu.memory_space<vmem>>
      %get3A_387 = arith.index_cast %add3A_272 : i32 to index
      %get3A_388 = arith.constant 112 : index
      %get3A_389 = tpu.vector_load %get3A_386[%get3A_387, %get3A_388] {strides = array<i32>} : memref<128x128xf32, #tpu.memory_space<vmem>>, vector<16xf32>,
      %get3A_390 = arith.constant 0 : i32
      %get3A_391 = arith.constant 0 : i32
      %get3A_392 = tpu.memref_slice %arg10[%scan3A_154, %get3A_390, %get3A_391] : memref<2x128x128xf32, #tpu.memory_space<vmem>> -> memref<1x128x128xf32, #tpu.memory_space<vmem>>
      %get3A_393 = tpu.memref_squeeze %get3A_392 : memref<1x128x128xf32, #tpu.memory_space<vmem>> -> memref<128x128xf32, #tpu.memory_space<vmem>>
      %get3A_394 = arith.index_cast %add3A_272 : i32 to index
      %get3A_395 = arith.constant 112 : index
      %get3A_396 = tpu.vector_load %get3A_393[%get3A_394, %get3A_395] {strides = array<i32>} : memref<128x128xf32, #tpu.memory_space<vmem>>, vector<16xf32>,
      %mul3A_397 = arith.mulf %get3A_389, %get3A_396 : vector<16xf32>
      %add3A_398 = arith.addf %add3A_382, %mul3A_397 : vector<16xf32>
      %swap3A = arith.index_cast %add3A_272 : i32 to index
      %swap3A_399 = arith.constant 0 : index
      %swap3A_400 = tpu.vector_load %arg12[%swap3A, %swap3A_399] {strides = array<i32>} : memref<128x17xf32, #tpu.memory_space<vmem>>, vector<16xf32>,
      tpu.vector_store %arg12[%swap3A, %swap3A_399], %add3A_398 {strides = array<i32>} : memref<128x17xf32, #tpu.memory_space<vmem>>, vector<16xf32>,
      %mul3A_401 = arith.constant 2 : i32
      %mul3A_402 = arith.muli %scan3A_268, %mul3A_401 : i32
      %add3A_403 = arith.constant 1 : i32
      %add3A_404 = arith.addi %mul3A_402, %add3A_403 : i32
      %get3A_405 = arith.constant 0 : i32
      %get3A_406 = arith.constant 0 : i32
      %get3A_407 = tpu.memref_slice %arg9[%scan3A_153, %get3A_405, %get3A_406] : memref<2x128x128xf32, #tpu.memory_space<vmem>> -> memref<1x128x128xf32, #tpu.memory_space<vmem>>
      %get3A_408 = tpu.memref_squeeze %get3A_407 : memref<1x128x128xf32, #tpu.memory_space<vmem>> -> memref<128x128xf32, #tpu.memory_space<vmem>>
      %get3A_409 = arith.index_cast %add3A_404 : i32 to index
      %get3A_410 = arith.constant 0 : index
      %get3A_411 = tpu.vector_load %get3A_408[%get3A_409, %get3A_410] {strides = array<i32>} : memref<128x128xf32, #tpu.memory_space<vmem>>, vector<16xf32>,
      %get3A_412 = arith.constant 0 : i32
      %get3A_413 = arith.constant 0 : i32
      %get3A_414 = tpu.memref_slice %arg10[%scan3A_154, %get3A_412, %get3A_413] : memref<2x128x128xf32, #tpu.memory_space<vmem>> -> memref<1x128x128xf32, #tpu.memory_space<vmem>>
      %get3A_415 = tpu.memref_squeeze %get3A_414 : memref<1x128x128xf32, #tpu.memory_space<vmem>> -> memref<128x128xf32, #tpu.memory_space<vmem>>
      %get3A_416 = arith.index_cast %add3A_404 : i32 to index
      %get3A_417 = arith.constant 0 : index
      %get3A_418 = tpu.vector_load %get3A_415[%get3A_416, %get3A_417] {strides = array<i32>} : memref<128x128xf32, #tpu.memory_space<vmem>>, vector<16xf32>,
      %mul3A_419 = arith.mulf %get3A_411, %get3A_418 : vector<16xf32>
      %get3A_420 = arith.constant 0 : i32
      %get3A_421 = arith.constant 0 : i32
      %get3A_422 = tpu.memref_slice %arg9[%scan3A_153, %get3A_420, %get3A_421] : memref<2x128x128xf32, #tpu.memory_space<vmem>> -> memref<1x128x128xf32, #tpu.memory_space<vmem>>
      %get3A_423 = tpu.memref_squeeze %get3A_422 : memref<1x128x128xf32, #tpu.memory_space<vmem>> -> memref<128x128xf32, #tpu.memory_space<vmem>>
      %get3A_424 = arith.index_cast %add3A_404 : i32 to index
      %get3A_425 = arith.constant 16 : index
      %get3A_426 = tpu.vector_load %get3A_423[%get3A_424, %get3A_425] {strides = array<i32>} : memref<128x128xf32, #tpu.memory_space<vmem>>, vector<16xf32>,
      %get3A_427 = arith.constant 0 : i32
      %get3A_428 = arith.constant 0 : i32
      %get3A_429 = tpu.memref_slice %arg10[%scan3A_154, %get3A_427, %get3A_428] : memref<2x128x128xf32, #tpu.memory_space<vmem>> -> memref<1x128x128xf32, #tpu.memory_space<vmem>>
      %get3A_430 = tpu.memref_squeeze %get3A_429 : memref<1x128x128xf32, #tpu.memory_space<vmem>> -> memref<128x128xf32, #tpu.memory_space<vmem>>
      %get3A_431 = arith.index_cast %add3A_404 : i32 to index
      %get3A_432 = arith.constant 16 : index
      %get3A_433 = tpu.vector_load %get3A_430[%get3A_431, %get3A_432] {strides = array<i32>} : memref<128x128xf32, #tpu.memory_space<vmem>>, vector<16xf32>,
      %mul3A_434 = arith.mulf %get3A_426, %get3A_433 : vector<16xf32>
      %add3A_435 = arith.addf %mul3A_419, %mul3A_434 : vector<16xf32>
      %get3A_436 = arith.constant 0 : i32
      %get3A_437 = arith.constant 0 : i32
      %get3A_438 = tpu.memref_slice %arg9[%scan3A_153, %get3A_436, %get3A_437] : memref<2x128x128xf32, #tpu.memory_space<vmem>> -> memref<1x128x128xf32, #tpu.memory_space<vmem>>
      %get3A_439 = tpu.memref_squeeze %get3A_438 : memref<1x128x128xf32, #tpu.memory_space<vmem>> -> memref<128x128xf32, #tpu.memory_space<vmem>>
      %get3A_440 = arith.index_cast %add3A_404 : i32 to index
      %get3A_441 = arith.constant 32 : index
      %get3A_442 = tpu.vector_load %get3A_439[%get3A_440, %get3A_441] {strides = array<i32>} : memref<128x128xf32, #tpu.memory_space<vmem>>, vector<16xf32>,
      %get3A_443 = arith.constant 0 : i32
      %get3A_444 = arith.constant 0 : i32
      %get3A_445 = tpu.memref_slice %arg10[%scan3A_154, %get3A_443, %get3A_444] : memref<2x128x128xf32, #tpu.memory_space<vmem>> -> memref<1x128x128xf32, #tpu.memory_space<vmem>>
      %get3A_446 = tpu.memref_squeeze %get3A_445 : memref<1x128x128xf32, #tpu.memory_space<vmem>> -> memref<128x128xf32, #tpu.memory_space<vmem>>
      %get3A_447 = arith.index_cast %add3A_404 : i32 to index
      %get3A_448 = arith.constant 32 : index
      %get3A_449 = tpu.vector_load %get3A_446[%get3A_447, %get3A_448] {strides = array<i32>} : memref<128x128xf32, #tpu.memory_space<vmem>>, vector<16xf32>,
      %mul3A_450 = arith.mulf %get3A_442, %get3A_449 : vector<16xf32>
      %add3A_451 = arith.addf %add3A_435, %mul3A_450 : vector<16xf32>
      %get3A_452 = arith.constant 0 : i32
      %get3A_453 = arith.constant 0 : i32
      %get3A_454 = tpu.memref_slice %arg9[%scan3A_153, %get3A_452, %get3A_453] : memref<2x128x128xf32, #tpu.memory_space<vmem>> -> memref<1x128x128xf32, #tpu.memory_space<vmem>>
      %get3A_455 = tpu.memref_squeeze %get3A_454 : memref<1x128x128xf32, #tpu.memory_space<vmem>> -> memref<128x128xf32, #tpu.memory_space<vmem>>
      %get3A_456 = arith.index_cast %add3A_404 : i32 to index
      %get3A_457 = arith.constant 48 : index
      %get3A_458 = tpu.vector_load %get3A_455[%get3A_456, %get3A_457] {strides = array<i32>} : memref<128x128xf32, #tpu.memory_space<vmem>>, vector<16xf32>,
      %get3A_459 = arith.constant 0 : i32
      %get3A_460 = arith.constant 0 : i32
      %get3A_461 = tpu.memref_slice %arg10[%scan3A_154, %get3A_459, %get3A_460] : memref<2x128x128xf32, #tpu.memory_space<vmem>> -> memref<1x128x128xf32, #tpu.memory_space<vmem>>
      %get3A_462 = tpu.memref_squeeze %get3A_461 : memref<1x128x128xf32, #tpu.memory_space<vmem>> -> memref<128x128xf32, #tpu.memory_space<vmem>>
      %get3A_463 = arith.index_cast %add3A_404 : i32 to index
      %get3A_464 = arith.constant 48 : index
      %get3A_465 = tpu.vector_load %get3A_462[%get3A_463, %get3A_464] {strides = array<i32>} : memref<128x128xf32, #tpu.memory_space<vmem>>, vector<16xf32>,
      %mul3A_466 = arith.mulf %get3A_458, %get3A_465 : vector<16xf32>
      %add3A_467 = arith.addf %add3A_451, %mul3A_466 : vector<16xf32>
      %get3A_468 = arith.constant 0 : i32
      %get3A_469 = arith.constant 0 : i32
      %get3A_470 = tpu.memref_slice %arg9[%scan3A_153, %get3A_468, %get3A_469] : memref<2x128x128xf32, #tpu.memory_space<vmem>> -> memref<1x128x128xf32, #tpu.memory_space<vmem>>
      %get3A_471 = tpu.memref_squeeze %get3A_470 : memref<1x128x128xf32, #tpu.memory_space<vmem>> -> memref<128x128xf32, #tpu.memory_space<vmem>>
      %get3A_472 = arith.index_cast %add3A_404 : i32 to index
      %get3A_473 = arith.constant 64 : index
      %get3A_474 = tpu.vector_load %get3A_471[%get3A_472, %get3A_473] {strides = array<i32>} : memref<128x128xf32, #tpu.memory_space<vmem>>, vector<16xf32>,
      %get3A_475 = arith.constant 0 : i32
      %get3A_476 = arith.constant 0 : i32
      %get3A_477 = tpu.memref_slice %arg10[%scan3A_154, %get3A_475, %get3A_476] : memref<2x128x128xf32, #tpu.memory_space<vmem>> -> memref<1x128x128xf32, #tpu.memory_space<vmem>>
      %get3A_478 = tpu.memref_squeeze %get3A_477 : memref<1x128x128xf32, #tpu.memory_space<vmem>> -> memref<128x128xf32, #tpu.memory_space<vmem>>
      %get3A_479 = arith.index_cast %add3A_404 : i32 to index
      %get3A_480 = arith.constant 64 : index
      %get3A_481 = tpu.vector_load %get3A_478[%get3A_479, %get3A_480] {strides = array<i32>} : memref<128x128xf32, #tpu.memory_space<vmem>>, vector<16xf32>,
      %mul3A_482 = arith.mulf %get3A_474, %get3A_481 : vector<16xf32>
      %add3A_483 = arith.addf %add3A_467, %mul3A_482 : vector<16xf32>
      %get3A_484 = arith.constant 0 : i32
      %get3A_485 = arith.constant 0 : i32
      %get3A_486 = tpu.memref_slice %arg9[%scan3A_153, %get3A_484, %get3A_485] : memref<2x128x128xf32, #tpu.memory_space<vmem>> -> memref<1x128x128xf32, #tpu.memory_space<vmem>>
      %get3A_487 = tpu.memref_squeeze %get3A_486 : memref<1x128x128xf32, #tpu.memory_space<vmem>> -> memref<128x128xf32, #tpu.memory_space<vmem>>
      %get3A_488 = arith.index_cast %add3A_404 : i32 to index
      %get3A_489 = arith.constant 80 : index
      %get3A_490 = tpu.vector_load %get3A_487[%get3A_488, %get3A_489] {strides = array<i32>} : memref<128x128xf32, #tpu.memory_space<vmem>>, vector<16xf32>,
      %get3A_491 = arith.constant 0 : i32
      %get3A_492 = arith.constant 0 : i32
      %get3A_493 = tpu.memref_slice %arg10[%scan3A_154, %get3A_491, %get3A_492] : memref<2x128x128xf32, #tpu.memory_space<vmem>> -> memref<1x128x128xf32, #tpu.memory_space<vmem>>
      %get3A_494 = tpu.memref_squeeze %get3A_493 : memref<1x128x128xf32, #tpu.memory_space<vmem>> -> memref<128x128xf32, #tpu.memory_space<vmem>>
      %get3A_495 = arith.index_cast %add3A_404 : i32 to index
      %get3A_496 = arith.constant 80 : index
      %get3A_497 = tpu.vector_load %get3A_494[%get3A_495, %get3A_496] {strides = array<i32>} : memref<128x128xf32, #tpu.memory_space<vmem>>, vector<16xf32>,
      %mul3A_498 = arith.mulf %get3A_490, %get3A_497 : vector<16xf32>
      %add3A_499 = arith.addf %add3A_483, %mul3A_498 : vector<16xf32>
      %get3A_500 = arith.constant 0 : i32
      %get3A_501 = arith.constant 0 : i32
      %get3A_502 = tpu.memref_slice %arg9[%scan3A_153, %get3A_500, %get3A_501] : memref<2x128x128xf32, #tpu.memory_space<vmem>> -> memref<1x128x128xf32, #tpu.memory_space<vmem>>
      %get3A_503 = tpu.memref_squeeze %get3A_502 : memref<1x128x128xf32, #tpu.memory_space<vmem>> -> memref<128x128xf32, #tpu.memory_space<vmem>>
      %get3A_504 = arith.index_cast %add3A_404 : i32 to index
      %get3A_505 = arith.constant 96 : index
      %get3A_506 = tpu.vector_load %get3A_503[%get3A_504, %get3A_505] {strides = array<i32>} : memref<128x128xf32, #tpu.memory_space<vmem>>, vector<16xf32>,
      %get3A_507 = arith.constant 0 : i32
      %get3A_508 = arith.constant 0 : i32
      %get3A_509 = tpu.memref_slice %arg10[%scan3A_154, %get3A_507, %get3A_508] : memref<2x128x128xf32, #tpu.memory_space<vmem>> -> memref<1x128x128xf32, #tpu.memory_space<vmem>>
      %get3A_510 = tpu.memref_squeeze %get3A_509 : memref<1x128x128xf32, #tpu.memory_space<vmem>> -> memref<128x128xf32, #tpu.memory_space<vmem>>
      %get3A_511 = arith.index_cast %add3A_404 : i32 to index
      %get3A_512 = arith.constant 96 : index
      %get3A_513 = tpu.vector_load %get3A_510[%get3A_511, %get3A_512] {strides = array<i32>} : memref<128x128xf32, #tpu.memory_space<vmem>>, vector<16xf32>,
      %mul3A_514 = arith.mulf %get3A_506, %get3A_513 : vector<16xf32>
      %add3A_515 = arith.addf %add3A_499, %mul3A_514 : vector<16xf32>
      %get3A_516 = arith.constant 0 : i32
      %get3A_517 = arith.constant 0 : i32
      %get3A_518 = tpu.memref_slice %arg9[%scan3A_153, %get3A_516, %get3A_517] : memref<2x128x128xf32, #tpu.memory_space<vmem>> -> memref<1x128x128xf32, #tpu.memory_space<vmem>>
      %get3A_519 = tpu.memref_squeeze %get3A_518 : memref<1x128x128xf32, #tpu.memory_space<vmem>> -> memref<128x128xf32, #tpu.memory_space<vmem>>
      %get3A_520 = arith.index_cast %add3A_404 : i32 to index
      %get3A_521 = arith.constant 112 : index
      %get3A_522 = tpu.vector_load %get3A_519[%get3A_520, %get3A_521] {strides = array<i32>} : memref<128x128xf32, #tpu.memory_space<vmem>>, vector<16xf32>,
      %get3A_523 = arith.constant 0 : i32
      %get3A_524 = arith.constant 0 : i32
      %get3A_525 = tpu.memref_slice %arg10[%scan3A_154, %get3A_523, %get3A_524] : memref<2x128x128xf32, #tpu.memory_space<vmem>> -> memref<1x128x128xf32, #tpu.memory_space<vmem>>
      %get3A_526 = tpu.memref_squeeze %get3A_525 : memref<1x128x128xf32, #tpu.memory_space<vmem>> -> memref<128x128xf32, #tpu.memory_space<vmem>>
      %get3A_527 = arith.index_cast %add3A_404 : i32 to index
      %get3A_528 = arith.constant 112 : index
      %get3A_529 = tpu.vector_load %get3A_526[%get3A_527, %get3A_528] {strides = array<i32>} : memref<128x128xf32, #tpu.memory_space<vmem>>, vector<16xf32>,
      %mul3A_530 = arith.mulf %get3A_522, %get3A_529 : vector<16xf32>
      %add3A_531 = arith.addf %add3A_515, %mul3A_530 : vector<16xf32>
      %swap3A_532 = arith.index_cast %add3A_404 : i32 to index
      %swap3A_533 = arith.constant 0 : index
      %swap3A_534 = tpu.vector_load %arg12[%swap3A_532, %swap3A_533] {strides = array<i32>} : memref<128x17xf32, #tpu.memory_space<vmem>>, vector<16xf32>,
      tpu.vector_store %arg12[%swap3A_532, %swap3A_533], %add3A_531 {strides = array<i32>} : memref<128x17xf32, #tpu.memory_space<vmem>>, vector<16xf32>,
    }
    %scan3A_159 = arith.constant 64 : i32
    %scan3A_160 = arith.constant 0 : i32
    %scan3A_161 = arith.constant 0 : i32
    %scan3A_162 = arith.constant 8 : i32
    %scan3A_163 = arith.addi %scan3A_161, %scan3A_162 : i32
    %scan3A_164 = arith.constant 1 : i32
    scf.for %scan3A_268 = %scan3A_161 to %scan3A_163 step %scan3A_164  : i32 {
      %mul3A_269 = arith.constant 16 : i32
      %mul3A_270 = arith.muli %scan3A_268, %mul3A_269 : i32
      %add3A_271 = vector.broadcast %mul3A_270 : i32 to vector<16xi32>
      %add3A_272 = arith.addi %iota3A, %add3A_271 : vector<16xi32>
      %broadcast_in_dim3A = arith.constant 0 : i32
      %broadcast_in_dim3A_273 = vector.broadcast %broadcast_in_dim3A : i32 to vector<16xi32>
      %gather3A = tpu.vector_load_idx %arg12[%add3A_272, %broadcast_in_dim3A_273] : memref<128x17xf32, #tpu.memory_space<vmem>>[vector<16xi32>, vector<16xi32>], vector<16xf32>,
      %broadcast_in_dim3A_274 = arith.constant 1 : i32
      %broadcast_in_dim3A_275 = vector.broadcast %broadcast_in_dim3A_274 : i32 to vector<16xi32>
      %gather3A_276 = tpu.vector_load_idx %arg12[%add3A_272, %broadcast_in_dim3A_275] : memref<128x17xf32, #tpu.memory_space<vmem>>[vector<16xi32>, vector<16xi32>], vector<16xf32>,
      %add3A_277 = arith.addf %gather3A, %gather3A_276 : vector<16xf32>
      %broadcast_in_dim3A_278 = arith.constant 2 : i32
      %broadcast_in_dim3A_279 = vector.broadcast %broadcast_in_dim3A_278 : i32 to vector<16xi32>
      %gather3A_280 = tpu.vector_load_idx %arg12[%add3A_272, %broadcast_in_dim3A_279] : memref<128x17xf32, #tpu.memory_space<vmem>>[vector<16xi32>, vector<16xi32>], vector<16xf32>,
      %add3A_281 = arith.addf %add3A_277, %gather3A_280 : vector<16xf32>
      %broadcast_in_dim3A_282 = arith.constant 3 : i32
      %broadcast_in_dim3A_283 = vector.broadcast %broadcast_in_dim3A_282 : i32 to vector<16xi32>
      %gather3A_284 = tpu.vector_load_idx %arg12[%add3A_272, %broadcast_in_dim3A_283] : memref<128x17xf32, #tpu.memory_space<vmem>>[vector<16xi32>, vector<16xi32>], vector<16xf32>,
      %add3A_285 = arith.addf %add3A_281, %gather3A_284 : vector<16xf32>
      %broadcast_in_dim3A_286 = arith.constant 4 : i32
      %broadcast_in_dim3A_287 = vector.broadcast %broadcast_in_dim3A_286 : i32 to vector<16xi32>
      %gather3A_288 = tpu.vector_load_idx %arg12[%add3A_272, %broadcast_in_dim3A_287] : memref<128x17xf32, #tpu.memory_space<vmem>>[vector<16xi32>, vector<16xi32>], vector<16xf32>,
      %add3A_289 = arith.addf %add3A_285, %gather3A_288 : vector<16xf32>
      %broadcast_in_dim3A_290 = arith.constant 5 : i32
      %broadcast_in_dim3A_291 = vector.broadcast %broadcast_in_dim3A_290 : i32 to vector<16xi32>
      %gather3A_292 = tpu.vector_load_idx %arg12[%add3A_272, %broadcast_in_dim3A_291] : memref<128x17xf32, #tpu.memory_space<vmem>>[vector<16xi32>, vector<16xi32>], vector<16xf32>,
      %add3A_293 = arith.addf %add3A_289, %gather3A_292 : vector<16xf32>
      %broadcast_in_dim3A_294 = arith.constant 6 : i32
      %broadcast_in_dim3A_295 = vector.broadcast %broadcast_in_dim3A_294 : i32 to vector<16xi32>
      %gather3A_296 = tpu.vector_load_idx %arg12[%add3A_272, %broadcast_in_dim3A_295] : memref<128x17xf32, #tpu.memory_space<vmem>>[vector<16xi32>, vector<16xi32>], vector<16xf32>,
      %add3A_297 = arith.addf %add3A_293, %gather3A_296 : vector<16xf32>
      %broadcast_in_dim3A_298 = arith.constant 7 : i32
      %broadcast_in_dim3A_299 = vector.broadcast %broadcast_in_dim3A_298 : i32 to vector<16xi32>
      %gather3A_300 = tpu.vector_load_idx %arg12[%add3A_272, %broadcast_in_dim3A_299] : memref<128x17xf32, #tpu.memory_space<vmem>>[vector<16xi32>, vector<16xi32>], vector<16xf32>,
      %add3A_301 = arith.addf %add3A_297, %gather3A_300 : vector<16xf32>
      %broadcast_in_dim3A_302 = arith.constant 8 : i32
      %broadcast_in_dim3A_303 = vector.broadcast %broadcast_in_dim3A_302 : i32 to vector<16xi32>
      %gather3A_304 = tpu.vector_load_idx %arg12[%add3A_272, %broadcast_in_dim3A_303] : memref<128x17xf32, #tpu.memory_space<vmem>>[vector<16xi32>, vector<16xi32>], vector<16xf32>,
      %add3A_305 = arith.addf %add3A_301, %gather3A_304 : vector<16xf32>
      %broadcast_in_dim3A_306 = arith.constant 9 : i32
      %broadcast_in_dim3A_307 = vector.broadcast %broadcast_in_dim3A_306 : i32 to vector<16xi32>
      %gather3A_308 = tpu.vector_load_idx %arg12[%add3A_272, %broadcast_in_dim3A_307] : memref<128x17xf32, #tpu.memory_space<vmem>>[vector<16xi32>, vector<16xi32>], vector<16xf32>,
      %add3A_309 = arith.addf %add3A_305, %gather3A_308 : vector<16xf32>
      %broadcast_in_dim3A_310 = arith.constant 10 : i32
      %broadcast_in_dim3A_311 = vector.broadcast %broadcast_in_dim3A_310 : i32 to vector<16xi32>
      %gather3A_312 = tpu.vector_load_idx %arg12[%add3A_272, %broadcast_in_dim3A_311] : memref<128x17xf32, #tpu.memory_space<vmem>>[vector<16xi32>, vector<16xi32>], vector<16xf32>,
      %add3A_313 = arith.addf %add3A_309, %gather3A_312 : vector<16xf32>
      %broadcast_in_dim3A_314 = arith.constant 11 : i32
      %broadcast_in_dim3A_315 = vector.broadcast %broadcast_in_dim3A_314 : i32 to vector<16xi32>
      %gather3A_316 = tpu.vector_load_idx %arg12[%add3A_272, %broadcast_in_dim3A_315] : memref<128x17xf32, #tpu.memory_space<vmem>>[vector<16xi32>, vector<16xi32>], vector<16xf32>,
      %add3A_317 = arith.addf %add3A_313, %gather3A_316 : vector<16xf32>
      %broadcast_in_dim3A_318 = arith.constant 12 : i32
      %broadcast_in_dim3A_319 = vector.broadcast %broadcast_in_dim3A_318 : i32 to vector<16xi32>
      %gather3A_320 = tpu.vector_load_idx %arg12[%add3A_272, %broadcast_in_dim3A_319] : memref<128x17xf32, #tpu.memory_space<vmem>>[vector<16xi32>, vector<16xi32>], vector<16xf32>,
      %add3A_321 = arith.addf %add3A_317, %gather3A_320 : vector<16xf32>
      %broadcast_in_dim3A_322 = arith.constant 13 : i32
      %broadcast_in_dim3A_323 = vector.broadcast %broadcast_in_dim3A_322 : i32 to vector<16xi32>
      %gather3A_324 = tpu.vector_load_idx %arg12[%add3A_272, %broadcast_in_dim3A_323] : memref<128x17xf32, #tpu.memory_space<vmem>>[vector<16xi32>, vector<16xi32>], vector<16xf32>,
      %add3A_325 = arith.addf %add3A_321, %gather3A_324 : vector<16xf32>
      %broadcast_in_dim3A_326 = arith.constant 14 : i32
      %broadcast_in_dim3A_327 = vector.broadcast %broadcast_in_dim3A_326 : i32 to vector<16xi32>
      %gather3A_328 = tpu.vector_load_idx %arg12[%add3A_272, %broadcast_in_dim3A_327] : memref<128x17xf32, #tpu.memory_space<vmem>>[vector<16xi32>, vector<16xi32>], vector<16xf32>,
      %add3A_329 = arith.addf %add3A_325, %gather3A_328 : vector<16xf32>
      %broadcast_in_dim3A_330 = arith.constant 15 : i32
      %broadcast_in_dim3A_331 = vector.broadcast %broadcast_in_dim3A_330 : i32 to vector<16xi32>
      %gather3A_332 = tpu.vector_load_idx %arg12[%add3A_272, %broadcast_in_dim3A_331] : memref<128x17xf32, #tpu.memory_space<vmem>>[vector<16xi32>, vector<16xi32>], vector<16xf32>,
      %add3A_333 = arith.addf %add3A_329, %gather3A_332 : vector<16xf32>
      %abs3A = math.absf %add3A_333 : vector<16xf32>
      %neg3A = arith.constant 0.000000e+00 : f32
      %neg3A_334 = vector.broadcast %neg3A : f32 to vector<16xf32>
      %neg3A_335 = arith.subf %neg3A_334, %abs3A : vector<16xf32>
      %exp3A = math.exp %neg3A_335 : vector<16xf32>
      %add3A_336 = arith.constant 2.000000e+00 : f32
      %add3A_337 = vector.broadcast %add3A_336 : f32 to vector<16xf32>
      %add3A_338 = arith.addf %exp3A, %add3A_337 : vector<16xf32>
      %div3A = arith.divf %exp3A, %add3A_338 : vector<16xf32>
      %mul3A_339 = arith.mulf %div3A, %div3A : vector<16xf32>
      %mul3A_340 = arith.constant 0.0909090936 : f32
      %mul3A_341 = vector.broadcast %mul3A_340 : f32 to vector<16xf32>
      %mul3A_342 = arith.mulf %mul3A_341, %mul3A_339 : vector<16xf32>
      %add3A_343 = arith.constant 0.111111112 : f32
      %add3A_344 = vector.broadcast %add3A_343 : f32 to vector<16xf32>
      %add3A_345 = arith.addf %mul3A_342, %add3A_344 : vector<16xf32>
      %mul3A_346 = arith.mulf %add3A_345, %mul3A_339 : vector<16xf32>
      %add3A_347 = arith.constant 0.142857149 : f32
      %add3A_348 = vector.broadcast %add3A_347 : f32 to vector<16xf32>
      %add3A_349 = arith.addf %mul3A_346, %add3A_348 : vector<16xf32>
      %mul3A_350 = arith.mulf %add3A_349, %mul3A_339 : vector<16xf32>
      %add3A_351 = arith.constant 2.000000e-01 : f32
      %add3A_352 = vector.broadcast %add3A_351 : f32 to vector<16xf32>
      %add3A_353 = arith.addf %mul3A_350, %add3A_352 : vector<16xf32>
      %mul3A_354 = arith.mulf %add3A_353, %mul3A_339 : vector<16xf32>
      %add3A_355 = arith.constant 0.333333343 : f32
      %add3A_356 = vector.broadcast %add3A_355 : f32 to vector<16xf32>
      %add3A_357 = arith.addf %mul3A_354, %add3A_356 : vector<16xf32>
      %mul3A_358 = arith.mulf %add3A_357, %mul3A_339 : vector<16xf32>
      %add3A_359 = arith.constant 1.000000e+00 : f32
      %add3A_360 = vector.broadcast %add3A_359 : f32 to vector<16xf32>
      %add3A_361 = arith.addf %mul3A_358, %add3A_360 : vector<16xf32>
      %mul3A_362 = arith.constant 2.000000e+00 : f32
      %mul3A_363 = vector.broadcast %mul3A_362 : f32 to vector<16xf32>
      %mul3A_364 = arith.mulf %mul3A_363, %div3A : vector<16xf32>
      %mul3A_365 = arith.mulf %mul3A_364, %add3A_361 : vector<16xf32>
      %min3A = arith.constant 0.000000e+00 : f32
      %min3A_366 = vector.broadcast %min3A : f32 to vector<16xf32>
      %min3A_367 = arith.minimumf %add3A_333, %min3A_366 : vector<16xf32>
      %sub3A = arith.subf %min3A_367, %mul3A_365 : vector<16xf32>
      %mul3A_368 = arith.constant 16 : i32
      %mul3A_369 = arith.muli %scan3A_268, %mul3A_368 : i32
      %add3A_370 = arith.constant 128 : i32
      %add3A_371 = arith.addi %add3A_370, %mul3A_369 : i32
      %swap3A = arith.index_cast %add3A_371 : i32 to index
      %swap3A_372 = tpu.vector_load %arg11[%swap3A] {strides = array<i32>} : memref<512xf32, #tpu.memory_space<vmem>>, vector<16xf32>,
      tpu.vector_store %arg11[%swap3A], %sub3A {strides = array<i32>} : memref<512xf32, #tpu.memory_space<vmem>>, vector<16xf32>,
    }
    %scan3A_165 = arith.constant 8 : i32
    %dma_start3A_166 = arith.constant 3 : i32
    %dma_start3A_167 = arith.constant 1 : i32
    %dma_start3A_168 = arith.constant 0 : i32
    %dma_start3A_169 = arith.constant 0 : i32
    %dma_start3A_170 = tpu.memref_slice %arg9[%dma_start3A_167, %dma_start3A_168, %dma_start3A_169] : memref<2x128x128xf32, #tpu.memory_space<vmem>> -> memref<1x128x128xf32, #tpu.memory_space<vmem>>
    %dma_start3A_171 = tpu.memref_squeeze %dma_start3A_170 : memref<1x128x128xf32, #tpu.memory_space<vmem>> -> memref<128x128xf32, #tpu.memory_space<vmem>>
    %dma_start3A_172 = arith.constant 0 : i32
    %dma_start3A_173 = tpu.memref_slice %arg7[%dma_start3A_166, %dma_start3A_172] : memref<4x128xi32, #tpu.memory_space<vmem>> -> memref<1x128xi32, #tpu.memory_space<vmem>>
    %dma_start3A_174 = tpu.memref_squeeze %dma_start3A_173 : memref<1x128xi32, #tpu.memory_space<vmem>> -> memref<128xi32, #tpu.memory_space<vmem>>
    %dma_start3A_175 = arith.constant 0 : i32
    %dma_start3A_176 = arith.constant 0 : i32
    %dma_start3A_177 = tpu.memref_slice %arg4[%dma_start3A_175, %dma_start3A_176] : memref<100000x128xf32, #tpu.memory_space<hbm>> -> memref<100000x128xf32, #tpu.memory_space<hbm>>
    tpu.enqueue_indirect_dma source(%dma_start3A_177 : memref<100000x128xf32, #tpu.memory_space<hbm>>) target(%dma_start3A_171 : memref<128x128xf32, #tpu.memory_space<vmem>>) offsets(%dma_start3A_174 : memref<128xi32, #tpu.memory_space<vmem>>) semaphore(%arg15 : memref<!tpu.dma_semaphore, #tpu.memory_space<semaphore_mem>>)
    %dma_start3A_178 = arith.constant 3 : i32
    %dma_start3A_179 = arith.constant 1 : i32
    %dma_start3A_180 = arith.constant 0 : i32
    %dma_start3A_181 = arith.constant 0 : i32
    %dma_start3A_182 = tpu.memref_slice %arg10[%dma_start3A_179, %dma_start3A_180, %dma_start3A_181] : memref<2x128x128xf32, #tpu.memory_space<vmem>> -> memref<1x128x128xf32, #tpu.memory_space<vmem>>
    %dma_start3A_183 = tpu.memref_squeeze %dma_start3A_182 : memref<1x128x128xf32, #tpu.memory_space<vmem>> -> memref<128x128xf32, #tpu.memory_space<vmem>>
    %dma_start3A_184 = arith.constant 0 : i32
    %dma_start3A_185 = tpu.memref_slice %arg8[%dma_start3A_178, %dma_start3A_184] : memref<4x128xi32, #tpu.memory_space<vmem>> -> memref<1x128xi32, #tpu.memory_space<vmem>>
    %dma_start3A_186 = tpu.memref_squeeze %dma_start3A_185 : memref<1x128xi32, #tpu.memory_space<vmem>> -> memref<128xi32, #tpu.memory_space<vmem>>
    %dma_start3A_187 = arith.constant 0 : i32
    %dma_start3A_188 = arith.constant 0 : i32
    %dma_start3A_189 = tpu.memref_slice %arg5[%dma_start3A_187, %dma_start3A_188] : memref<100000x128xf32, #tpu.memory_space<hbm>> -> memref<100000x128xf32, #tpu.memory_space<hbm>>
    tpu.enqueue_indirect_dma source(%dma_start3A_189 : memref<100000x128xf32, #tpu.memory_space<hbm>>) target(%dma_start3A_183 : memref<128x128xf32, #tpu.memory_space<vmem>>) offsets(%dma_start3A_186 : memref<128xi32, #tpu.memory_space<vmem>>) semaphore(%arg16 : memref<!tpu.dma_semaphore, #tpu.memory_space<semaphore_mem>>)
    %dma_wait3A_190 = arith.constant 2 : i32
    %dma_wait3A_191 = arith.constant 0 : i32
    %dma_wait3A_192 = arith.constant 0 : i32
    %dma_wait3A_193 = arith.constant 0 : i32
    %dma_wait3A_194 = tpu.memref_slice %arg9[%dma_wait3A_191, %dma_wait3A_192, %dma_wait3A_193] : memref<2x128x128xf32, #tpu.memory_space<vmem>> -> memref<1x128x128xf32, #tpu.memory_space<vmem>>
    %dma_wait3A_195 = tpu.memref_squeeze %dma_wait3A_194 : memref<1x128x128xf32, #tpu.memory_space<vmem>> -> memref<128x128xf32, #tpu.memory_space<vmem>>
    %dma_wait3A_196 = arith.constant 0 : i32
    %dma_wait3A_197 = tpu.memref_slice %arg7[%dma_wait3A_190, %dma_wait3A_196] : memref<4x128xi32, #tpu.memory_space<vmem>> -> memref<1x128xi32, #tpu.memory_space<vmem>>
    %dma_wait3A_198 = tpu.memref_squeeze %dma_wait3A_197 : memref<1x128xi32, #tpu.memory_space<vmem>> -> memref<128xi32, #tpu.memory_space<vmem>>
    %dma_wait3A_199 = arith.constant 0 : i32
    %dma_wait3A_200 = arith.constant 0 : i32
    %dma_wait3A_201 = tpu.memref_slice %arg4[%dma_wait3A_199, %dma_wait3A_200] : memref<100000x128xf32, #tpu.memory_space<hbm>> -> memref<100000x128xf32, #tpu.memory_space<hbm>>
    tpu.wait_indirect_dma semaphore(%arg13 : memref<!tpu.dma_semaphore, #tpu.memory_space<semaphore_mem>>) src(%dma_wait3A_201 : memref<100000x128xf32, #tpu.memory_space<hbm>>) dst(%dma_wait3A_195 : memref<128x128xf32, #tpu.memory_space<vmem>>)
    %dma_wait3A_202 = arith.constant 2 : i32
    %dma_wait3A_203 = arith.constant 0 : i32
    %dma_wait3A_204 = arith.constant 0 : i32
    %dma_wait3A_205 = arith.constant 0 : i32
    %dma_wait3A_206 = tpu.memref_slice %arg10[%dma_wait3A_203, %dma_wait3A_204, %dma_wait3A_205] : memref<2x128x128xf32, #tpu.memory_space<vmem>> -> memref<1x128x128xf32, #tpu.memory_space<vmem>>
    %dma_wait3A_207 = tpu.memref_squeeze %dma_wait3A_206 : memref<1x128x128xf32, #tpu.memory_space<vmem>> -> memref<128x128xf32, #tpu.memory_space<vmem>>
    %dma_wait3A_208 = arith.constant 0 : i32
    %dma_wait3A_209 = tpu.memref_slice %arg8[%dma_wait3A_202, %dma_wait3A_208] : memref<4x128xi32, #tpu.memory_space<vmem>> -> memref<1x128xi32, #tpu.memory_space<vmem>>
    %dma_wait3A_210 = tpu.memref_squeeze %dma_wait3A_209 : memref<1x128xi32, #tpu.memory_space<vmem>> -> memref<128xi32, #tpu.memory_space<vmem>>
    %dma_wait3A_211 = arith.constant 0 : i32
    %dma_wait3A_212 = arith.constant 0 : i32
    %dma_wait3A_213 = tpu.memref_slice %arg5[%dma_wait3A_211, %dma_wait3A_212] : memref<100000x128xf32, #tpu.memory_space<hbm>> -> memref<100000x128xf32, #tpu.memory_space<hbm>>
    tpu.wait_indirect_dma semaphore(%arg14 : memref<!tpu.dma_semaphore, #tpu.memory_space<semaphore_mem>>) src(%dma_wait3A_213 : memref<100000x128xf32, #tpu.memory_space<hbm>>) dst(%dma_wait3A_207 : memref<128x128xf32, #tpu.memory_space<vmem>>)
    %scan3A_214 = arith.constant 0 : i32
    %scan3A_215 = arith.constant 0 : i32
    %scan3A_216 = arith.constant 0 : i32
    %scan3A_217 = arith.constant 0 : i32
    %scan3A_218 = arith.constant 64 : i32
    %scan3A_219 = arith.addi %scan3A_217, %scan3A_218 : i32
    %scan3A_220 = arith.constant 1 : i32
    scf.for %scan3A_268 = %scan3A_217 to %scan3A_219 step %scan3A_220  : i32 {
      %mul3A_269 = arith.constant 2 : i32
      %mul3A_270 = arith.muli %scan3A_268, %mul3A_269 : i32
      %add3A_271 = arith.constant 0 : i32
      %add3A_272 = arith.addi %mul3A_270, %add3A_271 : i32
      %get3A = arith.constant 0 : i32
      %get3A_273 = arith.constant 0 : i32
      %get3A_274 = tpu.memref_slice %arg9[%scan3A_215, %get3A, %get3A_273] : memref<2x128x128xf32, #tpu.memory_space<vmem>> -> memref<1x128x128xf32, #tpu.memory_space<vmem>>
      %get3A_275 = tpu.memref_squeeze %get3A_274 : memref<1x128x128xf32, #tpu.memory_space<vmem>> -> memref<128x128xf32, #tpu.memory_space<vmem>>
      %get3A_276 = arith.index_cast %add3A_272 : i32 to index
      %get3A_277 = arith.constant 0 : index
      %get3A_278 = tpu.vector_load %get3A_275[%get3A_276, %get3A_277] {strides = array<i32>} : memref<128x128xf32, #tpu.memory_space<vmem>>, vector<16xf32>,
      %get3A_279 = arith.constant 0 : i32
      %get3A_280 = arith.constant 0 : i32
      %get3A_281 = tpu.memref_slice %arg10[%scan3A_216, %get3A_279, %get3A_280] : memref<2x128x128xf32, #tpu.memory_space<vmem>> -> memref<1x128x128xf32, #tpu.memory_space<vmem>>
      %get3A_282 = tpu.memref_squeeze %get3A_281 : memref<1x128x128xf32, #tpu.memory_space<vmem>> -> memref<128x128xf32, #tpu.memory_space<vmem>>
      %get3A_283 = arith.index_cast %add3A_272 : i32 to index
      %get3A_284 = arith.constant 0 : index
      %get3A_285 = tpu.vector_load %get3A_282[%get3A_283, %get3A_284] {strides = array<i32>} : memref<128x128xf32, #tpu.memory_space<vmem>>, vector<16xf32>,
      %mul3A_286 = arith.mulf %get3A_278, %get3A_285 : vector<16xf32>
      %get3A_287 = arith.constant 0 : i32
      %get3A_288 = arith.constant 0 : i32
      %get3A_289 = tpu.memref_slice %arg9[%scan3A_215, %get3A_287, %get3A_288] : memref<2x128x128xf32, #tpu.memory_space<vmem>> -> memref<1x128x128xf32, #tpu.memory_space<vmem>>
      %get3A_290 = tpu.memref_squeeze %get3A_289 : memref<1x128x128xf32, #tpu.memory_space<vmem>> -> memref<128x128xf32, #tpu.memory_space<vmem>>
      %get3A_291 = arith.index_cast %add3A_272 : i32 to index
      %get3A_292 = arith.constant 16 : index
      %get3A_293 = tpu.vector_load %get3A_290[%get3A_291, %get3A_292] {strides = array<i32>} : memref<128x128xf32, #tpu.memory_space<vmem>>, vector<16xf32>,
      %get3A_294 = arith.constant 0 : i32
      %get3A_295 = arith.constant 0 : i32
      %get3A_296 = tpu.memref_slice %arg10[%scan3A_216, %get3A_294, %get3A_295] : memref<2x128x128xf32, #tpu.memory_space<vmem>> -> memref<1x128x128xf32, #tpu.memory_space<vmem>>
      %get3A_297 = tpu.memref_squeeze %get3A_296 : memref<1x128x128xf32, #tpu.memory_space<vmem>> -> memref<128x128xf32, #tpu.memory_space<vmem>>
      %get3A_298 = arith.index_cast %add3A_272 : i32 to index
      %get3A_299 = arith.constant 16 : index
      %get3A_300 = tpu.vector_load %get3A_297[%get3A_298, %get3A_299] {strides = array<i32>} : memref<128x128xf32, #tpu.memory_space<vmem>>, vector<16xf32>,
      %mul3A_301 = arith.mulf %get3A_293, %get3A_300 : vector<16xf32>
      %add3A_302 = arith.addf %mul3A_286, %mul3A_301 : vector<16xf32>
      %get3A_303 = arith.constant 0 : i32
      %get3A_304 = arith.constant 0 : i32
      %get3A_305 = tpu.memref_slice %arg9[%scan3A_215, %get3A_303, %get3A_304] : memref<2x128x128xf32, #tpu.memory_space<vmem>> -> memref<1x128x128xf32, #tpu.memory_space<vmem>>
      %get3A_306 = tpu.memref_squeeze %get3A_305 : memref<1x128x128xf32, #tpu.memory_space<vmem>> -> memref<128x128xf32, #tpu.memory_space<vmem>>
      %get3A_307 = arith.index_cast %add3A_272 : i32 to index
      %get3A_308 = arith.constant 32 : index
      %get3A_309 = tpu.vector_load %get3A_306[%get3A_307, %get3A_308] {strides = array<i32>} : memref<128x128xf32, #tpu.memory_space<vmem>>, vector<16xf32>,
      %get3A_310 = arith.constant 0 : i32
      %get3A_311 = arith.constant 0 : i32
      %get3A_312 = tpu.memref_slice %arg10[%scan3A_216, %get3A_310, %get3A_311] : memref<2x128x128xf32, #tpu.memory_space<vmem>> -> memref<1x128x128xf32, #tpu.memory_space<vmem>>
      %get3A_313 = tpu.memref_squeeze %get3A_312 : memref<1x128x128xf32, #tpu.memory_space<vmem>> -> memref<128x128xf32, #tpu.memory_space<vmem>>
      %get3A_314 = arith.index_cast %add3A_272 : i32 to index
      %get3A_315 = arith.constant 32 : index
      %get3A_316 = tpu.vector_load %get3A_313[%get3A_314, %get3A_315] {strides = array<i32>} : memref<128x128xf32, #tpu.memory_space<vmem>>, vector<16xf32>,
      %mul3A_317 = arith.mulf %get3A_309, %get3A_316 : vector<16xf32>
      %add3A_318 = arith.addf %add3A_302, %mul3A_317 : vector<16xf32>
      %get3A_319 = arith.constant 0 : i32
      %get3A_320 = arith.constant 0 : i32
      %get3A_321 = tpu.memref_slice %arg9[%scan3A_215, %get3A_319, %get3A_320] : memref<2x128x128xf32, #tpu.memory_space<vmem>> -> memref<1x128x128xf32, #tpu.memory_space<vmem>>
      %get3A_322 = tpu.memref_squeeze %get3A_321 : memref<1x128x128xf32, #tpu.memory_space<vmem>> -> memref<128x128xf32, #tpu.memory_space<vmem>>
      %get3A_323 = arith.index_cast %add3A_272 : i32 to index
      %get3A_324 = arith.constant 48 : index
      %get3A_325 = tpu.vector_load %get3A_322[%get3A_323, %get3A_324] {strides = array<i32>} : memref<128x128xf32, #tpu.memory_space<vmem>>, vector<16xf32>,
      %get3A_326 = arith.constant 0 : i32
      %get3A_327 = arith.constant 0 : i32
      %get3A_328 = tpu.memref_slice %arg10[%scan3A_216, %get3A_326, %get3A_327] : memref<2x128x128xf32, #tpu.memory_space<vmem>> -> memref<1x128x128xf32, #tpu.memory_space<vmem>>
      %get3A_329 = tpu.memref_squeeze %get3A_328 : memref<1x128x128xf32, #tpu.memory_space<vmem>> -> memref<128x128xf32, #tpu.memory_space<vmem>>
      %get3A_330 = arith.index_cast %add3A_272 : i32 to index
      %get3A_331 = arith.constant 48 : index
      %get3A_332 = tpu.vector_load %get3A_329[%get3A_330, %get3A_331] {strides = array<i32>} : memref<128x128xf32, #tpu.memory_space<vmem>>, vector<16xf32>,
      %mul3A_333 = arith.mulf %get3A_325, %get3A_332 : vector<16xf32>
      %add3A_334 = arith.addf %add3A_318, %mul3A_333 : vector<16xf32>
      %get3A_335 = arith.constant 0 : i32
      %get3A_336 = arith.constant 0 : i32
      %get3A_337 = tpu.memref_slice %arg9[%scan3A_215, %get3A_335, %get3A_336] : memref<2x128x128xf32, #tpu.memory_space<vmem>> -> memref<1x128x128xf32, #tpu.memory_space<vmem>>
      %get3A_338 = tpu.memref_squeeze %get3A_337 : memref<1x128x128xf32, #tpu.memory_space<vmem>> -> memref<128x128xf32, #tpu.memory_space<vmem>>
      %get3A_339 = arith.index_cast %add3A_272 : i32 to index
      %get3A_340 = arith.constant 64 : index
      %get3A_341 = tpu.vector_load %get3A_338[%get3A_339, %get3A_340] {strides = array<i32>} : memref<128x128xf32, #tpu.memory_space<vmem>>, vector<16xf32>,
      %get3A_342 = arith.constant 0 : i32
      %get3A_343 = arith.constant 0 : i32
      %get3A_344 = tpu.memref_slice %arg10[%scan3A_216, %get3A_342, %get3A_343] : memref<2x128x128xf32, #tpu.memory_space<vmem>> -> memref<1x128x128xf32, #tpu.memory_space<vmem>>
      %get3A_345 = tpu.memref_squeeze %get3A_344 : memref<1x128x128xf32, #tpu.memory_space<vmem>> -> memref<128x128xf32, #tpu.memory_space<vmem>>
      %get3A_346 = arith.index_cast %add3A_272 : i32 to index
      %get3A_347 = arith.constant 64 : index
      %get3A_348 = tpu.vector_load %get3A_345[%get3A_346, %get3A_347] {strides = array<i32>} : memref<128x128xf32, #tpu.memory_space<vmem>>, vector<16xf32>,
      %mul3A_349 = arith.mulf %get3A_341, %get3A_348 : vector<16xf32>
      %add3A_350 = arith.addf %add3A_334, %mul3A_349 : vector<16xf32>
      %get3A_351 = arith.constant 0 : i32
      %get3A_352 = arith.constant 0 : i32
      %get3A_353 = tpu.memref_slice %arg9[%scan3A_215, %get3A_351, %get3A_352] : memref<2x128x128xf32, #tpu.memory_space<vmem>> -> memref<1x128x128xf32, #tpu.memory_space<vmem>>
      %get3A_354 = tpu.memref_squeeze %get3A_353 : memref<1x128x128xf32, #tpu.memory_space<vmem>> -> memref<128x128xf32, #tpu.memory_space<vmem>>
      %get3A_355 = arith.index_cast %add3A_272 : i32 to index
      %get3A_356 = arith.constant 80 : index
      %get3A_357 = tpu.vector_load %get3A_354[%get3A_355, %get3A_356] {strides = array<i32>} : memref<128x128xf32, #tpu.memory_space<vmem>>, vector<16xf32>,
      %get3A_358 = arith.constant 0 : i32
      %get3A_359 = arith.constant 0 : i32
      %get3A_360 = tpu.memref_slice %arg10[%scan3A_216, %get3A_358, %get3A_359] : memref<2x128x128xf32, #tpu.memory_space<vmem>> -> memref<1x128x128xf32, #tpu.memory_space<vmem>>
      %get3A_361 = tpu.memref_squeeze %get3A_360 : memref<1x128x128xf32, #tpu.memory_space<vmem>> -> memref<128x128xf32, #tpu.memory_space<vmem>>
      %get3A_362 = arith.index_cast %add3A_272 : i32 to index
      %get3A_363 = arith.constant 80 : index
      %get3A_364 = tpu.vector_load %get3A_361[%get3A_362, %get3A_363] {strides = array<i32>} : memref<128x128xf32, #tpu.memory_space<vmem>>, vector<16xf32>,
      %mul3A_365 = arith.mulf %get3A_357, %get3A_364 : vector<16xf32>
      %add3A_366 = arith.addf %add3A_350, %mul3A_365 : vector<16xf32>
      %get3A_367 = arith.constant 0 : i32
      %get3A_368 = arith.constant 0 : i32
      %get3A_369 = tpu.memref_slice %arg9[%scan3A_215, %get3A_367, %get3A_368] : memref<2x128x128xf32, #tpu.memory_space<vmem>> -> memref<1x128x128xf32, #tpu.memory_space<vmem>>
      %get3A_370 = tpu.memref_squeeze %get3A_369 : memref<1x128x128xf32, #tpu.memory_space<vmem>> -> memref<128x128xf32, #tpu.memory_space<vmem>>
      %get3A_371 = arith.index_cast %add3A_272 : i32 to index
      %get3A_372 = arith.constant 96 : index
      %get3A_373 = tpu.vector_load %get3A_370[%get3A_371, %get3A_372] {strides = array<i32>} : memref<128x128xf32, #tpu.memory_space<vmem>>, vector<16xf32>,
      %get3A_374 = arith.constant 0 : i32
      %get3A_375 = arith.constant 0 : i32
      %get3A_376 = tpu.memref_slice %arg10[%scan3A_216, %get3A_374, %get3A_375] : memref<2x128x128xf32, #tpu.memory_space<vmem>> -> memref<1x128x128xf32, #tpu.memory_space<vmem>>
      %get3A_377 = tpu.memref_squeeze %get3A_376 : memref<1x128x128xf32, #tpu.memory_space<vmem>> -> memref<128x128xf32, #tpu.memory_space<vmem>>
      %get3A_378 = arith.index_cast %add3A_272 : i32 to index
      %get3A_379 = arith.constant 96 : index
      %get3A_380 = tpu.vector_load %get3A_377[%get3A_378, %get3A_379] {strides = array<i32>} : memref<128x128xf32, #tpu.memory_space<vmem>>, vector<16xf32>,
      %mul3A_381 = arith.mulf %get3A_373, %get3A_380 : vector<16xf32>
      %add3A_382 = arith.addf %add3A_366, %mul3A_381 : vector<16xf32>
      %get3A_383 = arith.constant 0 : i32
      %get3A_384 = arith.constant 0 : i32
      %get3A_385 = tpu.memref_slice %arg9[%scan3A_215, %get3A_383, %get3A_384] : memref<2x128x128xf32, #tpu.memory_space<vmem>> -> memref<1x128x128xf32, #tpu.memory_space<vmem>>
      %get3A_386 = tpu.memref_squeeze %get3A_385 : memref<1x128x128xf32, #tpu.memory_space<vmem>> -> memref<128x128xf32, #tpu.memory_space<vmem>>
      %get3A_387 = arith.index_cast %add3A_272 : i32 to index
      %get3A_388 = arith.constant 112 : index
      %get3A_389 = tpu.vector_load %get3A_386[%get3A_387, %get3A_388] {strides = array<i32>} : memref<128x128xf32, #tpu.memory_space<vmem>>, vector<16xf32>,
      %get3A_390 = arith.constant 0 : i32
      %get3A_391 = arith.constant 0 : i32
      %get3A_392 = tpu.memref_slice %arg10[%scan3A_216, %get3A_390, %get3A_391] : memref<2x128x128xf32, #tpu.memory_space<vmem>> -> memref<1x128x128xf32, #tpu.memory_space<vmem>>
      %get3A_393 = tpu.memref_squeeze %get3A_392 : memref<1x128x128xf32, #tpu.memory_space<vmem>> -> memref<128x128xf32, #tpu.memory_space<vmem>>
      %get3A_394 = arith.index_cast %add3A_272 : i32 to index
      %get3A_395 = arith.constant 112 : index
      %get3A_396 = tpu.vector_load %get3A_393[%get3A_394, %get3A_395] {strides = array<i32>} : memref<128x128xf32, #tpu.memory_space<vmem>>, vector<16xf32>,
      %mul3A_397 = arith.mulf %get3A_389, %get3A_396 : vector<16xf32>
      %add3A_398 = arith.addf %add3A_382, %mul3A_397 : vector<16xf32>
      %swap3A = arith.index_cast %add3A_272 : i32 to index
      %swap3A_399 = arith.constant 0 : index
      %swap3A_400 = tpu.vector_load %arg12[%swap3A, %swap3A_399] {strides = array<i32>} : memref<128x17xf32, #tpu.memory_space<vmem>>, vector<16xf32>,
      tpu.vector_store %arg12[%swap3A, %swap3A_399], %add3A_398 {strides = array<i32>} : memref<128x17xf32, #tpu.memory_space<vmem>>, vector<16xf32>,
      %mul3A_401 = arith.constant 2 : i32
      %mul3A_402 = arith.muli %scan3A_268, %mul3A_401 : i32
      %add3A_403 = arith.constant 1 : i32
      %add3A_404 = arith.addi %mul3A_402, %add3A_403 : i32
      %get3A_405 = arith.constant 0 : i32
      %get3A_406 = arith.constant 0 : i32
      %get3A_407 = tpu.memref_slice %arg9[%scan3A_215, %get3A_405, %get3A_406] : memref<2x128x128xf32, #tpu.memory_space<vmem>> -> memref<1x128x128xf32, #tpu.memory_space<vmem>>
      %get3A_408 = tpu.memref_squeeze %get3A_407 : memref<1x128x128xf32, #tpu.memory_space<vmem>> -> memref<128x128xf32, #tpu.memory_space<vmem>>
      %get3A_409 = arith.index_cast %add3A_404 : i32 to index
      %get3A_410 = arith.constant 0 : index
      %get3A_411 = tpu.vector_load %get3A_408[%get3A_409, %get3A_410] {strides = array<i32>} : memref<128x128xf32, #tpu.memory_space<vmem>>, vector<16xf32>,
      %get3A_412 = arith.constant 0 : i32
      %get3A_413 = arith.constant 0 : i32
      %get3A_414 = tpu.memref_slice %arg10[%scan3A_216, %get3A_412, %get3A_413] : memref<2x128x128xf32, #tpu.memory_space<vmem>> -> memref<1x128x128xf32, #tpu.memory_space<vmem>>
      %get3A_415 = tpu.memref_squeeze %get3A_414 : memref<1x128x128xf32, #tpu.memory_space<vmem>> -> memref<128x128xf32, #tpu.memory_space<vmem>>
      %get3A_416 = arith.index_cast %add3A_404 : i32 to index
      %get3A_417 = arith.constant 0 : index
      %get3A_418 = tpu.vector_load %get3A_415[%get3A_416, %get3A_417] {strides = array<i32>} : memref<128x128xf32, #tpu.memory_space<vmem>>, vector<16xf32>,
      %mul3A_419 = arith.mulf %get3A_411, %get3A_418 : vector<16xf32>
      %get3A_420 = arith.constant 0 : i32
      %get3A_421 = arith.constant 0 : i32
      %get3A_422 = tpu.memref_slice %arg9[%scan3A_215, %get3A_420, %get3A_421] : memref<2x128x128xf32, #tpu.memory_space<vmem>> -> memref<1x128x128xf32, #tpu.memory_space<vmem>>
      %get3A_423 = tpu.memref_squeeze %get3A_422 : memref<1x128x128xf32, #tpu.memory_space<vmem>> -> memref<128x128xf32, #tpu.memory_space<vmem>>
      %get3A_424 = arith.index_cast %add3A_404 : i32 to index
      %get3A_425 = arith.constant 16 : index
      %get3A_426 = tpu.vector_load %get3A_423[%get3A_424, %get3A_425] {strides = array<i32>} : memref<128x128xf32, #tpu.memory_space<vmem>>, vector<16xf32>,
      %get3A_427 = arith.constant 0 : i32
      %get3A_428 = arith.constant 0 : i32
      %get3A_429 = tpu.memref_slice %arg10[%scan3A_216, %get3A_427, %get3A_428] : memref<2x128x128xf32, #tpu.memory_space<vmem>> -> memref<1x128x128xf32, #tpu.memory_space<vmem>>
      %get3A_430 = tpu.memref_squeeze %get3A_429 : memref<1x128x128xf32, #tpu.memory_space<vmem>> -> memref<128x128xf32, #tpu.memory_space<vmem>>
      %get3A_431 = arith.index_cast %add3A_404 : i32 to index
      %get3A_432 = arith.constant 16 : index
      %get3A_433 = tpu.vector_load %get3A_430[%get3A_431, %get3A_432] {strides = array<i32>} : memref<128x128xf32, #tpu.memory_space<vmem>>, vector<16xf32>,
      %mul3A_434 = arith.mulf %get3A_426, %get3A_433 : vector<16xf32>
      %add3A_435 = arith.addf %mul3A_419, %mul3A_434 : vector<16xf32>
      %get3A_436 = arith.constant 0 : i32
      %get3A_437 = arith.constant 0 : i32
      %get3A_438 = tpu.memref_slice %arg9[%scan3A_215, %get3A_436, %get3A_437] : memref<2x128x128xf32, #tpu.memory_space<vmem>> -> memref<1x128x128xf32, #tpu.memory_space<vmem>>
      %get3A_439 = tpu.memref_squeeze %get3A_438 : memref<1x128x128xf32, #tpu.memory_space<vmem>> -> memref<128x128xf32, #tpu.memory_space<vmem>>
      %get3A_440 = arith.index_cast %add3A_404 : i32 to index
      %get3A_441 = arith.constant 32 : index
      %get3A_442 = tpu.vector_load %get3A_439[%get3A_440, %get3A_441] {strides = array<i32>} : memref<128x128xf32, #tpu.memory_space<vmem>>, vector<16xf32>,
      %get3A_443 = arith.constant 0 : i32
      %get3A_444 = arith.constant 0 : i32
      %get3A_445 = tpu.memref_slice %arg10[%scan3A_216, %get3A_443, %get3A_444] : memref<2x128x128xf32, #tpu.memory_space<vmem>> -> memref<1x128x128xf32, #tpu.memory_space<vmem>>
      %get3A_446 = tpu.memref_squeeze %get3A_445 : memref<1x128x128xf32, #tpu.memory_space<vmem>> -> memref<128x128xf32, #tpu.memory_space<vmem>>
      %get3A_447 = arith.index_cast %add3A_404 : i32 to index
      %get3A_448 = arith.constant 32 : index
      %get3A_449 = tpu.vector_load %get3A_446[%get3A_447, %get3A_448] {strides = array<i32>} : memref<128x128xf32, #tpu.memory_space<vmem>>, vector<16xf32>,
      %mul3A_450 = arith.mulf %get3A_442, %get3A_449 : vector<16xf32>
      %add3A_451 = arith.addf %add3A_435, %mul3A_450 : vector<16xf32>
      %get3A_452 = arith.constant 0 : i32
      %get3A_453 = arith.constant 0 : i32
      %get3A_454 = tpu.memref_slice %arg9[%scan3A_215, %get3A_452, %get3A_453] : memref<2x128x128xf32, #tpu.memory_space<vmem>> -> memref<1x128x128xf32, #tpu.memory_space<vmem>>
      %get3A_455 = tpu.memref_squeeze %get3A_454 : memref<1x128x128xf32, #tpu.memory_space<vmem>> -> memref<128x128xf32, #tpu.memory_space<vmem>>
      %get3A_456 = arith.index_cast %add3A_404 : i32 to index
      %get3A_457 = arith.constant 48 : index
      %get3A_458 = tpu.vector_load %get3A_455[%get3A_456, %get3A_457] {strides = array<i32>} : memref<128x128xf32, #tpu.memory_space<vmem>>, vector<16xf32>,
      %get3A_459 = arith.constant 0 : i32
      %get3A_460 = arith.constant 0 : i32
      %get3A_461 = tpu.memref_slice %arg10[%scan3A_216, %get3A_459, %get3A_460] : memref<2x128x128xf32, #tpu.memory_space<vmem>> -> memref<1x128x128xf32, #tpu.memory_space<vmem>>
      %get3A_462 = tpu.memref_squeeze %get3A_461 : memref<1x128x128xf32, #tpu.memory_space<vmem>> -> memref<128x128xf32, #tpu.memory_space<vmem>>
      %get3A_463 = arith.index_cast %add3A_404 : i32 to index
      %get3A_464 = arith.constant 48 : index
      %get3A_465 = tpu.vector_load %get3A_462[%get3A_463, %get3A_464] {strides = array<i32>} : memref<128x128xf32, #tpu.memory_space<vmem>>, vector<16xf32>,
      %mul3A_466 = arith.mulf %get3A_458, %get3A_465 : vector<16xf32>
      %add3A_467 = arith.addf %add3A_451, %mul3A_466 : vector<16xf32>
      %get3A_468 = arith.constant 0 : i32
      %get3A_469 = arith.constant 0 : i32
      %get3A_470 = tpu.memref_slice %arg9[%scan3A_215, %get3A_468, %get3A_469] : memref<2x128x128xf32, #tpu.memory_space<vmem>> -> memref<1x128x128xf32, #tpu.memory_space<vmem>>
      %get3A_471 = tpu.memref_squeeze %get3A_470 : memref<1x128x128xf32, #tpu.memory_space<vmem>> -> memref<128x128xf32, #tpu.memory_space<vmem>>
      %get3A_472 = arith.index_cast %add3A_404 : i32 to index
      %get3A_473 = arith.constant 64 : index
      %get3A_474 = tpu.vector_load %get3A_471[%get3A_472, %get3A_473] {strides = array<i32>} : memref<128x128xf32, #tpu.memory_space<vmem>>, vector<16xf32>,
      %get3A_475 = arith.constant 0 : i32
      %get3A_476 = arith.constant 0 : i32
      %get3A_477 = tpu.memref_slice %arg10[%scan3A_216, %get3A_475, %get3A_476] : memref<2x128x128xf32, #tpu.memory_space<vmem>> -> memref<1x128x128xf32, #tpu.memory_space<vmem>>
      %get3A_478 = tpu.memref_squeeze %get3A_477 : memref<1x128x128xf32, #tpu.memory_space<vmem>> -> memref<128x128xf32, #tpu.memory_space<vmem>>
      %get3A_479 = arith.index_cast %add3A_404 : i32 to index
      %get3A_480 = arith.constant 64 : index
      %get3A_481 = tpu.vector_load %get3A_478[%get3A_479, %get3A_480] {strides = array<i32>} : memref<128x128xf32, #tpu.memory_space<vmem>>, vector<16xf32>,
      %mul3A_482 = arith.mulf %get3A_474, %get3A_481 : vector<16xf32>
      %add3A_483 = arith.addf %add3A_467, %mul3A_482 : vector<16xf32>
      %get3A_484 = arith.constant 0 : i32
      %get3A_485 = arith.constant 0 : i32
      %get3A_486 = tpu.memref_slice %arg9[%scan3A_215, %get3A_484, %get3A_485] : memref<2x128x128xf32, #tpu.memory_space<vmem>> -> memref<1x128x128xf32, #tpu.memory_space<vmem>>
      %get3A_487 = tpu.memref_squeeze %get3A_486 : memref<1x128x128xf32, #tpu.memory_space<vmem>> -> memref<128x128xf32, #tpu.memory_space<vmem>>
      %get3A_488 = arith.index_cast %add3A_404 : i32 to index
      %get3A_489 = arith.constant 80 : index
      %get3A_490 = tpu.vector_load %get3A_487[%get3A_488, %get3A_489] {strides = array<i32>} : memref<128x128xf32, #tpu.memory_space<vmem>>, vector<16xf32>,
      %get3A_491 = arith.constant 0 : i32
      %get3A_492 = arith.constant 0 : i32
      %get3A_493 = tpu.memref_slice %arg10[%scan3A_216, %get3A_491, %get3A_492] : memref<2x128x128xf32, #tpu.memory_space<vmem>> -> memref<1x128x128xf32, #tpu.memory_space<vmem>>
      %get3A_494 = tpu.memref_squeeze %get3A_493 : memref<1x128x128xf32, #tpu.memory_space<vmem>> -> memref<128x128xf32, #tpu.memory_space<vmem>>
      %get3A_495 = arith.index_cast %add3A_404 : i32 to index
      %get3A_496 = arith.constant 80 : index
      %get3A_497 = tpu.vector_load %get3A_494[%get3A_495, %get3A_496] {strides = array<i32>} : memref<128x128xf32, #tpu.memory_space<vmem>>, vector<16xf32>,
      %mul3A_498 = arith.mulf %get3A_490, %get3A_497 : vector<16xf32>
      %add3A_499 = arith.addf %add3A_483, %mul3A_498 : vector<16xf32>
      %get3A_500 = arith.constant 0 : i32
      %get3A_501 = arith.constant 0 : i32
      %get3A_502 = tpu.memref_slice %arg9[%scan3A_215, %get3A_500, %get3A_501] : memref<2x128x128xf32, #tpu.memory_space<vmem>> -> memref<1x128x128xf32, #tpu.memory_space<vmem>>
      %get3A_503 = tpu.memref_squeeze %get3A_502 : memref<1x128x128xf32, #tpu.memory_space<vmem>> -> memref<128x128xf32, #tpu.memory_space<vmem>>
      %get3A_504 = arith.index_cast %add3A_404 : i32 to index
      %get3A_505 = arith.constant 96 : index
      %get3A_506 = tpu.vector_load %get3A_503[%get3A_504, %get3A_505] {strides = array<i32>} : memref<128x128xf32, #tpu.memory_space<vmem>>, vector<16xf32>,
      %get3A_507 = arith.constant 0 : i32
      %get3A_508 = arith.constant 0 : i32
      %get3A_509 = tpu.memref_slice %arg10[%scan3A_216, %get3A_507, %get3A_508] : memref<2x128x128xf32, #tpu.memory_space<vmem>> -> memref<1x128x128xf32, #tpu.memory_space<vmem>>
      %get3A_510 = tpu.memref_squeeze %get3A_509 : memref<1x128x128xf32, #tpu.memory_space<vmem>> -> memref<128x128xf32, #tpu.memory_space<vmem>>
      %get3A_511 = arith.index_cast %add3A_404 : i32 to index
      %get3A_512 = arith.constant 96 : index
      %get3A_513 = tpu.vector_load %get3A_510[%get3A_511, %get3A_512] {strides = array<i32>} : memref<128x128xf32, #tpu.memory_space<vmem>>, vector<16xf32>,
      %mul3A_514 = arith.mulf %get3A_506, %get3A_513 : vector<16xf32>
      %add3A_515 = arith.addf %add3A_499, %mul3A_514 : vector<16xf32>
      %get3A_516 = arith.constant 0 : i32
      %get3A_517 = arith.constant 0 : i32
      %get3A_518 = tpu.memref_slice %arg9[%scan3A_215, %get3A_516, %get3A_517] : memref<2x128x128xf32, #tpu.memory_space<vmem>> -> memref<1x128x128xf32, #tpu.memory_space<vmem>>
      %get3A_519 = tpu.memref_squeeze %get3A_518 : memref<1x128x128xf32, #tpu.memory_space<vmem>> -> memref<128x128xf32, #tpu.memory_space<vmem>>
      %get3A_520 = arith.index_cast %add3A_404 : i32 to index
      %get3A_521 = arith.constant 112 : index
      %get3A_522 = tpu.vector_load %get3A_519[%get3A_520, %get3A_521] {strides = array<i32>} : memref<128x128xf32, #tpu.memory_space<vmem>>, vector<16xf32>,
      %get3A_523 = arith.constant 0 : i32
      %get3A_524 = arith.constant 0 : i32
      %get3A_525 = tpu.memref_slice %arg10[%scan3A_216, %get3A_523, %get3A_524] : memref<2x128x128xf32, #tpu.memory_space<vmem>> -> memref<1x128x128xf32, #tpu.memory_space<vmem>>
      %get3A_526 = tpu.memref_squeeze %get3A_525 : memref<1x128x128xf32, #tpu.memory_space<vmem>> -> memref<128x128xf32, #tpu.memory_space<vmem>>
      %get3A_527 = arith.index_cast %add3A_404 : i32 to index
      %get3A_528 = arith.constant 112 : index
      %get3A_529 = tpu.vector_load %get3A_526[%get3A_527, %get3A_528] {strides = array<i32>} : memref<128x128xf32, #tpu.memory_space<vmem>>, vector<16xf32>,
      %mul3A_530 = arith.mulf %get3A_522, %get3A_529 : vector<16xf32>
      %add3A_531 = arith.addf %add3A_515, %mul3A_530 : vector<16xf32>
      %swap3A_532 = arith.index_cast %add3A_404 : i32 to index
      %swap3A_533 = arith.constant 0 : index
      %swap3A_534 = tpu.vector_load %arg12[%swap3A_532, %swap3A_533] {strides = array<i32>} : memref<128x17xf32, #tpu.memory_space<vmem>>, vector<16xf32>,
      tpu.vector_store %arg12[%swap3A_532, %swap3A_533], %add3A_531 {strides = array<i32>} : memref<128x17xf32, #tpu.memory_space<vmem>>, vector<16xf32>,
    }
    %scan3A_221 = arith.constant 64 : i32
    %scan3A_222 = arith.constant 0 : i32
    %scan3A_223 = arith.constant 0 : i32
    %scan3A_224 = arith.constant 8 : i32
    %scan3A_225 = arith.addi %scan3A_223, %scan3A_224 : i32
    %scan3A_226 = arith.constant 1 : i32
    scf.for %scan3A_268 = %scan3A_223 to %scan3A_225 step %scan3A_226  : i32 {
      %mul3A_269 = arith.constant 16 : i32
      %mul3A_270 = arith.muli %scan3A_268, %mul3A_269 : i32
      %add3A_271 = vector.broadcast %mul3A_270 : i32 to vector<16xi32>
      %add3A_272 = arith.addi %iota3A, %add3A_271 : vector<16xi32>
      %broadcast_in_dim3A = arith.constant 0 : i32
      %broadcast_in_dim3A_273 = vector.broadcast %broadcast_in_dim3A : i32 to vector<16xi32>
      %gather3A = tpu.vector_load_idx %arg12[%add3A_272, %broadcast_in_dim3A_273] : memref<128x17xf32, #tpu.memory_space<vmem>>[vector<16xi32>, vector<16xi32>], vector<16xf32>,
      %broadcast_in_dim3A_274 = arith.constant 1 : i32
      %broadcast_in_dim3A_275 = vector.broadcast %broadcast_in_dim3A_274 : i32 to vector<16xi32>
      %gather3A_276 = tpu.vector_load_idx %arg12[%add3A_272, %broadcast_in_dim3A_275] : memref<128x17xf32, #tpu.memory_space<vmem>>[vector<16xi32>, vector<16xi32>], vector<16xf32>,
      %add3A_277 = arith.addf %gather3A, %gather3A_276 : vector<16xf32>
      %broadcast_in_dim3A_278 = arith.constant 2 : i32
      %broadcast_in_dim3A_279 = vector.broadcast %broadcast_in_dim3A_278 : i32 to vector<16xi32>
      %gather3A_280 = tpu.vector_load_idx %arg12[%add3A_272, %broadcast_in_dim3A_279] : memref<128x17xf32, #tpu.memory_space<vmem>>[vector<16xi32>, vector<16xi32>], vector<16xf32>,
      %add3A_281 = arith.addf %add3A_277, %gather3A_280 : vector<16xf32>
      %broadcast_in_dim3A_282 = arith.constant 3 : i32
      %broadcast_in_dim3A_283 = vector.broadcast %broadcast_in_dim3A_282 : i32 to vector<16xi32>
      %gather3A_284 = tpu.vector_load_idx %arg12[%add3A_272, %broadcast_in_dim3A_283] : memref<128x17xf32, #tpu.memory_space<vmem>>[vector<16xi32>, vector<16xi32>], vector<16xf32>,
      %add3A_285 = arith.addf %add3A_281, %gather3A_284 : vector<16xf32>
      %broadcast_in_dim3A_286 = arith.constant 4 : i32
      %broadcast_in_dim3A_287 = vector.broadcast %broadcast_in_dim3A_286 : i32 to vector<16xi32>
      %gather3A_288 = tpu.vector_load_idx %arg12[%add3A_272, %broadcast_in_dim3A_287] : memref<128x17xf32, #tpu.memory_space<vmem>>[vector<16xi32>, vector<16xi32>], vector<16xf32>,
      %add3A_289 = arith.addf %add3A_285, %gather3A_288 : vector<16xf32>
      %broadcast_in_dim3A_290 = arith.constant 5 : i32
      %broadcast_in_dim3A_291 = vector.broadcast %broadcast_in_dim3A_290 : i32 to vector<16xi32>
      %gather3A_292 = tpu.vector_load_idx %arg12[%add3A_272, %broadcast_in_dim3A_291] : memref<128x17xf32, #tpu.memory_space<vmem>>[vector<16xi32>, vector<16xi32>], vector<16xf32>,
      %add3A_293 = arith.addf %add3A_289, %gather3A_292 : vector<16xf32>
      %broadcast_in_dim3A_294 = arith.constant 6 : i32
      %broadcast_in_dim3A_295 = vector.broadcast %broadcast_in_dim3A_294 : i32 to vector<16xi32>
      %gather3A_296 = tpu.vector_load_idx %arg12[%add3A_272, %broadcast_in_dim3A_295] : memref<128x17xf32, #tpu.memory_space<vmem>>[vector<16xi32>, vector<16xi32>], vector<16xf32>,
      %add3A_297 = arith.addf %add3A_293, %gather3A_296 : vector<16xf32>
      %broadcast_in_dim3A_298 = arith.constant 7 : i32
      %broadcast_in_dim3A_299 = vector.broadcast %broadcast_in_dim3A_298 : i32 to vector<16xi32>
      %gather3A_300 = tpu.vector_load_idx %arg12[%add3A_272, %broadcast_in_dim3A_299] : memref<128x17xf32, #tpu.memory_space<vmem>>[vector<16xi32>, vector<16xi32>], vector<16xf32>,
      %add3A_301 = arith.addf %add3A_297, %gather3A_300 : vector<16xf32>
      %broadcast_in_dim3A_302 = arith.constant 8 : i32
      %broadcast_in_dim3A_303 = vector.broadcast %broadcast_in_dim3A_302 : i32 to vector<16xi32>
      %gather3A_304 = tpu.vector_load_idx %arg12[%add3A_272, %broadcast_in_dim3A_303] : memref<128x17xf32, #tpu.memory_space<vmem>>[vector<16xi32>, vector<16xi32>], vector<16xf32>,
      %add3A_305 = arith.addf %add3A_301, %gather3A_304 : vector<16xf32>
      %broadcast_in_dim3A_306 = arith.constant 9 : i32
      %broadcast_in_dim3A_307 = vector.broadcast %broadcast_in_dim3A_306 : i32 to vector<16xi32>
      %gather3A_308 = tpu.vector_load_idx %arg12[%add3A_272, %broadcast_in_dim3A_307] : memref<128x17xf32, #tpu.memory_space<vmem>>[vector<16xi32>, vector<16xi32>], vector<16xf32>,
      %add3A_309 = arith.addf %add3A_305, %gather3A_308 : vector<16xf32>
      %broadcast_in_dim3A_310 = arith.constant 10 : i32
      %broadcast_in_dim3A_311 = vector.broadcast %broadcast_in_dim3A_310 : i32 to vector<16xi32>
      %gather3A_312 = tpu.vector_load_idx %arg12[%add3A_272, %broadcast_in_dim3A_311] : memref<128x17xf32, #tpu.memory_space<vmem>>[vector<16xi32>, vector<16xi32>], vector<16xf32>,
      %add3A_313 = arith.addf %add3A_309, %gather3A_312 : vector<16xf32>
      %broadcast_in_dim3A_314 = arith.constant 11 : i32
      %broadcast_in_dim3A_315 = vector.broadcast %broadcast_in_dim3A_314 : i32 to vector<16xi32>
      %gather3A_316 = tpu.vector_load_idx %arg12[%add3A_272, %broadcast_in_dim3A_315] : memref<128x17xf32, #tpu.memory_space<vmem>>[vector<16xi32>, vector<16xi32>], vector<16xf32>,
      %add3A_317 = arith.addf %add3A_313, %gather3A_316 : vector<16xf32>
      %broadcast_in_dim3A_318 = arith.constant 12 : i32
      %broadcast_in_dim3A_319 = vector.broadcast %broadcast_in_dim3A_318 : i32 to vector<16xi32>
      %gather3A_320 = tpu.vector_load_idx %arg12[%add3A_272, %broadcast_in_dim3A_319] : memref<128x17xf32, #tpu.memory_space<vmem>>[vector<16xi32>, vector<16xi32>], vector<16xf32>,
      %add3A_321 = arith.addf %add3A_317, %gather3A_320 : vector<16xf32>
      %broadcast_in_dim3A_322 = arith.constant 13 : i32
      %broadcast_in_dim3A_323 = vector.broadcast %broadcast_in_dim3A_322 : i32 to vector<16xi32>
      %gather3A_324 = tpu.vector_load_idx %arg12[%add3A_272, %broadcast_in_dim3A_323] : memref<128x17xf32, #tpu.memory_space<vmem>>[vector<16xi32>, vector<16xi32>], vector<16xf32>,
      %add3A_325 = arith.addf %add3A_321, %gather3A_324 : vector<16xf32>
      %broadcast_in_dim3A_326 = arith.constant 14 : i32
      %broadcast_in_dim3A_327 = vector.broadcast %broadcast_in_dim3A_326 : i32 to vector<16xi32>
      %gather3A_328 = tpu.vector_load_idx %arg12[%add3A_272, %broadcast_in_dim3A_327] : memref<128x17xf32, #tpu.memory_space<vmem>>[vector<16xi32>, vector<16xi32>], vector<16xf32>,
      %add3A_329 = arith.addf %add3A_325, %gather3A_328 : vector<16xf32>
      %broadcast_in_dim3A_330 = arith.constant 15 : i32
      %broadcast_in_dim3A_331 = vector.broadcast %broadcast_in_dim3A_330 : i32 to vector<16xi32>
      %gather3A_332 = tpu.vector_load_idx %arg12[%add3A_272, %broadcast_in_dim3A_331] : memref<128x17xf32, #tpu.memory_space<vmem>>[vector<16xi32>, vector<16xi32>], vector<16xf32>,
      %add3A_333 = arith.addf %add3A_329, %gather3A_332 : vector<16xf32>
      %abs3A = math.absf %add3A_333 : vector<16xf32>
      %neg3A = arith.constant 0.000000e+00 : f32
      %neg3A_334 = vector.broadcast %neg3A : f32 to vector<16xf32>
      %neg3A_335 = arith.subf %neg3A_334, %abs3A : vector<16xf32>
      %exp3A = math.exp %neg3A_335 : vector<16xf32>
      %add3A_336 = arith.constant 2.000000e+00 : f32
      %add3A_337 = vector.broadcast %add3A_336 : f32 to vector<16xf32>
      %add3A_338 = arith.addf %exp3A, %add3A_337 : vector<16xf32>
      %div3A = arith.divf %exp3A, %add3A_338 : vector<16xf32>
      %mul3A_339 = arith.mulf %div3A, %div3A : vector<16xf32>
      %mul3A_340 = arith.constant 0.0909090936 : f32
      %mul3A_341 = vector.broadcast %mul3A_340 : f32 to vector<16xf32>
      %mul3A_342 = arith.mulf %mul3A_341, %mul3A_339 : vector<16xf32>
      %add3A_343 = arith.constant 0.111111112 : f32
      %add3A_344 = vector.broadcast %add3A_343 : f32 to vector<16xf32>
      %add3A_345 = arith.addf %mul3A_342, %add3A_344 : vector<16xf32>
      %mul3A_346 = arith.mulf %add3A_345, %mul3A_339 : vector<16xf32>
      %add3A_347 = arith.constant 0.142857149 : f32
      %add3A_348 = vector.broadcast %add3A_347 : f32 to vector<16xf32>
      %add3A_349 = arith.addf %mul3A_346, %add3A_348 : vector<16xf32>
      %mul3A_350 = arith.mulf %add3A_349, %mul3A_339 : vector<16xf32>
      %add3A_351 = arith.constant 2.000000e-01 : f32
      %add3A_352 = vector.broadcast %add3A_351 : f32 to vector<16xf32>
      %add3A_353 = arith.addf %mul3A_350, %add3A_352 : vector<16xf32>
      %mul3A_354 = arith.mulf %add3A_353, %mul3A_339 : vector<16xf32>
      %add3A_355 = arith.constant 0.333333343 : f32
      %add3A_356 = vector.broadcast %add3A_355 : f32 to vector<16xf32>
      %add3A_357 = arith.addf %mul3A_354, %add3A_356 : vector<16xf32>
      %mul3A_358 = arith.mulf %add3A_357, %mul3A_339 : vector<16xf32>
      %add3A_359 = arith.constant 1.000000e+00 : f32
      %add3A_360 = vector.broadcast %add3A_359 : f32 to vector<16xf32>
      %add3A_361 = arith.addf %mul3A_358, %add3A_360 : vector<16xf32>
      %mul3A_362 = arith.constant 2.000000e+00 : f32
      %mul3A_363 = vector.broadcast %mul3A_362 : f32 to vector<16xf32>
      %mul3A_364 = arith.mulf %mul3A_363, %div3A : vector<16xf32>
      %mul3A_365 = arith.mulf %mul3A_364, %add3A_361 : vector<16xf32>
      %min3A = arith.constant 0.000000e+00 : f32
      %min3A_366 = vector.broadcast %min3A : f32 to vector<16xf32>
      %min3A_367 = arith.minimumf %add3A_333, %min3A_366 : vector<16xf32>
      %sub3A = arith.subf %min3A_367, %mul3A_365 : vector<16xf32>
      %mul3A_368 = arith.constant 16 : i32
      %mul3A_369 = arith.muli %scan3A_268, %mul3A_368 : i32
      %add3A_370 = arith.constant 256 : i32
      %add3A_371 = arith.addi %add3A_370, %mul3A_369 : i32
      %swap3A = arith.index_cast %add3A_371 : i32 to index
      %swap3A_372 = tpu.vector_load %arg11[%swap3A] {strides = array<i32>} : memref<512xf32, #tpu.memory_space<vmem>>, vector<16xf32>,
      tpu.vector_store %arg11[%swap3A], %sub3A {strides = array<i32>} : memref<512xf32, #tpu.memory_space<vmem>>, vector<16xf32>,
    }
    %scan3A_227 = arith.constant 8 : i32
    %dma_wait3A_228 = arith.constant 3 : i32
    %dma_wait3A_229 = arith.constant 1 : i32
    %dma_wait3A_230 = arith.constant 0 : i32
    %dma_wait3A_231 = arith.constant 0 : i32
    %dma_wait3A_232 = tpu.memref_slice %arg9[%dma_wait3A_229, %dma_wait3A_230, %dma_wait3A_231] : memref<2x128x128xf32, #tpu.memory_space<vmem>> -> memref<1x128x128xf32, #tpu.memory_space<vmem>>
    %dma_wait3A_233 = tpu.memref_squeeze %dma_wait3A_232 : memref<1x128x128xf32, #tpu.memory_space<vmem>> -> memref<128x128xf32, #tpu.memory_space<vmem>>
    %dma_wait3A_234 = arith.constant 0 : i32
    %dma_wait3A_235 = tpu.memref_slice %arg7[%dma_wait3A_228, %dma_wait3A_234] : memref<4x128xi32, #tpu.memory_space<vmem>> -> memref<1x128xi32, #tpu.memory_space<vmem>>
    %dma_wait3A_236 = tpu.memref_squeeze %dma_wait3A_235 : memref<1x128xi32, #tpu.memory_space<vmem>> -> memref<128xi32, #tpu.memory_space<vmem>>
    %dma_wait3A_237 = arith.constant 0 : i32
    %dma_wait3A_238 = arith.constant 0 : i32
    %dma_wait3A_239 = tpu.memref_slice %arg4[%dma_wait3A_237, %dma_wait3A_238] : memref<100000x128xf32, #tpu.memory_space<hbm>> -> memref<100000x128xf32, #tpu.memory_space<hbm>>
    tpu.wait_indirect_dma semaphore(%arg15 : memref<!tpu.dma_semaphore, #tpu.memory_space<semaphore_mem>>) src(%dma_wait3A_239 : memref<100000x128xf32, #tpu.memory_space<hbm>>) dst(%dma_wait3A_233 : memref<128x128xf32, #tpu.memory_space<vmem>>)
    %dma_wait3A_240 = arith.constant 3 : i32
    %dma_wait3A_241 = arith.constant 1 : i32
    %dma_wait3A_242 = arith.constant 0 : i32
    %dma_wait3A_243 = arith.constant 0 : i32
    %dma_wait3A_244 = tpu.memref_slice %arg10[%dma_wait3A_241, %dma_wait3A_242, %dma_wait3A_243] : memref<2x128x128xf32, #tpu.memory_space<vmem>> -> memref<1x128x128xf32, #tpu.memory_space<vmem>>
    %dma_wait3A_245 = tpu.memref_squeeze %dma_wait3A_244 : memref<1x128x128xf32, #tpu.memory_space<vmem>> -> memref<128x128xf32, #tpu.memory_space<vmem>>
    %dma_wait3A_246 = arith.constant 0 : i32
    %dma_wait3A_247 = tpu.memref_slice %arg8[%dma_wait3A_240, %dma_wait3A_246] : memref<4x128xi32, #tpu.memory_space<vmem>> -> memref<1x128xi32, #tpu.memory_space<vmem>>
    %dma_wait3A_248 = tpu.memref_squeeze %dma_wait3A_247 : memref<1x128xi32, #tpu.memory_space<vmem>> -> memref<128xi32, #tpu.memory_space<vmem>>
    %dma_wait3A_249 = arith.constant 0 : i32
    %dma_wait3A_250 = arith.constant 0 : i32
    %dma_wait3A_251 = tpu.memref_slice %arg5[%dma_wait3A_249, %dma_wait3A_250] : memref<100000x128xf32, #tpu.memory_space<hbm>> -> memref<100000x128xf32, #tpu.memory_space<hbm>>
    tpu.wait_indirect_dma semaphore(%arg16 : memref<!tpu.dma_semaphore, #tpu.memory_space<semaphore_mem>>) src(%dma_wait3A_251 : memref<100000x128xf32, #tpu.memory_space<hbm>>) dst(%dma_wait3A_245 : memref<128x128xf32, #tpu.memory_space<vmem>>)
    %scan3A_252 = arith.constant 0 : i32
    %scan3A_253 = arith.constant 1 : i32
    %scan3A_254 = arith.constant 1 : i32
    %scan3A_255 = arith.constant 0 : i32
    %scan3A_256 = arith.constant 64 : i32
    %scan3A_257 = arith.addi %scan3A_255, %scan3A_256 : i32
    %scan3A_258 = arith.constant 1 : i32
    scf.for %scan3A_268 = %scan3A_255 to %scan3A_257 step %scan3A_258  : i32 {
      %mul3A_269 = arith.constant 2 : i32
      %mul3A_270 = arith.muli %scan3A_268, %mul3A_269 : i32
      %add3A_271 = arith.constant 0 : i32
      %add3A_272 = arith.addi %mul3A_270, %add3A_271 : i32
      %get3A = arith.constant 0 : i32
      %get3A_273 = arith.constant 0 : i32
      %get3A_274 = tpu.memref_slice %arg9[%scan3A_253, %get3A, %get3A_273] : memref<2x128x128xf32, #tpu.memory_space<vmem>> -> memref<1x128x128xf32, #tpu.memory_space<vmem>>
      %get3A_275 = tpu.memref_squeeze %get3A_274 : memref<1x128x128xf32, #tpu.memory_space<vmem>> -> memref<128x128xf32, #tpu.memory_space<vmem>>
      %get3A_276 = arith.index_cast %add3A_272 : i32 to index
      %get3A_277 = arith.constant 0 : index
      %get3A_278 = tpu.vector_load %get3A_275[%get3A_276, %get3A_277] {strides = array<i32>} : memref<128x128xf32, #tpu.memory_space<vmem>>, vector<16xf32>,
      %get3A_279 = arith.constant 0 : i32
      %get3A_280 = arith.constant 0 : i32
      %get3A_281 = tpu.memref_slice %arg10[%scan3A_254, %get3A_279, %get3A_280] : memref<2x128x128xf32, #tpu.memory_space<vmem>> -> memref<1x128x128xf32, #tpu.memory_space<vmem>>
      %get3A_282 = tpu.memref_squeeze %get3A_281 : memref<1x128x128xf32, #tpu.memory_space<vmem>> -> memref<128x128xf32, #tpu.memory_space<vmem>>
      %get3A_283 = arith.index_cast %add3A_272 : i32 to index
      %get3A_284 = arith.constant 0 : index
      %get3A_285 = tpu.vector_load %get3A_282[%get3A_283, %get3A_284] {strides = array<i32>} : memref<128x128xf32, #tpu.memory_space<vmem>>, vector<16xf32>,
      %mul3A_286 = arith.mulf %get3A_278, %get3A_285 : vector<16xf32>
      %get3A_287 = arith.constant 0 : i32
      %get3A_288 = arith.constant 0 : i32
      %get3A_289 = tpu.memref_slice %arg9[%scan3A_253, %get3A_287, %get3A_288] : memref<2x128x128xf32, #tpu.memory_space<vmem>> -> memref<1x128x128xf32, #tpu.memory_space<vmem>>
      %get3A_290 = tpu.memref_squeeze %get3A_289 : memref<1x128x128xf32, #tpu.memory_space<vmem>> -> memref<128x128xf32, #tpu.memory_space<vmem>>
      %get3A_291 = arith.index_cast %add3A_272 : i32 to index
      %get3A_292 = arith.constant 16 : index
      %get3A_293 = tpu.vector_load %get3A_290[%get3A_291, %get3A_292] {strides = array<i32>} : memref<128x128xf32, #tpu.memory_space<vmem>>, vector<16xf32>,
      %get3A_294 = arith.constant 0 : i32
      %get3A_295 = arith.constant 0 : i32
      %get3A_296 = tpu.memref_slice %arg10[%scan3A_254, %get3A_294, %get3A_295] : memref<2x128x128xf32, #tpu.memory_space<vmem>> -> memref<1x128x128xf32, #tpu.memory_space<vmem>>
      %get3A_297 = tpu.memref_squeeze %get3A_296 : memref<1x128x128xf32, #tpu.memory_space<vmem>> -> memref<128x128xf32, #tpu.memory_space<vmem>>
      %get3A_298 = arith.index_cast %add3A_272 : i32 to index
      %get3A_299 = arith.constant 16 : index
      %get3A_300 = tpu.vector_load %get3A_297[%get3A_298, %get3A_299] {strides = array<i32>} : memref<128x128xf32, #tpu.memory_space<vmem>>, vector<16xf32>,
      %mul3A_301 = arith.mulf %get3A_293, %get3A_300 : vector<16xf32>
      %add3A_302 = arith.addf %mul3A_286, %mul3A_301 : vector<16xf32>
      %get3A_303 = arith.constant 0 : i32
      %get3A_304 = arith.constant 0 : i32
      %get3A_305 = tpu.memref_slice %arg9[%scan3A_253, %get3A_303, %get3A_304] : memref<2x128x128xf32, #tpu.memory_space<vmem>> -> memref<1x128x128xf32, #tpu.memory_space<vmem>>
      %get3A_306 = tpu.memref_squeeze %get3A_305 : memref<1x128x128xf32, #tpu.memory_space<vmem>> -> memref<128x128xf32, #tpu.memory_space<vmem>>
      %get3A_307 = arith.index_cast %add3A_272 : i32 to index
      %get3A_308 = arith.constant 32 : index
      %get3A_309 = tpu.vector_load %get3A_306[%get3A_307, %get3A_308] {strides = array<i32>} : memref<128x128xf32, #tpu.memory_space<vmem>>, vector<16xf32>,
      %get3A_310 = arith.constant 0 : i32
      %get3A_311 = arith.constant 0 : i32
      %get3A_312 = tpu.memref_slice %arg10[%scan3A_254, %get3A_310, %get3A_311] : memref<2x128x128xf32, #tpu.memory_space<vmem>> -> memref<1x128x128xf32, #tpu.memory_space<vmem>>
      %get3A_313 = tpu.memref_squeeze %get3A_312 : memref<1x128x128xf32, #tpu.memory_space<vmem>> -> memref<128x128xf32, #tpu.memory_space<vmem>>
      %get3A_314 = arith.index_cast %add3A_272 : i32 to index
      %get3A_315 = arith.constant 32 : index
      %get3A_316 = tpu.vector_load %get3A_313[%get3A_314, %get3A_315] {strides = array<i32>} : memref<128x128xf32, #tpu.memory_space<vmem>>, vector<16xf32>,
      %mul3A_317 = arith.mulf %get3A_309, %get3A_316 : vector<16xf32>
      %add3A_318 = arith.addf %add3A_302, %mul3A_317 : vector<16xf32>
      %get3A_319 = arith.constant 0 : i32
      %get3A_320 = arith.constant 0 : i32
      %get3A_321 = tpu.memref_slice %arg9[%scan3A_253, %get3A_319, %get3A_320] : memref<2x128x128xf32, #tpu.memory_space<vmem>> -> memref<1x128x128xf32, #tpu.memory_space<vmem>>
      %get3A_322 = tpu.memref_squeeze %get3A_321 : memref<1x128x128xf32, #tpu.memory_space<vmem>> -> memref<128x128xf32, #tpu.memory_space<vmem>>
      %get3A_323 = arith.index_cast %add3A_272 : i32 to index
      %get3A_324 = arith.constant 48 : index
      %get3A_325 = tpu.vector_load %get3A_322[%get3A_323, %get3A_324] {strides = array<i32>} : memref<128x128xf32, #tpu.memory_space<vmem>>, vector<16xf32>,
      %get3A_326 = arith.constant 0 : i32
      %get3A_327 = arith.constant 0 : i32
      %get3A_328 = tpu.memref_slice %arg10[%scan3A_254, %get3A_326, %get3A_327] : memref<2x128x128xf32, #tpu.memory_space<vmem>> -> memref<1x128x128xf32, #tpu.memory_space<vmem>>
      %get3A_329 = tpu.memref_squeeze %get3A_328 : memref<1x128x128xf32, #tpu.memory_space<vmem>> -> memref<128x128xf32, #tpu.memory_space<vmem>>
      %get3A_330 = arith.index_cast %add3A_272 : i32 to index
      %get3A_331 = arith.constant 48 : index
      %get3A_332 = tpu.vector_load %get3A_329[%get3A_330, %get3A_331] {strides = array<i32>} : memref<128x128xf32, #tpu.memory_space<vmem>>, vector<16xf32>,
      %mul3A_333 = arith.mulf %get3A_325, %get3A_332 : vector<16xf32>
      %add3A_334 = arith.addf %add3A_318, %mul3A_333 : vector<16xf32>
      %get3A_335 = arith.constant 0 : i32
      %get3A_336 = arith.constant 0 : i32
      %get3A_337 = tpu.memref_slice %arg9[%scan3A_253, %get3A_335, %get3A_336] : memref<2x128x128xf32, #tpu.memory_space<vmem>> -> memref<1x128x128xf32, #tpu.memory_space<vmem>>
      %get3A_338 = tpu.memref_squeeze %get3A_337 : memref<1x128x128xf32, #tpu.memory_space<vmem>> -> memref<128x128xf32, #tpu.memory_space<vmem>>
      %get3A_339 = arith.index_cast %add3A_272 : i32 to index
      %get3A_340 = arith.constant 64 : index
      %get3A_341 = tpu.vector_load %get3A_338[%get3A_339, %get3A_340] {strides = array<i32>} : memref<128x128xf32, #tpu.memory_space<vmem>>, vector<16xf32>,
      %get3A_342 = arith.constant 0 : i32
      %get3A_343 = arith.constant 0 : i32
      %get3A_344 = tpu.memref_slice %arg10[%scan3A_254, %get3A_342, %get3A_343] : memref<2x128x128xf32, #tpu.memory_space<vmem>> -> memref<1x128x128xf32, #tpu.memory_space<vmem>>
      %get3A_345 = tpu.memref_squeeze %get3A_344 : memref<1x128x128xf32, #tpu.memory_space<vmem>> -> memref<128x128xf32, #tpu.memory_space<vmem>>
      %get3A_346 = arith.index_cast %add3A_272 : i32 to index
      %get3A_347 = arith.constant 64 : index
      %get3A_348 = tpu.vector_load %get3A_345[%get3A_346, %get3A_347] {strides = array<i32>} : memref<128x128xf32, #tpu.memory_space<vmem>>, vector<16xf32>,
      %mul3A_349 = arith.mulf %get3A_341, %get3A_348 : vector<16xf32>
      %add3A_350 = arith.addf %add3A_334, %mul3A_349 : vector<16xf32>
      %get3A_351 = arith.constant 0 : i32
      %get3A_352 = arith.constant 0 : i32
      %get3A_353 = tpu.memref_slice %arg9[%scan3A_253, %get3A_351, %get3A_352] : memref<2x128x128xf32, #tpu.memory_space<vmem>> -> memref<1x128x128xf32, #tpu.memory_space<vmem>>
      %get3A_354 = tpu.memref_squeeze %get3A_353 : memref<1x128x128xf32, #tpu.memory_space<vmem>> -> memref<128x128xf32, #tpu.memory_space<vmem>>
      %get3A_355 = arith.index_cast %add3A_272 : i32 to index
      %get3A_356 = arith.constant 80 : index
      %get3A_357 = tpu.vector_load %get3A_354[%get3A_355, %get3A_356] {strides = array<i32>} : memref<128x128xf32, #tpu.memory_space<vmem>>, vector<16xf32>,
      %get3A_358 = arith.constant 0 : i32
      %get3A_359 = arith.constant 0 : i32
      %get3A_360 = tpu.memref_slice %arg10[%scan3A_254, %get3A_358, %get3A_359] : memref<2x128x128xf32, #tpu.memory_space<vmem>> -> memref<1x128x128xf32, #tpu.memory_space<vmem>>
      %get3A_361 = tpu.memref_squeeze %get3A_360 : memref<1x128x128xf32, #tpu.memory_space<vmem>> -> memref<128x128xf32, #tpu.memory_space<vmem>>
      %get3A_362 = arith.index_cast %add3A_272 : i32 to index
      %get3A_363 = arith.constant 80 : index
      %get3A_364 = tpu.vector_load %get3A_361[%get3A_362, %get3A_363] {strides = array<i32>} : memref<128x128xf32, #tpu.memory_space<vmem>>, vector<16xf32>,
      %mul3A_365 = arith.mulf %get3A_357, %get3A_364 : vector<16xf32>
      %add3A_366 = arith.addf %add3A_350, %mul3A_365 : vector<16xf32>
      %get3A_367 = arith.constant 0 : i32
      %get3A_368 = arith.constant 0 : i32
      %get3A_369 = tpu.memref_slice %arg9[%scan3A_253, %get3A_367, %get3A_368] : memref<2x128x128xf32, #tpu.memory_space<vmem>> -> memref<1x128x128xf32, #tpu.memory_space<vmem>>
      %get3A_370 = tpu.memref_squeeze %get3A_369 : memref<1x128x128xf32, #tpu.memory_space<vmem>> -> memref<128x128xf32, #tpu.memory_space<vmem>>
      %get3A_371 = arith.index_cast %add3A_272 : i32 to index
      %get3A_372 = arith.constant 96 : index
      %get3A_373 = tpu.vector_load %get3A_370[%get3A_371, %get3A_372] {strides = array<i32>} : memref<128x128xf32, #tpu.memory_space<vmem>>, vector<16xf32>,
      %get3A_374 = arith.constant 0 : i32
      %get3A_375 = arith.constant 0 : i32
      %get3A_376 = tpu.memref_slice %arg10[%scan3A_254, %get3A_374, %get3A_375] : memref<2x128x128xf32, #tpu.memory_space<vmem>> -> memref<1x128x128xf32, #tpu.memory_space<vmem>>
      %get3A_377 = tpu.memref_squeeze %get3A_376 : memref<1x128x128xf32, #tpu.memory_space<vmem>> -> memref<128x128xf32, #tpu.memory_space<vmem>>
      %get3A_378 = arith.index_cast %add3A_272 : i32 to index
      %get3A_379 = arith.constant 96 : index
      %get3A_380 = tpu.vector_load %get3A_377[%get3A_378, %get3A_379] {strides = array<i32>} : memref<128x128xf32, #tpu.memory_space<vmem>>, vector<16xf32>,
      %mul3A_381 = arith.mulf %get3A_373, %get3A_380 : vector<16xf32>
      %add3A_382 = arith.addf %add3A_366, %mul3A_381 : vector<16xf32>
      %get3A_383 = arith.constant 0 : i32
      %get3A_384 = arith.constant 0 : i32
      %get3A_385 = tpu.memref_slice %arg9[%scan3A_253, %get3A_383, %get3A_384] : memref<2x128x128xf32, #tpu.memory_space<vmem>> -> memref<1x128x128xf32, #tpu.memory_space<vmem>>
      %get3A_386 = tpu.memref_squeeze %get3A_385 : memref<1x128x128xf32, #tpu.memory_space<vmem>> -> memref<128x128xf32, #tpu.memory_space<vmem>>
      %get3A_387 = arith.index_cast %add3A_272 : i32 to index
      %get3A_388 = arith.constant 112 : index
      %get3A_389 = tpu.vector_load %get3A_386[%get3A_387, %get3A_388] {strides = array<i32>} : memref<128x128xf32, #tpu.memory_space<vmem>>, vector<16xf32>,
      %get3A_390 = arith.constant 0 : i32
      %get3A_391 = arith.constant 0 : i32
      %get3A_392 = tpu.memref_slice %arg10[%scan3A_254, %get3A_390, %get3A_391] : memref<2x128x128xf32, #tpu.memory_space<vmem>> -> memref<1x128x128xf32, #tpu.memory_space<vmem>>
      %get3A_393 = tpu.memref_squeeze %get3A_392 : memref<1x128x128xf32, #tpu.memory_space<vmem>> -> memref<128x128xf32, #tpu.memory_space<vmem>>
      %get3A_394 = arith.index_cast %add3A_272 : i32 to index
      %get3A_395 = arith.constant 112 : index
      %get3A_396 = tpu.vector_load %get3A_393[%get3A_394, %get3A_395] {strides = array<i32>} : memref<128x128xf32, #tpu.memory_space<vmem>>, vector<16xf32>,
      %mul3A_397 = arith.mulf %get3A_389, %get3A_396 : vector<16xf32>
      %add3A_398 = arith.addf %add3A_382, %mul3A_397 : vector<16xf32>
      %swap3A = arith.index_cast %add3A_272 : i32 to index
      %swap3A_399 = arith.constant 0 : index
      %swap3A_400 = tpu.vector_load %arg12[%swap3A, %swap3A_399] {strides = array<i32>} : memref<128x17xf32, #tpu.memory_space<vmem>>, vector<16xf32>,
      tpu.vector_store %arg12[%swap3A, %swap3A_399], %add3A_398 {strides = array<i32>} : memref<128x17xf32, #tpu.memory_space<vmem>>, vector<16xf32>,
      %mul3A_401 = arith.constant 2 : i32
      %mul3A_402 = arith.muli %scan3A_268, %mul3A_401 : i32
      %add3A_403 = arith.constant 1 : i32
      %add3A_404 = arith.addi %mul3A_402, %add3A_403 : i32
      %get3A_405 = arith.constant 0 : i32
      %get3A_406 = arith.constant 0 : i32
      %get3A_407 = tpu.memref_slice %arg9[%scan3A_253, %get3A_405, %get3A_406] : memref<2x128x128xf32, #tpu.memory_space<vmem>> -> memref<1x128x128xf32, #tpu.memory_space<vmem>>
      %get3A_408 = tpu.memref_squeeze %get3A_407 : memref<1x128x128xf32, #tpu.memory_space<vmem>> -> memref<128x128xf32, #tpu.memory_space<vmem>>
      %get3A_409 = arith.index_cast %add3A_404 : i32 to index
      %get3A_410 = arith.constant 0 : index
      %get3A_411 = tpu.vector_load %get3A_408[%get3A_409, %get3A_410] {strides = array<i32>} : memref<128x128xf32, #tpu.memory_space<vmem>>, vector<16xf32>,
      %get3A_412 = arith.constant 0 : i32
      %get3A_413 = arith.constant 0 : i32
      %get3A_414 = tpu.memref_slice %arg10[%scan3A_254, %get3A_412, %get3A_413] : memref<2x128x128xf32, #tpu.memory_space<vmem>> -> memref<1x128x128xf32, #tpu.memory_space<vmem>>
      %get3A_415 = tpu.memref_squeeze %get3A_414 : memref<1x128x128xf32, #tpu.memory_space<vmem>> -> memref<128x128xf32, #tpu.memory_space<vmem>>
      %get3A_416 = arith.index_cast %add3A_404 : i32 to index
      %get3A_417 = arith.constant 0 : index
      %get3A_418 = tpu.vector_load %get3A_415[%get3A_416, %get3A_417] {strides = array<i32>} : memref<128x128xf32, #tpu.memory_space<vmem>>, vector<16xf32>,
      %mul3A_419 = arith.mulf %get3A_411, %get3A_418 : vector<16xf32>
      %get3A_420 = arith.constant 0 : i32
      %get3A_421 = arith.constant 0 : i32
      %get3A_422 = tpu.memref_slice %arg9[%scan3A_253, %get3A_420, %get3A_421] : memref<2x128x128xf32, #tpu.memory_space<vmem>> -> memref<1x128x128xf32, #tpu.memory_space<vmem>>
      %get3A_423 = tpu.memref_squeeze %get3A_422 : memref<1x128x128xf32, #tpu.memory_space<vmem>> -> memref<128x128xf32, #tpu.memory_space<vmem>>
      %get3A_424 = arith.index_cast %add3A_404 : i32 to index
      %get3A_425 = arith.constant 16 : index
      %get3A_426 = tpu.vector_load %get3A_423[%get3A_424, %get3A_425] {strides = array<i32>} : memref<128x128xf32, #tpu.memory_space<vmem>>, vector<16xf32>,
      %get3A_427 = arith.constant 0 : i32
      %get3A_428 = arith.constant 0 : i32
      %get3A_429 = tpu.memref_slice %arg10[%scan3A_254, %get3A_427, %get3A_428] : memref<2x128x128xf32, #tpu.memory_space<vmem>> -> memref<1x128x128xf32, #tpu.memory_space<vmem>>
      %get3A_430 = tpu.memref_squeeze %get3A_429 : memref<1x128x128xf32, #tpu.memory_space<vmem>> -> memref<128x128xf32, #tpu.memory_space<vmem>>
      %get3A_431 = arith.index_cast %add3A_404 : i32 to index
      %get3A_432 = arith.constant 16 : index
      %get3A_433 = tpu.vector_load %get3A_430[%get3A_431, %get3A_432] {strides = array<i32>} : memref<128x128xf32, #tpu.memory_space<vmem>>, vector<16xf32>,
      %mul3A_434 = arith.mulf %get3A_426, %get3A_433 : vector<16xf32>
      %add3A_435 = arith.addf %mul3A_419, %mul3A_434 : vector<16xf32>
      %get3A_436 = arith.constant 0 : i32
      %get3A_437 = arith.constant 0 : i32
      %get3A_438 = tpu.memref_slice %arg9[%scan3A_253, %get3A_436, %get3A_437] : memref<2x128x128xf32, #tpu.memory_space<vmem>> -> memref<1x128x128xf32, #tpu.memory_space<vmem>>
      %get3A_439 = tpu.memref_squeeze %get3A_438 : memref<1x128x128xf32, #tpu.memory_space<vmem>> -> memref<128x128xf32, #tpu.memory_space<vmem>>
      %get3A_440 = arith.index_cast %add3A_404 : i32 to index
      %get3A_441 = arith.constant 32 : index
      %get3A_442 = tpu.vector_load %get3A_439[%get3A_440, %get3A_441] {strides = array<i32>} : memref<128x128xf32, #tpu.memory_space<vmem>>, vector<16xf32>,
      %get3A_443 = arith.constant 0 : i32
      %get3A_444 = arith.constant 0 : i32
      %get3A_445 = tpu.memref_slice %arg10[%scan3A_254, %get3A_443, %get3A_444] : memref<2x128x128xf32, #tpu.memory_space<vmem>> -> memref<1x128x128xf32, #tpu.memory_space<vmem>>
      %get3A_446 = tpu.memref_squeeze %get3A_445 : memref<1x128x128xf32, #tpu.memory_space<vmem>> -> memref<128x128xf32, #tpu.memory_space<vmem>>
      %get3A_447 = arith.index_cast %add3A_404 : i32 to index
      %get3A_448 = arith.constant 32 : index
      %get3A_449 = tpu.vector_load %get3A_446[%get3A_447, %get3A_448] {strides = array<i32>} : memref<128x128xf32, #tpu.memory_space<vmem>>, vector<16xf32>,
      %mul3A_450 = arith.mulf %get3A_442, %get3A_449 : vector<16xf32>
      %add3A_451 = arith.addf %add3A_435, %mul3A_450 : vector<16xf32>
      %get3A_452 = arith.constant 0 : i32
      %get3A_453 = arith.constant 0 : i32
      %get3A_454 = tpu.memref_slice %arg9[%scan3A_253, %get3A_452, %get3A_453] : memref<2x128x128xf32, #tpu.memory_space<vmem>> -> memref<1x128x128xf32, #tpu.memory_space<vmem>>
      %get3A_455 = tpu.memref_squeeze %get3A_454 : memref<1x128x128xf32, #tpu.memory_space<vmem>> -> memref<128x128xf32, #tpu.memory_space<vmem>>
      %get3A_456 = arith.index_cast %add3A_404 : i32 to index
      %get3A_457 = arith.constant 48 : index
      %get3A_458 = tpu.vector_load %get3A_455[%get3A_456, %get3A_457] {strides = array<i32>} : memref<128x128xf32, #tpu.memory_space<vmem>>, vector<16xf32>,
      %get3A_459 = arith.constant 0 : i32
      %get3A_460 = arith.constant 0 : i32
      %get3A_461 = tpu.memref_slice %arg10[%scan3A_254, %get3A_459, %get3A_460] : memref<2x128x128xf32, #tpu.memory_space<vmem>> -> memref<1x128x128xf32, #tpu.memory_space<vmem>>
      %get3A_462 = tpu.memref_squeeze %get3A_461 : memref<1x128x128xf32, #tpu.memory_space<vmem>> -> memref<128x128xf32, #tpu.memory_space<vmem>>
      %get3A_463 = arith.index_cast %add3A_404 : i32 to index
      %get3A_464 = arith.constant 48 : index
      %get3A_465 = tpu.vector_load %get3A_462[%get3A_463, %get3A_464] {strides = array<i32>} : memref<128x128xf32, #tpu.memory_space<vmem>>, vector<16xf32>,
      %mul3A_466 = arith.mulf %get3A_458, %get3A_465 : vector<16xf32>
      %add3A_467 = arith.addf %add3A_451, %mul3A_466 : vector<16xf32>
      %get3A_468 = arith.constant 0 : i32
      %get3A_469 = arith.constant 0 : i32
      %get3A_470 = tpu.memref_slice %arg9[%scan3A_253, %get3A_468, %get3A_469] : memref<2x128x128xf32, #tpu.memory_space<vmem>> -> memref<1x128x128xf32, #tpu.memory_space<vmem>>
      %get3A_471 = tpu.memref_squeeze %get3A_470 : memref<1x128x128xf32, #tpu.memory_space<vmem>> -> memref<128x128xf32, #tpu.memory_space<vmem>>
      %get3A_472 = arith.index_cast %add3A_404 : i32 to index
      %get3A_473 = arith.constant 64 : index
      %get3A_474 = tpu.vector_load %get3A_471[%get3A_472, %get3A_473] {strides = array<i32>} : memref<128x128xf32, #tpu.memory_space<vmem>>, vector<16xf32>,
      %get3A_475 = arith.constant 0 : i32
      %get3A_476 = arith.constant 0 : i32
      %get3A_477 = tpu.memref_slice %arg10[%scan3A_254, %get3A_475, %get3A_476] : memref<2x128x128xf32, #tpu.memory_space<vmem>> -> memref<1x128x128xf32, #tpu.memory_space<vmem>>
      %get3A_478 = tpu.memref_squeeze %get3A_477 : memref<1x128x128xf32, #tpu.memory_space<vmem>> -> memref<128x128xf32, #tpu.memory_space<vmem>>
      %get3A_479 = arith.index_cast %add3A_404 : i32 to index
      %get3A_480 = arith.constant 64 : index
      %get3A_481 = tpu.vector_load %get3A_478[%get3A_479, %get3A_480] {strides = array<i32>} : memref<128x128xf32, #tpu.memory_space<vmem>>, vector<16xf32>,
      %mul3A_482 = arith.mulf %get3A_474, %get3A_481 : vector<16xf32>
      %add3A_483 = arith.addf %add3A_467, %mul3A_482 : vector<16xf32>
      %get3A_484 = arith.constant 0 : i32
      %get3A_485 = arith.constant 0 : i32
      %get3A_486 = tpu.memref_slice %arg9[%scan3A_253, %get3A_484, %get3A_485] : memref<2x128x128xf32, #tpu.memory_space<vmem>> -> memref<1x128x128xf32, #tpu.memory_space<vmem>>
      %get3A_487 = tpu.memref_squeeze %get3A_486 : memref<1x128x128xf32, #tpu.memory_space<vmem>> -> memref<128x128xf32, #tpu.memory_space<vmem>>
      %get3A_488 = arith.index_cast %add3A_404 : i32 to index
      %get3A_489 = arith.constant 80 : index
      %get3A_490 = tpu.vector_load %get3A_487[%get3A_488, %get3A_489] {strides = array<i32>} : memref<128x128xf32, #tpu.memory_space<vmem>>, vector<16xf32>,
      %get3A_491 = arith.constant 0 : i32
      %get3A_492 = arith.constant 0 : i32
      %get3A_493 = tpu.memref_slice %arg10[%scan3A_254, %get3A_491, %get3A_492] : memref<2x128x128xf32, #tpu.memory_space<vmem>> -> memref<1x128x128xf32, #tpu.memory_space<vmem>>
      %get3A_494 = tpu.memref_squeeze %get3A_493 : memref<1x128x128xf32, #tpu.memory_space<vmem>> -> memref<128x128xf32, #tpu.memory_space<vmem>>
      %get3A_495 = arith.index_cast %add3A_404 : i32 to index
      %get3A_496 = arith.constant 80 : index
      %get3A_497 = tpu.vector_load %get3A_494[%get3A_495, %get3A_496] {strides = array<i32>} : memref<128x128xf32, #tpu.memory_space<vmem>>, vector<16xf32>,
      %mul3A_498 = arith.mulf %get3A_490, %get3A_497 : vector<16xf32>
      %add3A_499 = arith.addf %add3A_483, %mul3A_498 : vector<16xf32>
      %get3A_500 = arith.constant 0 : i32
      %get3A_501 = arith.constant 0 : i32
      %get3A_502 = tpu.memref_slice %arg9[%scan3A_253, %get3A_500, %get3A_501] : memref<2x128x128xf32, #tpu.memory_space<vmem>> -> memref<1x128x128xf32, #tpu.memory_space<vmem>>
      %get3A_503 = tpu.memref_squeeze %get3A_502 : memref<1x128x128xf32, #tpu.memory_space<vmem>> -> memref<128x128xf32, #tpu.memory_space<vmem>>
      %get3A_504 = arith.index_cast %add3A_404 : i32 to index
      %get3A_505 = arith.constant 96 : index
      %get3A_506 = tpu.vector_load %get3A_503[%get3A_504, %get3A_505] {strides = array<i32>} : memref<128x128xf32, #tpu.memory_space<vmem>>, vector<16xf32>,
      %get3A_507 = arith.constant 0 : i32
      %get3A_508 = arith.constant 0 : i32
      %get3A_509 = tpu.memref_slice %arg10[%scan3A_254, %get3A_507, %get3A_508] : memref<2x128x128xf32, #tpu.memory_space<vmem>> -> memref<1x128x128xf32, #tpu.memory_space<vmem>>
      %get3A_510 = tpu.memref_squeeze %get3A_509 : memref<1x128x128xf32, #tpu.memory_space<vmem>> -> memref<128x128xf32, #tpu.memory_space<vmem>>
      %get3A_511 = arith.index_cast %add3A_404 : i32 to index
      %get3A_512 = arith.constant 96 : index
      %get3A_513 = tpu.vector_load %get3A_510[%get3A_511, %get3A_512] {strides = array<i32>} : memref<128x128xf32, #tpu.memory_space<vmem>>, vector<16xf32>,
      %mul3A_514 = arith.mulf %get3A_506, %get3A_513 : vector<16xf32>
      %add3A_515 = arith.addf %add3A_499, %mul3A_514 : vector<16xf32>
      %get3A_516 = arith.constant 0 : i32
      %get3A_517 = arith.constant 0 : i32
      %get3A_518 = tpu.memref_slice %arg9[%scan3A_253, %get3A_516, %get3A_517] : memref<2x128x128xf32, #tpu.memory_space<vmem>> -> memref<1x128x128xf32, #tpu.memory_space<vmem>>
      %get3A_519 = tpu.memref_squeeze %get3A_518 : memref<1x128x128xf32, #tpu.memory_space<vmem>> -> memref<128x128xf32, #tpu.memory_space<vmem>>
      %get3A_520 = arith.index_cast %add3A_404 : i32 to index
      %get3A_521 = arith.constant 112 : index
      %get3A_522 = tpu.vector_load %get3A_519[%get3A_520, %get3A_521] {strides = array<i32>} : memref<128x128xf32, #tpu.memory_space<vmem>>, vector<16xf32>,
      %get3A_523 = arith.constant 0 : i32
      %get3A_524 = arith.constant 0 : i32
      %get3A_525 = tpu.memref_slice %arg10[%scan3A_254, %get3A_523, %get3A_524] : memref<2x128x128xf32, #tpu.memory_space<vmem>> -> memref<1x128x128xf32, #tpu.memory_space<vmem>>
      %get3A_526 = tpu.memref_squeeze %get3A_525 : memref<1x128x128xf32, #tpu.memory_space<vmem>> -> memref<128x128xf32, #tpu.memory_space<vmem>>
      %get3A_527 = arith.index_cast %add3A_404 : i32 to index
      %get3A_528 = arith.constant 112 : index
      %get3A_529 = tpu.vector_load %get3A_526[%get3A_527, %get3A_528] {strides = array<i32>} : memref<128x128xf32, #tpu.memory_space<vmem>>, vector<16xf32>,
      %mul3A_530 = arith.mulf %get3A_522, %get3A_529 : vector<16xf32>
      %add3A_531 = arith.addf %add3A_515, %mul3A_530 : vector<16xf32>
      %swap3A_532 = arith.index_cast %add3A_404 : i32 to index
      %swap3A_533 = arith.constant 0 : index
      %swap3A_534 = tpu.vector_load %arg12[%swap3A_532, %swap3A_533] {strides = array<i32>} : memref<128x17xf32, #tpu.memory_space<vmem>>, vector<16xf32>,
      tpu.vector_store %arg12[%swap3A_532, %swap3A_533], %add3A_531 {strides = array<i32>} : memref<128x17xf32, #tpu.memory_space<vmem>>, vector<16xf32>,
    }
    %scan3A_259 = arith.constant 64 : i32
    %scan3A_260 = arith.constant 0 : i32
    %scan3A_261 = arith.constant 0 : i32
    %scan3A_262 = arith.constant 8 : i32
    %scan3A_263 = arith.addi %scan3A_261, %scan3A_262 : i32
    %scan3A_264 = arith.constant 1 : i32
    scf.for %scan3A_268 = %scan3A_261 to %scan3A_263 step %scan3A_264  : i32 {
      %mul3A_269 = arith.constant 16 : i32
      %mul3A_270 = arith.muli %scan3A_268, %mul3A_269 : i32
      %add3A_271 = vector.broadcast %mul3A_270 : i32 to vector<16xi32>
      %add3A_272 = arith.addi %iota3A, %add3A_271 : vector<16xi32>
      %broadcast_in_dim3A = arith.constant 0 : i32
      %broadcast_in_dim3A_273 = vector.broadcast %broadcast_in_dim3A : i32 to vector<16xi32>
      %gather3A = tpu.vector_load_idx %arg12[%add3A_272, %broadcast_in_dim3A_273] : memref<128x17xf32, #tpu.memory_space<vmem>>[vector<16xi32>, vector<16xi32>], vector<16xf32>,
      %broadcast_in_dim3A_274 = arith.constant 1 : i32
      %broadcast_in_dim3A_275 = vector.broadcast %broadcast_in_dim3A_274 : i32 to vector<16xi32>
      %gather3A_276 = tpu.vector_load_idx %arg12[%add3A_272, %broadcast_in_dim3A_275] : memref<128x17xf32, #tpu.memory_space<vmem>>[vector<16xi32>, vector<16xi32>], vector<16xf32>,
      %add3A_277 = arith.addf %gather3A, %gather3A_276 : vector<16xf32>
      %broadcast_in_dim3A_278 = arith.constant 2 : i32
      %broadcast_in_dim3A_279 = vector.broadcast %broadcast_in_dim3A_278 : i32 to vector<16xi32>
      %gather3A_280 = tpu.vector_load_idx %arg12[%add3A_272, %broadcast_in_dim3A_279] : memref<128x17xf32, #tpu.memory_space<vmem>>[vector<16xi32>, vector<16xi32>], vector<16xf32>,
      %add3A_281 = arith.addf %add3A_277, %gather3A_280 : vector<16xf32>
      %broadcast_in_dim3A_282 = arith.constant 3 : i32
      %broadcast_in_dim3A_283 = vector.broadcast %broadcast_in_dim3A_282 : i32 to vector<16xi32>
      %gather3A_284 = tpu.vector_load_idx %arg12[%add3A_272, %broadcast_in_dim3A_283] : memref<128x17xf32, #tpu.memory_space<vmem>>[vector<16xi32>, vector<16xi32>], vector<16xf32>,
      %add3A_285 = arith.addf %add3A_281, %gather3A_284 : vector<16xf32>
      %broadcast_in_dim3A_286 = arith.constant 4 : i32
      %broadcast_in_dim3A_287 = vector.broadcast %broadcast_in_dim3A_286 : i32 to vector<16xi32>
      %gather3A_288 = tpu.vector_load_idx %arg12[%add3A_272, %broadcast_in_dim3A_287] : memref<128x17xf32, #tpu.memory_space<vmem>>[vector<16xi32>, vector<16xi32>], vector<16xf32>,
      %add3A_289 = arith.addf %add3A_285, %gather3A_288 : vector<16xf32>
      %broadcast_in_dim3A_290 = arith.constant 5 : i32
      %broadcast_in_dim3A_291 = vector.broadcast %broadcast_in_dim3A_290 : i32 to vector<16xi32>
      %gather3A_292 = tpu.vector_load_idx %arg12[%add3A_272, %broadcast_in_dim3A_291] : memref<128x17xf32, #tpu.memory_space<vmem>>[vector<16xi32>, vector<16xi32>], vector<16xf32>,
      %add3A_293 = arith.addf %add3A_289, %gather3A_292 : vector<16xf32>
      %broadcast_in_dim3A_294 = arith.constant 6 : i32
      %broadcast_in_dim3A_295 = vector.broadcast %broadcast_in_dim3A_294 : i32 to vector<16xi32>
      %gather3A_296 = tpu.vector_load_idx %arg12[%add3A_272, %broadcast_in_dim3A_295] : memref<128x17xf32, #tpu.memory_space<vmem>>[vector<16xi32>, vector<16xi32>], vector<16xf32>,
      %add3A_297 = arith.addf %add3A_293, %gather3A_296 : vector<16xf32>
      %broadcast_in_dim3A_298 = arith.constant 7 : i32
      %broadcast_in_dim3A_299 = vector.broadcast %broadcast_in_dim3A_298 : i32 to vector<16xi32>
      %gather3A_300 = tpu.vector_load_idx %arg12[%add3A_272, %broadcast_in_dim3A_299] : memref<128x17xf32, #tpu.memory_space<vmem>>[vector<16xi32>, vector<16xi32>], vector<16xf32>,
      %add3A_301 = arith.addf %add3A_297, %gather3A_300 : vector<16xf32>
      %broadcast_in_dim3A_302 = arith.constant 8 : i32
      %broadcast_in_dim3A_303 = vector.broadcast %broadcast_in_dim3A_302 : i32 to vector<16xi32>
      %gather3A_304 = tpu.vector_load_idx %arg12[%add3A_272, %broadcast_in_dim3A_303] : memref<128x17xf32, #tpu.memory_space<vmem>>[vector<16xi32>, vector<16xi32>], vector<16xf32>,
      %add3A_305 = arith.addf %add3A_301, %gather3A_304 : vector<16xf32>
      %broadcast_in_dim3A_306 = arith.constant 9 : i32
      %broadcast_in_dim3A_307 = vector.broadcast %broadcast_in_dim3A_306 : i32 to vector<16xi32>
      %gather3A_308 = tpu.vector_load_idx %arg12[%add3A_272, %broadcast_in_dim3A_307] : memref<128x17xf32, #tpu.memory_space<vmem>>[vector<16xi32>, vector<16xi32>], vector<16xf32>,
      %add3A_309 = arith.addf %add3A_305, %gather3A_308 : vector<16xf32>
      %broadcast_in_dim3A_310 = arith.constant 10 : i32
      %broadcast_in_dim3A_311 = vector.broadcast %broadcast_in_dim3A_310 : i32 to vector<16xi32>
      %gather3A_312 = tpu.vector_load_idx %arg12[%add3A_272, %broadcast_in_dim3A_311] : memref<128x17xf32, #tpu.memory_space<vmem>>[vector<16xi32>, vector<16xi32>], vector<16xf32>,
      %add3A_313 = arith.addf %add3A_309, %gather3A_312 : vector<16xf32>
      %broadcast_in_dim3A_314 = arith.constant 11 : i32
      %broadcast_in_dim3A_315 = vector.broadcast %broadcast_in_dim3A_314 : i32 to vector<16xi32>
      %gather3A_316 = tpu.vector_load_idx %arg12[%add3A_272, %broadcast_in_dim3A_315] : memref<128x17xf32, #tpu.memory_space<vmem>>[vector<16xi32>, vector<16xi32>], vector<16xf32>,
      %add3A_317 = arith.addf %add3A_313, %gather3A_316 : vector<16xf32>
      %broadcast_in_dim3A_318 = arith.constant 12 : i32
      %broadcast_in_dim3A_319 = vector.broadcast %broadcast_in_dim3A_318 : i32 to vector<16xi32>
      %gather3A_320 = tpu.vector_load_idx %arg12[%add3A_272, %broadcast_in_dim3A_319] : memref<128x17xf32, #tpu.memory_space<vmem>>[vector<16xi32>, vector<16xi32>], vector<16xf32>,
      %add3A_321 = arith.addf %add3A_317, %gather3A_320 : vector<16xf32>
      %broadcast_in_dim3A_322 = arith.constant 13 : i32
      %broadcast_in_dim3A_323 = vector.broadcast %broadcast_in_dim3A_322 : i32 to vector<16xi32>
      %gather3A_324 = tpu.vector_load_idx %arg12[%add3A_272, %broadcast_in_dim3A_323] : memref<128x17xf32, #tpu.memory_space<vmem>>[vector<16xi32>, vector<16xi32>], vector<16xf32>,
      %add3A_325 = arith.addf %add3A_321, %gather3A_324 : vector<16xf32>
      %broadcast_in_dim3A_326 = arith.constant 14 : i32
      %broadcast_in_dim3A_327 = vector.broadcast %broadcast_in_dim3A_326 : i32 to vector<16xi32>
      %gather3A_328 = tpu.vector_load_idx %arg12[%add3A_272, %broadcast_in_dim3A_327] : memref<128x17xf32, #tpu.memory_space<vmem>>[vector<16xi32>, vector<16xi32>], vector<16xf32>,
      %add3A_329 = arith.addf %add3A_325, %gather3A_328 : vector<16xf32>
      %broadcast_in_dim3A_330 = arith.constant 15 : i32
      %broadcast_in_dim3A_331 = vector.broadcast %broadcast_in_dim3A_330 : i32 to vector<16xi32>
      %gather3A_332 = tpu.vector_load_idx %arg12[%add3A_272, %broadcast_in_dim3A_331] : memref<128x17xf32, #tpu.memory_space<vmem>>[vector<16xi32>, vector<16xi32>], vector<16xf32>,
      %add3A_333 = arith.addf %add3A_329, %gather3A_332 : vector<16xf32>
      %abs3A = math.absf %add3A_333 : vector<16xf32>
      %neg3A = arith.constant 0.000000e+00 : f32
      %neg3A_334 = vector.broadcast %neg3A : f32 to vector<16xf32>
      %neg3A_335 = arith.subf %neg3A_334, %abs3A : vector<16xf32>
      %exp3A = math.exp %neg3A_335 : vector<16xf32>
      %add3A_336 = arith.constant 2.000000e+00 : f32
      %add3A_337 = vector.broadcast %add3A_336 : f32 to vector<16xf32>
      %add3A_338 = arith.addf %exp3A, %add3A_337 : vector<16xf32>
      %div3A = arith.divf %exp3A, %add3A_338 : vector<16xf32>
      %mul3A_339 = arith.mulf %div3A, %div3A : vector<16xf32>
      %mul3A_340 = arith.constant 0.0909090936 : f32
      %mul3A_341 = vector.broadcast %mul3A_340 : f32 to vector<16xf32>
      %mul3A_342 = arith.mulf %mul3A_341, %mul3A_339 : vector<16xf32>
      %add3A_343 = arith.constant 0.111111112 : f32
      %add3A_344 = vector.broadcast %add3A_343 : f32 to vector<16xf32>
      %add3A_345 = arith.addf %mul3A_342, %add3A_344 : vector<16xf32>
      %mul3A_346 = arith.mulf %add3A_345, %mul3A_339 : vector<16xf32>
      %add3A_347 = arith.constant 0.142857149 : f32
      %add3A_348 = vector.broadcast %add3A_347 : f32 to vector<16xf32>
      %add3A_349 = arith.addf %mul3A_346, %add3A_348 : vector<16xf32>
      %mul3A_350 = arith.mulf %add3A_349, %mul3A_339 : vector<16xf32>
      %add3A_351 = arith.constant 2.000000e-01 : f32
      %add3A_352 = vector.broadcast %add3A_351 : f32 to vector<16xf32>
      %add3A_353 = arith.addf %mul3A_350, %add3A_352 : vector<16xf32>
      %mul3A_354 = arith.mulf %add3A_353, %mul3A_339 : vector<16xf32>
      %add3A_355 = arith.constant 0.333333343 : f32
      %add3A_356 = vector.broadcast %add3A_355 : f32 to vector<16xf32>
      %add3A_357 = arith.addf %mul3A_354, %add3A_356 : vector<16xf32>
      %mul3A_358 = arith.mulf %add3A_357, %mul3A_339 : vector<16xf32>
      %add3A_359 = arith.constant 1.000000e+00 : f32
      %add3A_360 = vector.broadcast %add3A_359 : f32 to vector<16xf32>
      %add3A_361 = arith.addf %mul3A_358, %add3A_360 : vector<16xf32>
      %mul3A_362 = arith.constant 2.000000e+00 : f32
      %mul3A_363 = vector.broadcast %mul3A_362 : f32 to vector<16xf32>
      %mul3A_364 = arith.mulf %mul3A_363, %div3A : vector<16xf32>
      %mul3A_365 = arith.mulf %mul3A_364, %add3A_361 : vector<16xf32>
      %min3A = arith.constant 0.000000e+00 : f32
      %min3A_366 = vector.broadcast %min3A : f32 to vector<16xf32>
      %min3A_367 = arith.minimumf %add3A_333, %min3A_366 : vector<16xf32>
      %sub3A = arith.subf %min3A_367, %mul3A_365 : vector<16xf32>
      %mul3A_368 = arith.constant 16 : i32
      %mul3A_369 = arith.muli %scan3A_268, %mul3A_368 : i32
      %add3A_370 = arith.constant 384 : i32
      %add3A_371 = arith.addi %add3A_370, %mul3A_369 : i32
      %swap3A = arith.index_cast %add3A_371 : i32 to index
      %swap3A_372 = tpu.vector_load %arg11[%swap3A] {strides = array<i32>} : memref<512xf32, #tpu.memory_space<vmem>>, vector<16xf32>,
      tpu.vector_store %arg11[%swap3A], %sub3A {strides = array<i32>} : memref<512xf32, #tpu.memory_space<vmem>>, vector<16xf32>,
    }
    %scan3A_265 = arith.constant 8 : i32
    %mul3A_266 = arith.constant 512 : i32
    %mul3A_267 = arith.muli %add3A, %mul3A_266 : i32
    "tpu.region"() ({
      %run_scoped3A = tpu.sem_alloc : memref<!tpu.dma_semaphore, #tpu.memory_space<semaphore_mem>>
      %dma_start3A_268 = tpu.memref_slice %arg6[%mul3A_267] : memref<16384xf32, #tpu.memory_space<hbm>> -> memref<512xf32, #tpu.memory_space<hbm>>
      %dma_start3A_269 = tpu.memref_slice %arg6[%mul3A_267] : memref<16384xf32, #tpu.memory_space<hbm>> -> memref<512xf32, #tpu.memory_space<hbm>>
      tpu.enqueue_dma source(%arg11 : memref<512xf32, #tpu.memory_space<vmem>>) target(%dma_start3A_269 : memref<512xf32, #tpu.memory_space<hbm>>) target_semaphore(%run_scoped3A : memref<!tpu.dma_semaphore, #tpu.memory_space<semaphore_mem>>)
      %dma_wait3A_270 = tpu.memref_slice %arg6[%mul3A_267] : memref<16384xf32, #tpu.memory_space<hbm>> -> memref<512xf32, #tpu.memory_space<hbm>>
      %dma_wait3A_271 = tpu.memref_slice %arg6[%mul3A_267] : memref<16384xf32, #tpu.memory_space<hbm>> -> memref<512xf32, #tpu.memory_space<hbm>>
      tpu.wait_dma2 semaphore(%run_scoped3A : memref<!tpu.dma_semaphore, #tpu.memory_space<semaphore_mem>>) src(%arg11 : memref<512xf32, #tpu.memory_space<vmem>>) dst(%dma_wait3A_271 : memref<512xf32, #tpu.memory_space<hbm>>)
      tpu.yield
    }) : () -> ()
    return
  }
}

</mosaic_0001>

<sc_bundles>
// kernel: kernel.3.cloned.1.call-start
scs
__scs_entry_jumppad:
0x0: {  	(pc) =	sbr.rel $0x88, $3  }
0x1: {  	(tag) =	ssettag $0x0;
	lr =	simm.s32 $0x1  }
0x2: {  	[smem:$0x3F9D] =	sst lr;
	_ =	strace $0xD0000000  }
0x3: {  	_ = 	snop  }
0x4: {  	_ = 	snop  }
0x5: {  	_ = 	snop  }
0x6: {  	_ = 	snop  }
0x7: {  	_ = 	snop  }
__scs_overlays_trampoline_lowered:
0x8: {  	[smem:$0x3FAC] =	sst s0  }
0x9: {  	[smem:$0x3FAD] =	sst s1  }
0xa: {  	[smem:$0x3FAE] =	sst s2  }
0xb: {  	[smem:$0x3FAF] =	sst s3  }
0xc: {  	[smem:$0x3FB0] =	sst s4  }
0xd: {  	[smem:$0x3FB1] =	sst s5  }
0xe: {  	[smem:$0x3FB2] =	sst s6  }
0xf: {  	[smem:$0x3FB3] =	sst s7  }
0x10: {  	[smem:$0x3FB4] =	sst s8  }
0x11: {  	[smem:$0x3FB5] =	sst s9;
	s0 =	simm.s32 @!p0 $0x0  }
0x12: {  	s1 =	sld [smem:$0x3F9B];
	s0 =	simm.s32 @p0 $0x1  }
0x13: {  	[smem:$0x3FB6] =	sst s0;
	s0 =	simm.s32 @!p1 $0x0  }
0x14: {  	s2 =	sld [smem:$0x3F9A];
	s0 =	simm.s32 @p1 $0x1  }
0x15: {  	[smem:$0x3FB7] =	sst s0;
	s0 =	simm.s32 @!p2 $0x0  }
0x16: {  	s3 =	sld [smem:$0x3FDB];
	s0 =	simm.s32 @p2 $0x1  }
0x17: {  	s4 =	simm.s32 $0x1BF5;
	[smem:$0x3FB9] =	sst s0  }
0x18: {  	s0 =	sld [smem:$0x3F9C];
	_ =	swait.ge [sflag:s4], $0x0  }
0x19: {  	s7 =	sld [smem:$0x3F9D]  }
0x1a: {  	s8 =	sadd.s32 $0xFFFFE003, lr  }
0x1b: {  	s9 =	sadd.s32 $0xFFFFFEF7, lr;
	s5 =	simm.s32 $0xFFFFFFFF;
	p2 =	slt.u32 s8, $0xFFFFF086  }
0x1c: {  	p1 =	slt.u32 s9, $0xF7A;
	s5 =	simm.s32 @!p2 $0x0  }
0x1d: {  	s5 =	simm.s32 @p1 $0x1;
	p0 =	seq.s32 s7, s2  }
0x1e: {  	s7 =	smul.u32 @!p0 $0xF7A, s2;
	p2 =	seq.s32 @!p0 s5, $0x0  }
0x1f: {  	s9 =	smul.u32 $0xF7A, s1;
	s8 =	simm.s32 @!p0 $0x1BF5;
	p2 =	por !p2, p0  }
0x20: {  	[sflag:s8] =	ssyncset.s32 @!p0 $0xFFFFF086;
	s6 =	sadd.s32 @!p0 s3, s7;
	s7 =	simm.s32 @!p0 $0x108  }
0x21: {  	s3 =	sadd.s32 s3, s9;
	s6 =	sadd.s32 @!p0 $0x88, s6;
	s7 =	simm.s32 @p2 $0x1082  }
0x22: {  	[simem:s7], [sflag:s8] =	dma.local @!p0 [hbm:s6], $0xF7A  }
0x23: {  	s9 =	sor.u32 $0xD0000000, s2;
	s6 =	simm.s32 $0x108;
	_ =	swait.ge @!p0 [sflag:s8], $0x0  }
0x24: {  	s3 =	sadd.s32 $0x88, s3;
	s6 =	simm.s32 @!p1 $0x1082;
	[sflag:s4] =	ssyncset.s32 $0xFFFFF086  }
0x25: {  	[simem:s6], [sflag:s4] =	dma.local [hbm:s3], $0xF7A  }
0x26: {  	[smem:$0x3F9D] =	sst s1;
	(tag) =	ssettag s2;
	_ =	strace s9  }
0x27: {  	s1 =	sld [smem:$0x3FAD]  }
0x28: {  	s2 =	sld [smem:$0x3FAE]  }
0x29: {  	s4 =	sld [smem:$0x3FB0]  }
0x2a: {  	p0 =	seq.s32 s5, $0x0;
	s5 =	sld [smem:$0x3FB1]  }
0x2b: {  	s6 =	sld [smem:$0x3FB2]  }
0x2c: {  	s7 =	sld [smem:$0x3FB3]  }
0x2d: {  	s3 =	simm.s32 $0x108;
	s8 =	sld [smem:$0x3FB4]  }
0x2e: {  	s3 =	simm.s32 @!p0 $0x1082;
	s9 =	sld [smem:$0x3FB5]  }
0x2f: {  	lr =	sadd.s32 s0, s3;
	s0 =	sld [smem:$0x3FAC]  }
0x30: {  	s3 =	sld [smem:$0x3FAF]  }
0x31: {  	[smem:$0x3FB8] =	sst s10  }
0x32: {  	s10 =	sld [smem:$0x3FB6];
	_ =	sdelay $0x3  }
0x33: {  	p0 =	seq.s32 s10, $0x1;
	s10 =	sld [smem:$0x3FB8];
	_ =	sdelay $0x3  }
0x34: {  	[smem:$0x3FB8] =	sst s10  }
0x35: {  	s10 =	sld [smem:$0x3FB7];
	_ =	sdelay $0x3  }
0x36: {  	p1 =	seq.s32 s10, $0x1;
	s10 =	sld [smem:$0x3FB8];
	_ =	sdelay $0x3  }
0x37: {  	[smem:$0x3FB8] =	sst s10  }
0x38: {  	s10 =	sld [smem:$0x3FB9]  }
0x39: {  	_ = 	snop;
	(pc) =	sbr.ind lr, $3  }
0x3a: {  	_ = 	snop  }
0x3b: {  	_ = 	snop  }
0x3c: {  	p2 =	seq.s32 s10, $0x1;
	s10 =	sld [smem:$0x3FB8]  }
0x3d: {  	_ =	shalt  }
0x3e: {  	_ =	shalt  }
0x3f: {  	_ =	shalt  }
0x40: {  	_ =	shalt  }
0x41: {  	_ =	shalt  }
0x42: {  	_ =	shalt  }
0x43: {  	_ =	shalt  }
0x44: {  	_ =	shalt  }
0x45: {  	_ =	shalt  }
0x46: {  	_ =	shalt  }
0x47: {  	_ =	shalt  }
0x48: {  	_ =	shalt  }
0x49: {  	_ =	shalt  }
0x4a: {  	_ =	shalt  }
0x4b: {  	_ =	shalt  }
0x4c: {  	_ =	shalt  }
0x4d: {  	_ =	shalt  }
0x4e: {  	_ =	shalt  }
0x4f: {  	_ =	shalt  }
0x50: {  	_ =	shalt  }
0x51: {  	_ =	shalt  }
0x52: {  	_ =	shalt  }
0x53: {  	_ =	shalt  }
0x54: {  	_ =	shalt  }
0x55: {  	_ =	shalt  }
0x56: {  	_ =	shalt  }
0x57: {  	_ =	shalt  }
0x58: {  	_ =	shalt  }
0x59: {  	_ =	shalt  }
0x5a: {  	_ =	shalt  }
0x5b: {  	_ =	shalt  }
0x5c: {  	_ =	shalt  }
0x5d: {  	_ =	shalt  }
0x5e: {  	_ =	shalt  }
0x5f: {  	_ =	shalt  }
0x60: {  	_ =	shalt  }
0x61: {  	_ =	shalt  }
0x62: {  	_ =	shalt  }
0x63: {  	_ =	shalt  }
0x64: {  	_ =	shalt  }
0x65: {  	_ =	shalt  }
0x66: {  	_ =	shalt  }
0x67: {  	_ =	shalt  }
0x68: {  	_ =	shalt  }
0x69: {  	_ =	shalt  }
0x6a: {  	_ =	shalt  }
0x6b: {  	_ =	shalt  }
0x6c: {  	_ =	shalt  }
0x6d: {  	_ =	shalt  }
0x6e: {  	_ =	shalt  }
0x6f: {  	_ =	shalt  }
0x70: {  	_ =	shalt  }
0x71: {  	_ =	shalt  }
0x72: {  	_ =	shalt  }
0x73: {  	_ =	shalt  }
0x74: {  	_ =	shalt  }
0x75: {  	_ =	shalt  }
0x76: {  	_ =	shalt  }
0x77: {  	_ =	shalt  }
0x78: {  	_ =	shalt  }
0x79: {  	_ =	shalt  }
0x7a: {  	_ =	shalt  }
0x7b: {  	_ =	shalt  }
0x7c: {  	_ =	shalt  }
0x7d: {  	_ =	shalt  }
0x7e: {  	_ =	shalt  }
0x7f: {  	_ =	shalt  }
0x80: {  	_ =	shalt  }
0x81: {  	_ =	shalt  }
0x82: {  	_ =	shalt  }
0x83: {  	_ =	shalt  }
0x84: {  	_ =	shalt  }
0x85: {  	_ =	shalt  }
0x86: {  	_ =	shalt  }
0x87: {  	_ =	shalt  }
.Lfunc_end0:
.L_simem_size_0:
called_computation_lowered:
.L_overlay_start_0:
0x88: {  	s2 =	sld [smem:$0x3FD9]  }
0x89: {  	s3 =	sld [smem:$0x3FFE];
	_ =	sdelay $0x1  }
0x8a: {  	s1 =	srdreg.scid  }
0x8b: {  	s0 =	sand.u32 $0x1, s1  }
0x8c: {  	s18 =	sshll.u32 s0, $0xA;
	s2 =	sadd.s32 s3, s2  }
0x8d: {  	s2 =	sadd.s32 s2, s18  }
0x8e: {  	[smem:$0x3FC4] =	sst s2  }
0x8f: {  	_ = 	snop  }
0x90: {  	s2 =	sld [smem:$0x3FC9]  }
0x91: {  	s19 =	sld [smem:$0x3FC8]  }
0x92: {  	s4 =	sld [smem:$0x3FC7]  }
0x93: {  	s5 =	sld [smem:$0x3FC6]  }
0x94: {  	s6 =	sld [smem:$0x3FD0];
	(tm) =	ssettm $0x1  }
0x95: {  	s7 =	sld [smem:$0x3FFB];
	_ =	sdelay $0x3  }
0x96: {  	_ =	strace s7  }
0x97: {  	s7 =	sld [smem:$0x3FFC];
	_ =	sdelay $0x3  }
0x98: {  	_ =	strace s7  }
0x99: {  	s7 =	sld [smem:$0x3FFD];
	_ =	sdelay $0x3  }
0x9a: {  	_ =	strace s7  }
0x9b: {  	_ =	strace $0x8FFFFFFF  }
0x9c: {  	s20 =	sld [smem:$0x3FDB];
	_ =	sdelay $0x1  }
0x9d: {  	s8 =	simm.s32 $_scs_section_size  }
0x9e: {  	s9 =	simm.s32 $_size__tile_overlayer_lowered;
	s10 =	simm.s32 $_tile_overlayer_lowered  }
0x9f: {  	s23 =	simm.s32 $0x1BFF;
	s22 =	sshll.u32 s10, $0x1;
	s7 =	sadd.s32 s8, s20  }
0xa0: {  	s11 =	simm.s32 $0x0;
	s21 =	sshll.u32 s9, $0x1;
	s9 =	sadd.s32 s22, s7  }
0xa1: {  	[timem:s11], [sflag:s23] =	dma.local [hbm:s9], s21  }
0xa2: {  	_ =	swait.ge [sflag:s23], s21  }
0xa3: {  	s8 =	ssub.s32 $0x0, s21;
	[sflag:s23] =	ssyncset.done $0x0  }
0xa4: {  	[sflag:s23] =	ssyncadd.s32 s8;
	_ =	sdelay $0x1  }
0xa5: {  	s24 =	simm.s32 $0x1B8B  }
0xa6: {  	_ =	swait.ge [sflag:s24], $0x1  }
0xa7: {  	[sflag:s24] =	ssyncset.done $0x0  }
0xa8: {  	s25 =	simm.s32 $0x1B8E;
	[sflag:s24] =	ssyncadd.s32 $0xFFFFFFFF  }
0xa9: {  	s26 =	simm.s32 $execute0_lowered;
	[smem:$0x3FD2] =	sst s25  }
0xaa: {  	s8 =	sshll.u32 s26, $0x1;
	_ =	strace $0x80000046;
	[dreg:$0x1] =	wrdreg $0xFFFFFFFF  }
0xab: {  	s28 =	simm.s32 $_size_execute0_lowered;
	s7 =	sadd.s32 s7, s8;
	[dreg:$0x0] =	wrdreg $0x0  }
0xac: {  	s8 =	sshll.u32 s28, $0x1;
	[dreg:$0x2] =	wrdreg s7  }
0xad: {  	[dreg:$0x3] =	wrdreg s8  }
0xae: {  	[dreg:$0x4] =	wrdreg $0xC0  }
0xaf: {  	_ =	task [dreg:s11], $0x5FFFF  }
0xb0: {  	[dreg:$0x1] =	wrdreg $0xFFFFFFFF  }
0xb1: {  	[dreg:$0x0] =	wrdreg $0x60  }
0xb2: {  	[dreg:$0x2] =	wrdreg s2  }
0xb3: {  	[dreg:$0x3] =	wrdreg s19  }
0xb4: {  	[dreg:$0x4] =	wrdreg s4  }
0xb5: {  	[dreg:$0x5] =	wrdreg s5  }
0xb6: {  	[dreg:$0x6] =	wrdreg s6  }
0xb7: {  	[dreg:$0x7] =	wrdreg $0x9  }
0xb8: {  	_ =	task.clear_ibuf [dreg:s11], $0x8FFFF;
	_ =	strace $0x90000046  }
0xb9: {  	s29 =	simm.s32 $0x9;
	_ =	strace $0x80000048  }
0xba: {  	_ =	swait.ge [sflag:s29], $0x1  }
0xbb: {  	[sflag:s29] =	ssyncadd.s32 $0xFFFFFFFF  }
0xbc: {  	_ =	strace $0x90000048  }
0xbd: {  	_ =	sfence  }
0xbe: {  	s30 =	sld [smem:$0x0];
	_ =	sdelay $0x2  }
0xbf: {  	s31 =	sshll.u32 s1, $0xD;
	s1 =	sshrl.u32 s1, $0x2  }
0xc0: {  	s3 =	sand.u32 $0x4000, s31;
	s1 =	sadd.s32 s1, s30  }
0xc1: {  	s0 =	sor.u32 s3, s0;
	s1 =	sshll.u32 s1, $0x11  }
0xc2: {  	s0 =	sor.u32 s1, s0  }
0xc3: {  	s0 =	sadd.s32 $0x8F2B, s0  }
0xc4: {  	[sflag:s0] =	ssyncadd.remote.s32 $0x1  }
0xc5: {  	_ =	sfence.sel $0xFFFF  }
0xc6: {  	[dreg:$0x0] =	wrdreg $0xFFFFFFFF;
	(pc) =	sbr.abs _section_cstart, $3  }
0xc7: {  	[dreg:$0x1] =	wrdreg $0xFFFFFFFF  }
0xc8: {  	_ =	task.clear_ibuf [dreg:s11], $0x2FFFF;
	_ =	strace $0x9FFFFFFF  }
0xc9: {  	(tm) =	ssettm $0x7FFFFFFF  }
tec
execute0_lowered:
.L_overlay_start_1:
0x0: {  	(tag) =	ssettag $0x1  }
0x1: {  	s0 =	rddreg [dreg:$0x0]  }
0x2: {  	s6 =	rddreg [dreg:$0x1]  }
0x3: {  	s1 =	rddreg [dreg:$0x2]  }
0x4: {  	s2 =	rddreg [dreg:$0x3]  }
0x5: {  	s7 =	rddreg [dreg:$0x4]  }
0x6: {  	s3 =	srdreg.scid;
	s4 =	simm.s32 $0x0;
	s12 =	simm.s32 $0x80  }
0x7: {  	s13 =	simm.s32 $0x400;
	s14 =	simm.s32 $0x8400;
	s15 =	simm.s32 $0x4400  }
0x8: {  	s16 =	simm.s32 $0x280;
	s17 =	simm.s32 $0xC400;
	s18 =	simm.s32 $0x1  }
0x9: {  	s19 =	simm.s32 $0x2;
	s20 =	simm.s32 $0x10600;
	s21 =	simm.s32 $0x100  }
0xa: {  	s22 =	simm.s32 $0x300;
	s23 =	simm.s32 $0x180;
	s24 =	simm.s32 $0x380  }
0xb: {  	s25 =	simm.s32 $0x10400;
	s26 =	simm.s32 $0x5;
	s28 =	simm.s32 $0x0  }
0xc: {  	s5 =	sand.u32 $0x1, s3;
	[smem:$0x7FF] =	sst s4;
	s3 =	stileid.u32  }
0xd: {  	s8 =	ssub.s32 $0x2, s5;
	s10 =	sshll.u32 s3, $0x7;
	s11 =	sshll.u32 s5, $0x6  }
0xe: {  	_ =	strace $0x80000047;
	s9 =	sshrl.u32 s8, $0x1;
	s30 =	sor.u32 s11, s10  }
0xf: {  	v0 =	vlaneseq.u32;
	s31 =	sadd.s32 s7, s11;
	s11 =	simm.s32 $0x4;
	s8 =	ssub.s32 s8, s9  }
0x10: {  	v0 =	vmul.u32 $0x80, v0;
	s5 =	sadd.s32 s0, s30;
	s6 =	sadd.s32 s6, s30;
	s7 =	sadd.s32 s10, s31  }
0x11: {  	s9 =	simm.s32 $0x200;
	s10 =	simm.s32 $0x3;
	s8 =	smax.u32 s8, $0x1  }
.LBB2_1:
0x12: {  	[tilespmem:s4], [sflag:$0x3] =	stream.linear.gather [hbm4b:s5+s4], $0x200, $0x38;
	[tilespmem:$0x14600] =	vst v63  }
0x13: {  	_ = 	snop  }
0x14: {  	[tilespmem:s9], [sflag:$0x4] =	stream.linear.gather [hbm4b:s6+s4], $0x200, $0x38;
	[tilespmem:$0x14600] =	vst v63  }
0x15: {  	_ =	swait.ge [sflag:s10], $0x200  }
0x16: {  	[sflag:s10] =	ssyncset.done $0x0  }
0x17: {  	[sflag:s10] =	ssyncadd.s32 $0xFFFFFE00  }
0x18: {  	_ =	swait.ge [sflag:s11], $0x200  }
0x19: {  	[sflag:s11] =	ssyncset.done $0x0  }
0x1a: {  	[sflag:s11] =	ssyncadd.s32 $0xFFFFFE00  }
0x1b: {  	[tilespmem:s13], [sflag:$0x1] =	stream.indirect.gather [hbm4b:s1+s12], $0x80, s4, s12, $0xb8;
	[tilespmem:$0x14600] =	vst v63  }
0x1c: {  	_ = 	snop  }
0x1d: {  	[tilespmem:s14], [sflag:$0x2] =	stream.indirect.gather [hbm4b:s2+s12], $0x80, s9, s12, $0xb8;
	[tilespmem:$0x14600] =	vst v63  }
0x1e: {  	_ = 	snop  }
0x1f: {  	[tilespmem:s15], [sflag:$0x3] =	stream.indirect.gather [hbm4b:s1+s12], $0x80, s12, s12, $0xb8;
	[tilespmem:$0x14600] =	vst v63  }
0x20: {  	_ = 	snop  }
0x21: {  	[tilespmem:s17], [sflag:$0x4] =	stream.indirect.gather [hbm4b:s2+s12], $0x80, s16, s12, $0xb8;
	[tilespmem:$0x14600] =	vst v63  }
0x22: {  	_ =	swait.ge [sflag:s18], $0x4000  }
0x23: {  	[sflag:s18] =	ssyncset.done $0x0  }
0x24: {  	[sflag:s18] =	ssyncadd.s32 $0xFFFFC000  }
0x25: {  	_ =	swait.ge [sflag:s19], $0x4000  }
0x26: {  	[sflag:s19] =	ssyncset.done $0x0  }
0x27: {  	s29 =	simm.s32 $0x0;
	[sflag:s19] =	ssyncadd.s32 $0xFFFFC000  }
0x28: {  	v1 =	vld [tilespmem:s29+$0x480]  }
0x29: {  	v2 =	vld [tilespmem:s29+$0x8480]  }
0x2a: {  	v3 =	vld [tilespmem:s29+$0x490]  }
0x2b: {  	v4 =	vld [tilespmem:s29+$0x8490]  }
0x2c: {  	v5 =	vld [tilespmem:s29+$0x4A0]  }
0x2d: {  	v6 =	vld [tilespmem:s29+$0x84A0]  }
0x2e: {  	v7 =	vld [tilespmem:s29+$0x4B0]  }
0x2f: {  	v8 =	vld [tilespmem:s29+$0x84B0]  }
0x30: {  	v9 =	vld [tilespmem:s29+$0x4C0]  }
0x31: {  	v62 =	vld [tilespmem:s29+$0x400];
	v1 =	vmul.f32 v2, v1;
	v2 =	vmul.f32 v4, v3  }
0x32: {  	v3 =	vld [tilespmem:s29+$0x84C0]  }
0x33: {  	v4 =	vld [tilespmem:s29+$0x4D0];
	v1 =	vadd.f32 v2, v1;
	v2 =	vmul.f32 v6, v5  }
0x34: {  	v5 =	vld [tilespmem:s29+$0x84D0]  }
0x35: {  	v6 =	vld [tilespmem:s29+$0x4E0];
	v1 =	vadd.f32 v2, v1;
	v2 =	vmul.f32 v8, v7  }
0x36: {  	v7 =	vld [tilespmem:s29+$0x84E0]  }
0x37: {  	v8 =	vld [tilespmem:s29+$0x4F0];
	v1 =	vadd.f32 v2, v1;
	v2 =	vmul.f32 v3, v9  }
0x38: {  	v3 =	vld [tilespmem:s29+$0x84F0]  }
0x39: {  	v1 =	vadd.f32 v2, v1;
	v2 =	vmul.f32 v5, v4;
	v4 =	vld [tilespmem:s29+$0x8400]  }
0x3a: {  	v5 =	vld [tilespmem:s29+$0x410]  }
0x3b: {  	v1 =	vadd.f32 v2, v1;
	v2 =	vmul.f32 v7, v6;
	v6 =	vld [tilespmem:s29+$0x8410]  }
0x3c: {  	v7 =	vld [tilespmem:s29+$0x420]  }
0x3d: {  	v1 =	vadd.f32 v2, v1;
	v2 =	vmul.f32 v3, v8;
	v3 =	vld [tilespmem:s29+$0x8420]  }
0x3e: {  	v8 =	vld [tilespmem:s29+$0x430]  }
0x3f: {  	v1 =	vadd.f32 v2, v1;
	v2 =	vld [tilespmem:s29+$0x8430]  }
0x40: {  	v10 =	vld [tilespmem:s29+$0x440];
	v4 =	vmul.f32 v4, v62;
	v5 =	vmul.f32 v6, v5  }
0x41: {  	[tilespmem:s29+$0x10680] =	vst v1;
	v1 =	vld [tilespmem:s29+$0x8440]  }
0x42: {  	v6 =	vld [tilespmem:s29+$0x450];
	v4 =	vadd.f32 v5, v4;
	v3 =	vmul.f32 v3, v7  }
0x43: {  	v7 =	vld [tilespmem:s29+$0x8450]  }
0x44: {  	v63 =	vld [tilespmem:s29+$0x8460];
	v3 =	vadd.f32 v3, v4;
	v2 =	vmul.f32 v2, v8  }
0x45: {  	v8 =	vld [tilespmem:s29+$0x460]  }
0x46: {  	v5 =	vld [tilespmem:s29+$0x8470];
	v2 =	vadd.f32 v2, v3;
	v4 =	vmul.f32 v1, v10  }
0x47: {  	s30 =	simm.s32 $0x100;
	v3 =	vld [tilespmem:s29+$0x470]  }
0x48: {  	v1 =	vld [tilespmem:s30+$0x480];
	v6 =	vmul.f32 v7, v6;
	v10 =	vadd.f32 v4, v2  }
0x49: {  	v2 =	vld [tilespmem:s30+$0x8480]  }
0x4a: {  	s31 =	simm.s32 $0x800;
	v4 =	vld [tilespmem:s30+$0x490];
	v7 =	vmul.f32 v63, v8;
	v6 =	vadd.f32 v6, v10  }
.LBB2_2:
0x4b: {  	p0 =	sne.s32 s31, $0xFC00;
	v8 =	vld [tilespmem:s30+$0x8490]  }
0x4c: {  	v9 =	vld [tilespmem:s30+$0x4A0];
	v6 =	vadd.f32 v7, v6;
	v3 =	vmul.f32 v5, v3  }
0x4d: {  	v5 =	vld [tilespmem:s30+$0x84A0]  }
0x4e: {  	v7 =	vld [tilespmem:s30+$0x4B0];
	v3 =	vadd.f32 v3, v6  }
0x4f: {  	v6 =	vld [tilespmem:s30+$0x84B0]  }
0x50: {  	v1 =	vmul.f32 v2, v1;
	v2 =	vmul.f32 v8, v4;
	v4 =	vld [tilespmem:s30+$0x4C0];
	[tilespmem:s29+$0x10600] =	vst v3;
	s29 =	smov.u32 s30  }
0x51: {  	v3 =	vld [tilespmem:s29+$0x84C0]  }
0x52: {  	v1 =	vadd.f32 v2, v1;
	v2 =	vmul.f32 v5, v9;
	v5 =	vld [tilespmem:s29+$0x4D0]  }
0x53: {  	v8 =	vld [tilespmem:s29+$0x84D0]  }
0x54: {  	v1 =	vadd.f32 v2, v1;
	v2 =	vmul.f32 v6, v7;
	v6 =	vld [tilespmem:s29+$0x4E0]  }
0x55: {  	v7 =	vld [tilespmem:s29+$0x84E0]  }
0x56: {  	v1 =	vadd.f32 v2, v1;
	v2 =	vmul.f32 v3, v4;
	v3 =	vld [tilespmem:s29+$0x4F0]  }
0x57: {  	v4 =	vld [tilespmem:s29+$0x84F0]  }
0x58: {  	v9 =	vld [tilespmem:s29+$0x400];
	v1 =	vadd.f32 v2, v1;
	v2 =	vmul.f32 v8, v5  }
0x59: {  	v5 =	vld [tilespmem:s29+$0x8400]  }
0x5a: {  	v8 =	vld [tilespmem:s29+$0x410];
	v1 =	vadd.f32 v2, v1;
	v2 =	vmul.f32 v7, v6  }
0x5b: {  	v6 =	vld [tilespmem:s29+$0x8410]  }
0x5c: {  	v7 =	vld [tilespmem:s29+$0x420];
	v1 =	vadd.f32 v2, v1;
	v2 =	vmul.f32 v4, v3  }
0x5d: {  	v3 =	vld [tilespmem:s29+$0x8420]  }
0x5e: {  	v4 =	vmul.f32 v5, v9;
	v5 =	vld [tilespmem:s29+$0x430];
	v1 =	vadd.f32 v2, v1  }
0x5f: {  	v2 =	vld [tilespmem:s29+$0x8430]  }
0x60: {  	v6 =	vmul.f32 v6, v8;
	v8 =	vld [tilespmem:s29+$0x440];
	[tilespmem:s29+$0x10680] =	vst v1  }
0x61: {  	v1 =	vld [tilespmem:s29+$0x8440]  }
0x62: {  	v4 =	vadd.f32 v6, v4;
	v3 =	vmul.f32 v3, v7;
	v6 =	vld [tilespmem:s29+$0x450]  }
0x63: {  	v7 =	vld [tilespmem:s29+$0x8450]  }
0x64: {  	v3 =	vadd.f32 v3, v4;
	v2 =	vmul.f32 v2, v5;
	v9 =	vld [tilespmem:s29+$0x460]  }
0x65: {  	v10 =	vld [tilespmem:s29+$0x8460]  }
.Ltmp0:
0x66: {  	v2 =	vadd.f32 v2, v3;
	v4 =	vmul.f32 v1, v8;
	v3 =	vld [tilespmem:s29+$0x470];
	(pc) =	sbr.rel @p0 .LBB2_2-.Ltmp0, $4  }
0x67: {  	s30 =	sshra.s32 s31, $0x2;
	v5 =	vld [tilespmem:s29+$0x8470]  }
0x68: {  	v1 =	vld [tilespmem:s30+$0x480];
	v8 =	vadd.f32 v4, v2;
	v6 =	vmul.f32 v7, v6  }
0x69: {  	v2 =	vld [tilespmem:s30+$0x8480]  }
0x6a: {  	s31 =	sadd.s32 $0x400, s31;
	v4 =	vld [tilespmem:s30+$0x490];
	v6 =	vadd.f32 v6, v8;
	v7 =	vmul.f32 v10, v9  }
0x6b: {  	v8 =	vld [tilespmem:s30+$0x8490]  }
0x6c: {  	v9 =	vld [tilespmem:s30+$0x4A0];
	v6 =	vadd.f32 v7, v6;
	v3 =	vmul.f32 v5, v3  }
0x6d: {  	v10 =	vld [tilespmem:s30+$0x4C0]  }
0x6e: {  	v5 =	vld [tilespmem:s30+$0x84A0];
	v3 =	vadd.f32 v3, v6  }
0x6f: {  	v7 =	vld [tilespmem:s30+$0x4B0]  }
0x70: {  	v6 =	vld [tilespmem:s30+$0x84B0];
	[tilespmem:s29+$0x10600] =	vst v3  }
0x71: {  	v1 =	vmul.f32 v2, v1;
	v2 =	vmul.f32 v8, v4;
	v3 =	vld [tilespmem:s30+$0x84C0]  }
0x72: {  	v4 =	vld [tilespmem:s30+$0x4D0]  }
0x73: {  	v53 =	vld [tilespmem:s30+$0x4E0];
	v1 =	vadd.f32 v2, v1;
	v2 =	vmul.f32 v5, v9  }
0x74: {  	v5 =	vld [tilespmem:s30+$0x84D0]  }
0x75: {  	v54 =	vld [tilespmem:s30+$0x400];
	v1 =	vadd.f32 v2, v1;
	v2 =	vmul.f32 v6, v7  }
0x76: {  	v6 =	vld [tilespmem:s30+$0x84E0]  }
0x77: {  	v7 =	vld [tilespmem:s30+$0x4F0];
	v1 =	vadd.f32 v2, v1;
	v2 =	vmul.f32 v3, v10  }
0x78: {  	v3 =	vld [tilespmem:s30+$0x84F0]  }
0x79: {  	v1 =	vadd.f32 v2, v1;
	v2 =	vmul.f32 v5, v4;
	v4 =	vld [tilespmem:s30+$0x8400]  }
0x7a: {  	v5 =	vld [tilespmem:s30+$0x410]  }
0x7b: {  	v1 =	vadd.f32 v2, v1;
	v2 =	vmul.f32 v6, v53;
	v6 =	vld [tilespmem:s30+$0x8410]  }
0x7c: {  	v55 =	vld [tilespmem:s30+$0x420]  }
0x7d: {  	v1 =	vadd.f32 v2, v1;
	v2 =	vmul.f32 v3, v7;
	v3 =	vld [tilespmem:s30+$0x8420]  }
0x7e: {  	v7 =	vld [tilespmem:s30+$0x430]  }
0x7f: {  	v1 =	vadd.f32 v2, v1;
	v2 =	vld [tilespmem:s30+$0x8430]  }
0x80: {  	v56 =	vld [tilespmem:s30+$0x440];
	v4 =	vmul.f32 v4, v54;
	v5 =	vmul.f32 v6, v5  }
0x81: {  	[tilespmem:s30+$0x10680] =	vst v1;
	v1 =	vld [tilespmem:s30+$0x8440]  }
0x82: {  	v6 =	vld [tilespmem:s30+$0x8450];
	v4 =	vadd.f32 v5, v4;
	v3 =	vmul.f32 v3, v55  }
0x83: {  	v5 =	vld [tilespmem:s30+$0x450]  }
0x84: {  	v3 =	vadd.f32 v3, v4;
	v2 =	vmul.f32 v2, v7;
	v4 =	vld [tilespmem:s30+$0x460]  }
0x85: {  	v7 =	vld [tilespmem:s30+$0x8460]  }
0x86: {  	v57 =	vld [tilespmem:s30+$0x8470];
	v2 =	vadd.f32 v2, v3;
	v1 =	vmul.f32 v1, v56  }
0x87: {  	v3 =	vld [tilespmem:s30+$0x470]  }
0x88: {  	s0 =	simm.s32 $0x0;
	v1 =	vadd.f32 v1, v2;
	v2 =	vmul.f32 v6, v5  }
0x89: {  	v5 =	vmov s0  }
0x8a: {  	v1 =	vadd.f32 v2, v1;
	v2 =	vmul.f32 v7, v4;
	v4 =	vshll.u32 v5, $0x7  }
0x8b: {  	v4 =	vor.u32 v0, v4  }
0x8c: {  	v1 =	vadd.f32 v2, v1;
	v2 =	vmul.f32 v57, v3;
	v3 =	vor.u32 $0x1, v4;
	_ =	sdelay $0x1  }
0x8d: {  	v1 =	vadd.f32 v2, v1  }
0x8e: {  	v2 =	vor.u32 $0x2, v4  }
0x8f: {  	[tilespmem:s30+$0x10600] =	vst v1  }
0x90: {  	v1 =	vld.idx.msk [tilespmem:v3+s20+$0x0], $0xffff;
	v3 =	vor.u32 $0x3, v4  }
0x91: {  	v5 =	vld.idx.msk [tilespmem:v4+s20+$0x0], $0xffff  }
0x92: {  	v6 =	vor.u32 $0x4, v4  }
0x93: {  	v2 =	vld.idx.msk [tilespmem:v2+s20+$0x0], $0xffff  }
0x94: {  	v7 =	vor.u32 $0x5, v4  }
0x95: {  	v3 =	vld.idx.msk [tilespmem:v3+s20+$0x0], $0xffff  }
0x96: {  	v58 =	vor.u32 $0x6, v4;
	v1 =	vadd.f32 v1, v5  }
0x97: {  	v5 =	vld.idx.msk [tilespmem:v6+s20+$0x0], $0xffff  }
0x98: {  	v6 =	vor.u32 $0x7, v4;
	v1 =	vadd.f32 v2, v1  }
0x99: {  	v2 =	vld.idx.msk [tilespmem:v7+s20+$0x0], $0xffff  }
0x9a: {  	v7 =	vor.u32 $0x8, v4;
	v1 =	vadd.f32 v3, v1  }
0x9b: {  	v3 =	vld.idx.msk [tilespmem:v58+s20+$0x0], $0xffff  }
0x9c: {  	v59 =	vor.u32 $0x9, v4;
	v1 =	vadd.f32 v5, v1  }
0x9d: {  	v5 =	vld.idx.msk [tilespmem:v6+s20+$0x0], $0xffff  }
0x9e: {  	v6 =	vor.u32 $0xA, v4;
	v1 =	vadd.f32 v2, v1  }
0x9f: {  	v2 =	vld.idx.msk [tilespmem:v7+s20+$0x0], $0xffff  }
0xa0: {  	v7 =	vor.u32 $0xB, v4;
	v1 =	vadd.f32 v3, v1  }
0xa1: {  	v3 =	vld.idx.msk [tilespmem:v59+s20+$0x0], $0xffff  }
0xa2: {  	v60 =	vor.u32 $0xC, v4;
	v1 =	vadd.f32 v5, v1  }
0xa3: {  	v5 =	vld.idx.msk [tilespmem:v6+s20+$0x0], $0xffff  }
0xa4: {  	v6 =	vor.u32 $0xD, v4;
	v1 =	vadd.f32 v2, v1  }
0xa5: {  	v2 =	vld.idx.msk [tilespmem:v7+s20+$0x0], $0xffff  }
0xa6: {  	v7 =	vor.u32 $0xE, v4;
	v1 =	vadd.f32 v3, v1  }
0xa7: {  	v3 =	vld.idx.msk [tilespmem:v60+s20+$0x0], $0xffff  }
0xa8: {  	v4 =	vor.u32 $0xF, v4;
	v1 =	vadd.f32 v5, v1  }
0xa9: {  	v5 =	vld.idx.msk [tilespmem:v6+s20+$0x0], $0xffff  }
0xaa: {  	v1 =	vadd.f32 v2, v1  }
0xab: {  	v2 =	vld.idx.msk [tilespmem:v7+s20+$0x0], $0xffff  }
0xac: {  	v1 =	vadd.f32 v3, v1  }
0xad: {  	v3 =	vld.idx.msk [tilespmem:v4+s20+$0x0], $0xffff  }
0xae: {  	v1 =	vadd.f32 v5, v1;
	_ =	sdelay $0x1  }
0xaf: {  	v1 =	vadd.f32 v2, v1;
	_ =	sdelay $0x1  }
0xb0: {  	v1 =	vadd.f32 v3, v1;
	_ =	sdelay $0x1  }
0xb1: {  	v2 =	vand.u32 $0x7FFFFFFF, v1  }
0xb2: {  	v2 =	vsub.f32 $0.0e+00, v2;
	_ =	sdelay $0x1  }
0xb3: {  	v2 =	vmul.f32 $1.442695020e+00, v2;
	_ =	sdelay $0x1  }
0xb4: {  	(erf) = vpow2.f32 v2;
	_ =	sdelay $0x8  }
0xb5: {  	v2 =	vpop (erf)  }
0xb6: {  	v3 =	vadd.f32 $2.000000000e+00, v2;
	_ =	sdelay $0x1  }
0xb7: {  	(erf) = vrcp.f32 v3;
	_ =	sdelay $0x8  }
0xb8: {  	v3 =	vpop (erf)  }
0xb9: {  	v2 =	vmul.f32 v3, v2;
	_ =	sdelay $0x1  }
0xba: {  	v3 =	vmul.f32 v2, v2;
	_ =	sdelay $0x1  }
0xbb: {  	v4 =	vmul.f32 $9.090909360e-02, v3;
	_ =	sdelay $0x1  }
0xbc: {  	v4 =	vadd.f32 $1.111111120e-01, v4;
	_ =	sdelay $0x1  }
0xbd: {  	v4 =	vmul.f32 v4, v3;
	_ =	sdelay $0x1  }
0xbe: {  	v4 =	vadd.f32 $1.428571490e-01, v4;
	_ =	sdelay $0x1  }
0xbf: {  	v4 =	vmul.f32 v4, v3;
	_ =	sdelay $0x1  }
0xc0: {  	v4 =	vadd.f32 $2.000000030e-01, v4;
	_ =	sdelay $0x1  }
0xc1: {  	v4 =	vmul.f32 v4, v3;
	_ =	sdelay $0x1  }
0xc2: {  	v4 =	vadd.f32 $3.333333430e-01, v4;
	_ =	sdelay $0x1  }
0xc3: {  	s31 =	simm.s32 $0x10;
	v3 =	vmul.f32 v4, v3  }
0xc4: {  	v4 =	vmov s31  }
0xc5: {  	v2 =	vadd.f32 v2, v2;
	v4 =	vshll.u32 v4, $0x7;
	v3 =	vadd.f32 $1.000000000e+00, v3  }
0xc6: {  	v4 =	vor.u32 v0, v4  }
0xc7: {  	v5 =	vor.u32 $0x1, v4;
	v2 =	vmul.f32 v3, v2  }
0xc8: {  	v1 =	vmin.f32 v1, $0.0e+00  }
0xc9: {  	v1 =	vsub.f32 v1, v2  }
0xca: {  	s29 =	simm.s32 $0x10400;
	v2 =	vor.u32 $0x2, v4  }
0xcb: {  	[tilespmem:s29+$0x0] =	vst v1  }
0xcc: {  	v3 =	vor.u32 $0x3, v4;
	v1 =	vld.idx.msk [tilespmem:v5+s20+$0x0], $0xffff  }
0xcd: {  	v5 =	vld.idx.msk [tilespmem:v4+s20+$0x0], $0xffff  }
0xce: {  	v6 =	vor.u32 $0x4, v4  }
0xcf: {  	v2 =	vld.idx.msk [tilespmem:v2+s20+$0x0], $0xffff  }
0xd0: {  	v7 =	vor.u32 $0x5, v4  }
0xd1: {  	v3 =	vld.idx.msk [tilespmem:v3+s20+$0x0], $0xffff  }
0xd2: {  	v61 =	vor.u32 $0x6, v4;
	v1 =	vadd.f32 v1, v5  }
0xd3: {  	v5 =	vld.idx.msk [tilespmem:v6+s20+$0x0], $0xffff  }
0xd4: {  	v6 =	vor.u32 $0x7, v4;
	v1 =	vadd.f32 v2, v1  }
0xd5: {  	v2 =	vld.idx.msk [tilespmem:v7+s20+$0x0], $0xffff  }
0xd6: {  	v7 =	vor.u32 $0x8, v4;
	v1 =	vadd.f32 v3, v1  }
0xd7: {  	v3 =	vld.idx.msk [tilespmem:v61+s20+$0x0], $0xffff  }
0xd8: {  	v62 =	vor.u32 $0x9, v4;
	v1 =	vadd.f32 v5, v1  }
0xd9: {  	v5 =	vld.idx.msk [tilespmem:v6+s20+$0x0], $0xffff  }
0xda: {  	v6 =	vor.u32 $0xA, v4;
	v1 =	vadd.f32 v2, v1  }
0xdb: {  	v2 =	vld.idx.msk [tilespmem:v7+s20+$0x0], $0xffff  }
0xdc: {  	v7 =	vor.u32 $0xB, v4;
	v1 =	vadd.f32 v3, v1  }
0xdd: {  	v3 =	vld.idx.msk [tilespmem:v62+s20+$0x0], $0xffff  }
0xde: {  	v63 =	vor.u32 $0xC, v4;
	v1 =	vadd.f32 v5, v1  }
0xdf: {  	v5 =	vld.idx.msk [tilespmem:v6+s20+$0x0], $0xffff  }
0xe0: {  	v6 =	vor.u32 $0xD, v4;
	v1 =	vadd.f32 v2, v1  }
0xe1: {  	v2 =	vld.idx.msk [tilespmem:v7+s20+$0x0], $0xffff  }
0xe2: {  	v7 =	vor.u32 $0xE, v4;
	v1 =	vadd.f32 v3, v1  }
0xe3: {  	v3 =	vld.idx.msk [tilespmem:v63+s20+$0x0], $0xffff  }
0xe4: {  	v4 =	vor.u32 $0xF, v4;
	v1 =	vadd.f32 v5, v1  }
0xe5: {  	v5 =	vld.idx.msk [tilespmem:v6+s20+$0x0], $0xffff  }
0xe6: {  	v1 =	vadd.f32 v2, v1  }
0xe7: {  	v2 =	vld.idx.msk [tilespmem:v7+s20+$0x0], $0xffff  }
0xe8: {  	v1 =	vadd.f32 v3, v1  }
0xe9: {  	v3 =	vld.idx.msk [tilespmem:v4+s20+$0x0], $0xffff  }
0xea: {  	v1 =	vadd.f32 v5, v1;
	_ =	sdelay $0x1  }
0xeb: {  	v1 =	vadd.f32 v2, v1;
	_ =	sdelay $0x1  }
0xec: {  	v1 =	vadd.f32 v3, v1;
	_ =	sdelay $0x1  }
0xed: {  	v2 =	vand.u32 $0x7FFFFFFF, v1  }
0xee: {  	v2 =	vsub.f32 $0.0e+00, v2;
	_ =	sdelay $0x1  }
0xef: {  	v2 =	vmul.f32 $1.442695020e+00, v2;
	_ =	sdelay $0x1  }
0xf0: {  	(erf) = vpow2.f32 v2;
	_ =	sdelay $0x8  }
0xf1: {  	v2 =	vpop (erf)  }
0xf2: {  	v3 =	vadd.f32 $2.000000000e+00, v2;
	_ =	sdelay $0x1  }
0xf3: {  	(erf) = vrcp.f32 v3;
	_ =	sdelay $0x8  }
0xf4: {  	v3 =	vpop (erf)  }
0xf5: {  	v4 =	vmul.f32 v3, v2;
	_ =	sdelay $0x1  }
0xf6: {  	v2 =	vmul.f32 v4, v4;
	_ =	sdelay $0x1  }
0xf7: {  	v3 =	vmul.f32 $9.090909360e-02, v2;
	_ =	sdelay $0x1  }
0xf8: {  	v3 =	vadd.f32 $1.111111120e-01, v3;
	_ =	sdelay $0x1  }
0xf9: {  	v3 =	vmul.f32 v3, v2;
	_ =	sdelay $0x1  }
0xfa: {  	v3 =	vadd.f32 $1.428571490e-01, v3;
	_ =	sdelay $0x1  }
0xfb: {  	v3 =	vmul.f32 v3, v2;
	_ =	sdelay $0x1  }
0xfc: {  	v3 =	vadd.f32 $2.000000030e-01, v3;
	_ =	sdelay $0x1  }
0xfd: {  	v3 =	vmul.f32 v3, v2;
	_ =	sdelay $0x1  }
0xfe: {  	v3 =	vadd.f32 $3.333333430e-01, v3;
	_ =	sdelay $0x1  }
0xff: {  	s31 =	simm.s32 $0x20;
	v2 =	vmul.f32 v3, v2  }
0x100: {  	v3 =	vmov s31  }
0x101: {  	s30 =	simm.s32 $0x30;
	v4 =	vadd.f32 v4, v4;
	v3 =	vshll.u32 v3, $0x7;
	v2 =	vadd.f32 $1.000000000e+00, v2  }
.LBB2_4:
0x102: {  	p0 =	sne.s32 s30, $0x70;
	v3 =	vor.u32 v0, v3  }
0x103: {  	v5 =	vor.u32 $0x1, v3;
	v2 =	vmul.f32 v2, v4  }
0x104: {  	v1 =	vmin.f32 v1, $0.0e+00  }
0x105: {  	v1 =	vsub.f32 v1, v2  }
0x106: {  	s29 =	sadd.s32 $0x10, s29;
	v2 =	vor.u32 $0x2, v3  }
0x107: {  	[tilespmem:s29+$0x0] =	vst v1  }
0x108: {  	v4 =	vor.u32 $0x3, v3;
	v1 =	vld.idx.msk [tilespmem:v5+s20+$0x0], $0xffff  }
0x109: {  	v5 =	vld.idx.msk [tilespmem:v3+s20+$0x0], $0xffff  }
0x10a: {  	v6 =	vor.u32 $0x4, v3  }
0x10b: {  	v2 =	vld.idx.msk [tilespmem:v2+s20+$0x0], $0xffff  }
0x10c: {  	v7 =	vor.u32 $0x5, v3  }
0x10d: {  	v4 =	vld.idx.msk [tilespmem:v4+s20+$0x0], $0xffff  }
0x10e: {  	v8 =	vor.u32 $0x6, v3  }
0x10f: {  	v1 =	vadd.f32 v1, v5;
	v5 =	vld.idx.msk [tilespmem:v6+s20+$0x0], $0xffff  }
0x110: {  	v6 =	vor.u32 $0x7, v3  }
0x111: {  	v1 =	vadd.f32 v2, v1;
	v2 =	vld.idx.msk [tilespmem:v7+s20+$0x0], $0xffff  }
0x112: {  	v7 =	vor.u32 $0x8, v3  }
0x113: {  	v1 =	vadd.f32 v4, v1;
	v4 =	vld.idx.msk [tilespmem:v8+s20+$0x0], $0xffff  }
0x114: {  	v8 =	vor.u32 $0x9, v3  }
0x115: {  	v1 =	vadd.f32 v5, v1;
	v5 =	vld.idx.msk [tilespmem:v6+s20+$0x0], $0xffff  }
0x116: {  	v6 =	vor.u32 $0xA, v3  }
0x117: {  	v1 =	vadd.f32 v2, v1;
	v2 =	vld.idx.msk [tilespmem:v7+s20+$0x0], $0xffff  }
0x118: {  	v7 =	vor.u32 $0xB, v3  }
0x119: {  	v1 =	vadd.f32 v4, v1;
	v4 =	vld.idx.msk [tilespmem:v8+s20+$0x0], $0xffff  }
0x11a: {  	v8 =	vor.u32 $0xC, v3  }
0x11b: {  	v1 =	vadd.f32 v5, v1;
	v5 =	vld.idx.msk [tilespmem:v6+s20+$0x0], $0xffff  }
0x11c: {  	v6 =	vor.u32 $0xD, v3  }
0x11d: {  	v1 =	vadd.f32 v2, v1;
	v2 =	vld.idx.msk [tilespmem:v7+s20+$0x0], $0xffff  }
0x11e: {  	v7 =	vor.u32 $0xE, v3  }
0x11f: {  	v1 =	vadd.f32 v4, v1;
	v4 =	vld.idx.msk [tilespmem:v8+s20+$0x0], $0xffff  }
0x120: {  	v3 =	vor.u32 $0xF, v3  }
0x121: {  	v1 =	vadd.f32 v5, v1;
	v5 =	vld.idx.msk [tilespmem:v6+s20+$0x0], $0xffff;
	_ =	sdelay $0x1  }
0x122: {  	v1 =	vadd.f32 v2, v1;
	v2 =	vld.idx.msk [tilespmem:v7+s20+$0x0], $0xffff;
	_ =	sdelay $0x1  }
0x123: {  	v1 =	vadd.f32 v4, v1;
	v3 =	vld.idx.msk [tilespmem:v3+s20+$0x0], $0xffff;
	_ =	sdelay $0x1  }
0x124: {  	v1 =	vadd.f32 v5, v1;
	_ =	sdelay $0x1  }
0x125: {  	v1 =	vadd.f32 v2, v1;
	_ =	sdelay $0x1  }
0x126: {  	v1 =	vadd.f32 v3, v1;
	_ =	sdelay $0x1  }
0x127: {  	v2 =	vand.u32 $0x7FFFFFFF, v1  }
0x128: {  	v2 =	vsub.f32 $0.0e+00, v2;
	_ =	sdelay $0x1  }
0x129: {  	v2 =	vmul.f32 $1.442695020e+00, v2;
	_ =	sdelay $0x1  }
0x12a: {  	(erf) = vpow2.f32 v2;
	_ =	sdelay $0x8  }
0x12b: {  	v2 =	vpop (erf)  }
0x12c: {  	v3 =	vadd.f32 $2.000000000e+00, v2;
	_ =	sdelay $0x1  }
0x12d: {  	(erf) = vrcp.f32 v3;
	_ =	sdelay $0x8  }
0x12e: {  	v3 =	vpop (erf)  }
0x12f: {  	v4 =	vmul.f32 v3, v2;
	_ =	sdelay $0x1  }
0x130: {  	v2 =	vmul.f32 v4, v4;
	_ =	sdelay $0x1  }
0x131: {  	v3 =	vmul.f32 $9.090909360e-02, v2;
	_ =	sdelay $0x1  }
0x132: {  	v3 =	vadd.f32 $1.111111120e-01, v3;
	_ =	sdelay $0x1  }
0x133: {  	v3 =	vmul.f32 v3, v2;
	_ =	sdelay $0x1  }
0x134: {  	v3 =	vadd.f32 $1.428571490e-01, v3;
	_ =	sdelay $0x1  }
0x135: {  	v3 =	vmul.f32 v3, v2;
	_ =	sdelay $0x1  }
0x136: {  	v3 =	vadd.f32 $2.000000030e-01, v3;
	_ =	sdelay $0x1  }
0x137: {  	v3 =	vmul.f32 v3, v2;
	_ =	sdelay $0x1  }
.Ltmp1:
0x138: {  	v3 =	vadd.f32 $3.333333430e-01, v3;
	(pc) =	sbr.rel @p0 .LBB2_4-.Ltmp1, $4  }
0x139: {  	_ = 	snop  }
0x13a: {  	v2 =	vmul.f32 v3, v2  }
0x13b: {  	v3 =	vmov s30  }
0x13c: {  	v4 =	vadd.f32 v4, v4;
	s30 =	sadd.s32 $0x10, s30;
	v3 =	vshll.u32 v3, $0x7;
	v2 =	vadd.f32 $1.000000000e+00, v2  }
0x13d: {  	v3 =	vor.u32 v0, v3  }
0x13e: {  	v5 =	vor.u32 $0x1, v3;
	v2 =	vmul.f32 v2, v4  }
0x13f: {  	v1 =	vmin.f32 v1, $0.0e+00  }
0x140: {  	v1 =	vsub.f32 v1, v2  }
0x141: {  	s0 =	sadd.s32 $0x10, s29;
	v2 =	vor.u32 $0x2, v3  }
0x142: {  	[tilespmem:s0+$0x0] =	vst v1  }
0x143: {  	v4 =	vor.u32 $0x3, v3;
	v1 =	vld.idx.msk [tilespmem:v5+s20+$0x0], $0xffff  }
0x144: {  	v5 =	vld.idx.msk [tilespmem:v3+s20+$0x0], $0xffff  }
0x145: {  	v6 =	vor.u32 $0x4, v3  }
0x146: {  	v2 =	vld.idx.msk [tilespmem:v2+s20+$0x0], $0xffff  }
0x147: {  	v7 =	vor.u32 $0x5, v3  }
0x148: {  	v4 =	vld.idx.msk [tilespmem:v4+s20+$0x0], $0xffff  }
0x149: {  	v8 =	vor.u32 $0x6, v3;
	v1 =	vadd.f32 v1, v5  }
0x14a: {  	v5 =	vld.idx.msk [tilespmem:v6+s20+$0x0], $0xffff  }
0x14b: {  	v6 =	vor.u32 $0x7, v3;
	v1 =	vadd.f32 v2, v1  }
0x14c: {  	v2 =	vld.idx.msk [tilespmem:v7+s20+$0x0], $0xffff  }
0x14d: {  	v7 =	vor.u32 $0x8, v3;
	v1 =	vadd.f32 v4, v1  }
0x14e: {  	v4 =	vld.idx.msk [tilespmem:v8+s20+$0x0], $0xffff  }
0x14f: {  	v8 =	vor.u32 $0x9, v3;
	v1 =	vadd.f32 v5, v1  }
0x150: {  	v5 =	vld.idx.msk [tilespmem:v6+s20+$0x0], $0xffff  }
0x151: {  	v6 =	vor.u32 $0xA, v3;
	v1 =	vadd.f32 v2, v1  }
0x152: {  	v2 =	vld.idx.msk [tilespmem:v7+s20+$0x0], $0xffff  }
0x153: {  	v7 =	vor.u32 $0xB, v3;
	v1 =	vadd.f32 v4, v1  }
0x154: {  	v4 =	vld.idx.msk [tilespmem:v8+s20+$0x0], $0xffff  }
0x155: {  	v8 =	vor.u32 $0xC, v3;
	v1 =	vadd.f32 v5, v1  }
0x156: {  	v5 =	vld.idx.msk [tilespmem:v6+s20+$0x0], $0xffff  }
0x157: {  	v6 =	vor.u32 $0xD, v3;
	v1 =	vadd.f32 v2, v1  }
0x158: {  	v2 =	vld.idx.msk [tilespmem:v7+s20+$0x0], $0xffff  }
0x159: {  	v7 =	vor.u32 $0xE, v3;
	v1 =	vadd.f32 v4, v1  }
0x15a: {  	v4 =	vld.idx.msk [tilespmem:v8+s20+$0x0], $0xffff  }
0x15b: {  	v3 =	vor.u32 $0xF, v3;
	v1 =	vadd.f32 v5, v1  }
0x15c: {  	v5 =	vld.idx.msk [tilespmem:v6+s20+$0x0], $0xffff  }
0x15d: {  	v1 =	vadd.f32 v2, v1  }
0x15e: {  	v2 =	vld.idx.msk [tilespmem:v7+s20+$0x0], $0xffff  }
0x15f: {  	v1 =	vadd.f32 v4, v1  }
0x160: {  	v3 =	vld.idx.msk [tilespmem:v3+s20+$0x0], $0xffff  }
0x161: {  	v1 =	vadd.f32 v5, v1;
	_ =	sdelay $0x1  }
0x162: {  	v1 =	vadd.f32 v2, v1;
	_ =	sdelay $0x1  }
0x163: {  	v1 =	vadd.f32 v3, v1;
	_ =	sdelay $0x1  }
0x164: {  	v2 =	vand.u32 $0x7FFFFFFF, v1  }
0x165: {  	v2 =	vsub.f32 $0.0e+00, v2;
	_ =	sdelay $0x1  }
0x166: {  	v2 =	vmul.f32 $1.442695020e+00, v2;
	_ =	sdelay $0x1  }
0x167: {  	(erf) = vpow2.f32 v2;
	_ =	sdelay $0x8  }
0x168: {  	v2 =	vpop (erf)  }
0x169: {  	v3 =	vadd.f32 $2.000000000e+00, v2;
	_ =	sdelay $0x1  }
0x16a: {  	(erf) = vrcp.f32 v3;
	_ =	sdelay $0x8  }
0x16b: {  	v3 =	vpop (erf)  }
0x16c: {  	v2 =	vmul.f32 v3, v2;
	_ =	sdelay $0x1  }
0x16d: {  	v3 =	vmul.f32 v2, v2;
	_ =	sdelay $0x1  }
0x16e: {  	v4 =	vmul.f32 $9.090909360e-02, v3;
	_ =	sdelay $0x1  }
0x16f: {  	v4 =	vadd.f32 $1.111111120e-01, v4;
	_ =	sdelay $0x1  }
0x170: {  	v4 =	vmul.f32 v4, v3;
	_ =	sdelay $0x1  }
0x171: {  	v4 =	vadd.f32 $1.428571490e-01, v4;
	_ =	sdelay $0x1  }
0x172: {  	v4 =	vmul.f32 v4, v3;
	_ =	sdelay $0x1  }
0x173: {  	v4 =	vadd.f32 $2.000000030e-01, v4;
	_ =	sdelay $0x1  }
0x174: {  	v4 =	vmul.f32 v4, v3;
	_ =	sdelay $0x1  }
0x175: {  	v4 =	vadd.f32 $3.333333430e-01, v4;
	_ =	sdelay $0x1  }
0x176: {  	v3 =	vmul.f32 v4, v3;
	_ =	sdelay $0x1  }
0x177: {  	v2 =	vadd.f32 v2, v2;
	v3 =	vadd.f32 $1.000000000e+00, v3;
	_ =	sdelay $0x1  }
0x178: {  	v2 =	vmul.f32 v3, v2  }
0x179: {  	v1 =	vmin.f32 v1, $0.0e+00  }
0x17a: {  	v1 =	vsub.f32 v1, v2  }
0x17b: {  	s0 =	sadd.s32 $0x10, s0  }
0x17c: {  	[tilespmem:s0+$0x0] =	vst v1  }
0x17d: {  	[tilespmem:s13], [sflag:$0x1] =	stream.indirect.gather [hbm4b:s1+s12], $0x80, s21, s12, $0xb8;
	[tilespmem:$0x14600] =	vst v63  }
0x17e: {  	_ = 	snop  }
0x17f: {  	[tilespmem:s14], [sflag:$0x2] =	stream.indirect.gather [hbm4b:s2+s12], $0x80, s22, s12, $0xb8;
	[tilespmem:$0x14600] =	vst v63  }
0x180: {  	_ =	swait.ge [sflag:s10], $0x4000  }
0x181: {  	[sflag:s10] =	ssyncset.done $0x0  }
0x182: {  	[sflag:s10] =	ssyncadd.s32 $0xFFFFC000  }
0x183: {  	_ =	swait.ge [sflag:s11], $0x4000  }
0x184: {  	[sflag:s11] =	ssyncset.done $0x0  }
0x185: {  	s29 =	simm.s32 $0x0;
	[sflag:s11] =	ssyncadd.s32 $0xFFFFC000  }
0x186: {  	v1 =	vld [tilespmem:s29+$0x4480]  }
0x187: {  	v2 =	vld [tilespmem:s29+$0xC480]  }
0x188: {  	v3 =	vld [tilespmem:s29+$0x4490]  }
0x189: {  	v4 =	vld [tilespmem:s29+$0xC490]  }
0x18a: {  	v5 =	vld [tilespmem:s29+$0x44A0]  }
0x18b: {  	v6 =	vld [tilespmem:s29+$0xC4A0]  }
0x18c: {  	v7 =	vld [tilespmem:s29+$0x44B0]  }
0x18d: {  	v8 =	vld [tilespmem:s29+$0xC4B0]  }
0x18e: {  	v9 =	vld [tilespmem:s29+$0x44C0]  }
0x18f: {  	v62 =	vld [tilespmem:s29+$0x4400];
	v1 =	vmul.f32 v2, v1;
	v2 =	vmul.f32 v4, v3  }
0x190: {  	v3 =	vld [tilespmem:s29+$0xC4C0]  }
0x191: {  	v4 =	vld [tilespmem:s29+$0x44D0];
	v1 =	vadd.f32 v2, v1;
	v2 =	vmul.f32 v6, v5  }
0x192: {  	v5 =	vld [tilespmem:s29+$0xC4D0]  }
0x193: {  	v6 =	vld [tilespmem:s29+$0x44E0];
	v1 =	vadd.f32 v2, v1;
	v2 =	vmul.f32 v8, v7  }
0x194: {  	v7 =	vld [tilespmem:s29+$0xC4E0]  }
0x195: {  	v8 =	vld [tilespmem:s29+$0x44F0];
	v1 =	vadd.f32 v2, v1;
	v2 =	vmul.f32 v3, v9  }
0x196: {  	v3 =	vld [tilespmem:s29+$0xC4F0]  }
0x197: {  	v1 =	vadd.f32 v2, v1;
	v2 =	vmul.f32 v5, v4;
	v4 =	vld [tilespmem:s29+$0xC400]  }
0x198: {  	v5 =	vld [tilespmem:s29+$0x4410]  }
0x199: {  	v1 =	vadd.f32 v2, v1;
	v2 =	vmul.f32 v7, v6;
	v6 =	vld [tilespmem:s29+$0xC410]  }
0x19a: {  	v7 =	vld [tilespmem:s29+$0x4420]  }
0x19b: {  	v1 =	vadd.f32 v2, v1;
	v2 =	vmul.f32 v3, v8;
	v3 =	vld [tilespmem:s29+$0xC420]  }
0x19c: {  	v8 =	vld [tilespmem:s29+$0x4430]  }
0x19d: {  	v1 =	vadd.f32 v2, v1;
	v2 =	vld [tilespmem:s29+$0xC430]  }
0x19e: {  	v10 =	vld [tilespmem:s29+$0x4440];
	v4 =	vmul.f32 v4, v62;
	v5 =	vmul.f32 v6, v5  }
0x19f: {  	[tilespmem:s29+$0x10680] =	vst v1;
	v1 =	vld [tilespmem:s29+$0xC440]  }
0x1a0: {  	v6 =	vld [tilespmem:s29+$0x4450];
	v4 =	vadd.f32 v5, v4;
	v3 =	vmul.f32 v3, v7  }
0x1a1: {  	v7 =	vld [tilespmem:s29+$0xC450]  }
0x1a2: {  	v63 =	vld [tilespmem:s29+$0xC460];
	v3 =	vadd.f32 v3, v4;
	v2 =	vmul.f32 v2, v8  }
0x1a3: {  	v8 =	vld [tilespmem:s29+$0x4460]  }
0x1a4: {  	v5 =	vld [tilespmem:s29+$0xC470];
	v2 =	vadd.f32 v2, v3;
	v4 =	vmul.f32 v1, v10  }
0x1a5: {  	s31 =	simm.s32 $0x100;
	v3 =	vld [tilespmem:s29+$0x4470]  }
0x1a6: {  	v1 =	vld [tilespmem:s31+$0x4480];
	v6 =	vmul.f32 v7, v6;
	v10 =	vadd.f32 v4, v2  }
0x1a7: {  	v2 =	vld [tilespmem:s31+$0xC480]  }
0x1a8: {  	s30 =	simm.s32 $0x0;
	s0 =	simm.s32 $0x800;
	v4 =	vld [tilespmem:s31+$0x4490];
	v7 =	vmul.f32 v63, v8;
	v6 =	vadd.f32 v6, v10  }
.LBB2_6:
0x1a9: {  	p0 =	sne.s32 s0, $0xFC00;
	v8 =	vld [tilespmem:s31+$0xC490]  }
0x1aa: {  	v9 =	vld [tilespmem:s31+$0x44A0];
	v6 =	vadd.f32 v7, v6;
	v3 =	vmul.f32 v5, v3  }
0x1ab: {  	v5 =	vld [tilespmem:s31+$0xC4A0]  }
0x1ac: {  	v7 =	vld [tilespmem:s31+$0x44B0];
	v3 =	vadd.f32 v3, v6  }
0x1ad: {  	v6 =	vld [tilespmem:s31+$0xC4B0]  }
0x1ae: {  	v1 =	vmul.f32 v2, v1;
	v2 =	vmul.f32 v8, v4;
	v4 =	vld [tilespmem:s31+$0x44C0];
	[tilespmem:s29+$0x10600] =	vst v3;
	s29 =	smov.u32 s31  }
0x1af: {  	v3 =	vld [tilespmem:s29+$0xC4C0]  }
0x1b0: {  	v1 =	vadd.f32 v2, v1;
	v2 =	vmul.f32 v5, v9;
	v5 =	vld [tilespmem:s29+$0x44D0]  }
0x1b1: {  	v8 =	vld [tilespmem:s29+$0xC4D0]  }
0x1b2: {  	v1 =	vadd.f32 v2, v1;
	v2 =	vmul.f32 v6, v7;
	v6 =	vld [tilespmem:s29+$0x44E0]  }
0x1b3: {  	v7 =	vld [tilespmem:s29+$0xC4E0]  }
0x1b4: {  	v1 =	vadd.f32 v2, v1;
	v2 =	vmul.f32 v3, v4;
	v3 =	vld [tilespmem:s29+$0x44F0]  }
0x1b5: {  	v4 =	vld [tilespmem:s29+$0xC4F0]  }
0x1b6: {  	v9 =	vld [tilespmem:s29+$0x4400];
	v1 =	vadd.f32 v2, v1;
	v2 =	vmul.f32 v8, v5  }
0x1b7: {  	v5 =	vld [tilespmem:s29+$0xC400]  }
0x1b8: {  	v8 =	vld [tilespmem:s29+$0x4410];
	v1 =	vadd.f32 v2, v1;
	v2 =	vmul.f32 v7, v6  }
0x1b9: {  	v6 =	vld [tilespmem:s29+$0xC410]  }
0x1ba: {  	v7 =	vld [tilespmem:s29+$0x4420];
	v1 =	vadd.f32 v2, v1;
	v2 =	vmul.f32 v4, v3  }
0x1bb: {  	v3 =	vld [tilespmem:s29+$0xC420]  }
0x1bc: {  	v4 =	vmul.f32 v5, v9;
	v5 =	vld [tilespmem:s29+$0x4430];
	v1 =	vadd.f32 v2, v1  }
0x1bd: {  	v2 =	vld [tilespmem:s29+$0xC430]  }
0x1be: {  	v6 =	vmul.f32 v6, v8;
	v8 =	vld [tilespmem:s29+$0x4440];
	[tilespmem:s29+$0x10680] =	vst v1  }
0x1bf: {  	v1 =	vld [tilespmem:s29+$0xC440]  }
0x1c0: {  	v4 =	vadd.f32 v6, v4;
	v3 =	vmul.f32 v3, v7;
	v6 =	vld [tilespmem:s29+$0x4450]  }
0x1c1: {  	v7 =	vld [tilespmem:s29+$0xC450]  }
0x1c2: {  	v3 =	vadd.f32 v3, v4;
	v2 =	vmul.f32 v2, v5;
	v9 =	vld [tilespmem:s29+$0x4460]  }
0x1c3: {  	v10 =	vld [tilespmem:s29+$0xC460]  }
.Ltmp2:
0x1c4: {  	v2 =	vadd.f32 v2, v3;
	v4 =	vmul.f32 v1, v8;
	v3 =	vld [tilespmem:s29+$0x4470];
	(pc) =	sbr.rel @p0 .LBB2_6-.Ltmp2, $4  }
0x1c5: {  	s31 =	sshra.s32 s0, $0x2;
	v5 =	vld [tilespmem:s29+$0xC470]  }
0x1c6: {  	v1 =	vld [tilespmem:s31+$0x4480];
	v8 =	vadd.f32 v4, v2;
	v6 =	vmul.f32 v7, v6  }
0x1c7: {  	v2 =	vld [tilespmem:s31+$0xC480]  }
0x1c8: {  	s0 =	sadd.s32 $0x400, s0;
	v4 =	vld [tilespmem:s31+$0x4490];
	v6 =	vadd.f32 v6, v8;
	v7 =	vmul.f32 v10, v9  }
0x1c9: {  	v8 =	vld [tilespmem:s31+$0xC490]  }
0x1ca: {  	v9 =	vld [tilespmem:s31+$0x44A0];
	v6 =	vadd.f32 v7, v6;
	v3 =	vmul.f32 v5, v3  }
0x1cb: {  	v10 =	vld [tilespmem:s31+$0x44C0]  }
0x1cc: {  	v5 =	vld [tilespmem:s31+$0xC4A0];
	v3 =	vadd.f32 v3, v6  }
0x1cd: {  	v7 =	vld [tilespmem:s31+$0x44B0]  }
0x1ce: {  	v6 =	vld [tilespmem:s31+$0xC4B0];
	[tilespmem:s29+$0x10600] =	vst v3  }
0x1cf: {  	v1 =	vmul.f32 v2, v1;
	v2 =	vmul.f32 v8, v4;
	v3 =	vld [tilespmem:s31+$0xC4C0]  }
0x1d0: {  	v4 =	vld [tilespmem:s31+$0x44D0]  }
0x1d1: {  	v53 =	vld [tilespmem:s31+$0x44E0];
	v1 =	vadd.f32 v2, v1;
	v2 =	vmul.f32 v5, v9  }
0x1d2: {  	v5 =	vld [tilespmem:s31+$0xC4D0]  }
0x1d3: {  	v54 =	vld [tilespmem:s31+$0x4400];
	v1 =	vadd.f32 v2, v1;
	v2 =	vmul.f32 v6, v7  }
0x1d4: {  	v6 =	vld [tilespmem:s31+$0xC4E0]  }
0x1d5: {  	v7 =	vld [tilespmem:s31+$0x44F0];
	v1 =	vadd.f32 v2, v1;
	v2 =	vmul.f32 v3, v10  }
0x1d6: {  	v3 =	vld [tilespmem:s31+$0xC4F0]  }
0x1d7: {  	v1 =	vadd.f32 v2, v1;
	v2 =	vmul.f32 v5, v4;
	v4 =	vld [tilespmem:s31+$0xC400]  }
0x1d8: {  	v5 =	vld [tilespmem:s31+$0x4410]  }
0x1d9: {  	v1 =	vadd.f32 v2, v1;
	v2 =	vmul.f32 v6, v53;
	v6 =	vld [tilespmem:s31+$0xC410]  }
0x1da: {  	v55 =	vld [tilespmem:s31+$0x4420]  }
0x1db: {  	v1 =	vadd.f32 v2, v1;
	v2 =	vmul.f32 v3, v7;
	v3 =	vld [tilespmem:s31+$0xC420]  }
0x1dc: {  	v7 =	vld [tilespmem:s31+$0x4430]  }
0x1dd: {  	v1 =	vadd.f32 v2, v1;
	v2 =	vld [tilespmem:s31+$0xC430]  }
0x1de: {  	v56 =	vld [tilespmem:s31+$0x4440];
	v4 =	vmul.f32 v4, v54;
	v5 =	vmul.f32 v6, v5  }
0x1df: {  	[tilespmem:s31+$0x10680] =	vst v1;
	v1 =	vld [tilespmem:s31+$0xC440]  }
0x1e0: {  	v6 =	vld [tilespmem:s31+$0xC450];
	v4 =	vadd.f32 v5, v4;
	v3 =	vmul.f32 v3, v55  }
0x1e1: {  	v5 =	vld [tilespmem:s31+$0x4450]  }
0x1e2: {  	v3 =	vadd.f32 v3, v4;
	v2 =	vmul.f32 v2, v7;
	v4 =	vld [tilespmem:s31+$0x4460]  }
0x1e3: {  	v7 =	vld [tilespmem:s31+$0xC460]  }
0x1e4: {  	v57 =	vld [tilespmem:s31+$0xC470];
	v2 =	vadd.f32 v2, v3;
	v1 =	vmul.f32 v1, v56  }
0x1e5: {  	v3 =	vld [tilespmem:s31+$0x4470]  }
0x1e6: {  	v1 =	vadd.f32 v1, v2;
	v2 =	vmul.f32 v6, v5  }
0x1e7: {  	v5 =	vmov s30  }
0x1e8: {  	v1 =	vadd.f32 v2, v1;
	v2 =	vmul.f32 v7, v4;
	v4 =	vshll.u32 v5, $0x7  }
0x1e9: {  	v4 =	vor.u32 v0, v4  }
0x1ea: {  	v1 =	vadd.f32 v2, v1;
	v2 =	vmul.f32 v57, v3;
	v3 =	vor.u32 $0x1, v4;
	_ =	sdelay $0x1  }
0x1eb: {  	v1 =	vadd.f32 v2, v1  }
0x1ec: {  	v2 =	vor.u32 $0x2, v4  }
0x1ed: {  	[tilespmem:s31+$0x10600] =	vst v1  }
0x1ee: {  	v1 =	vld.idx.msk [tilespmem:v3+s20+$0x0], $0xffff;
	v3 =	vor.u32 $0x3, v4  }
0x1ef: {  	v5 =	vld.idx.msk [tilespmem:v4+s20+$0x0], $0xffff  }
0x1f0: {  	v6 =	vor.u32 $0x4, v4  }
0x1f1: {  	v2 =	vld.idx.msk [tilespmem:v2+s20+$0x0], $0xffff  }
0x1f2: {  	v7 =	vor.u32 $0x5, v4  }
0x1f3: {  	v3 =	vld.idx.msk [tilespmem:v3+s20+$0x0], $0xffff  }
0x1f4: {  	v58 =	vor.u32 $0x6, v4;
	v1 =	vadd.f32 v1, v5  }
0x1f5: {  	v5 =	vld.idx.msk [tilespmem:v6+s20+$0x0], $0xffff  }
0x1f6: {  	v6 =	vor.u32 $0x7, v4;
	v1 =	vadd.f32 v2, v1  }
0x1f7: {  	v2 =	vld.idx.msk [tilespmem:v7+s20+$0x0], $0xffff  }
0x1f8: {  	v7 =	vor.u32 $0x8, v4;
	v1 =	vadd.f32 v3, v1  }
0x1f9: {  	v3 =	vld.idx.msk [tilespmem:v58+s20+$0x0], $0xffff  }
0x1fa: {  	v59 =	vor.u32 $0x9, v4;
	v1 =	vadd.f32 v5, v1  }
0x1fb: {  	v5 =	vld.idx.msk [tilespmem:v6+s20+$0x0], $0xffff  }
0x1fc: {  	v6 =	vor.u32 $0xA, v4;
	v1 =	vadd.f32 v2, v1  }
0x1fd: {  	v2 =	vld.idx.msk [tilespmem:v7+s20+$0x0], $0xffff  }
0x1fe: {  	v7 =	vor.u32 $0xB, v4;
	v1 =	vadd.f32 v3, v1  }
0x1ff: {  	v3 =	vld.idx.msk [tilespmem:v59+s20+$0x0], $0xffff  }
0x200: {  	v60 =	vor.u32 $0xC, v4;
	v1 =	vadd.f32 v5, v1  }
0x201: {  	v5 =	vld.idx.msk [tilespmem:v6+s20+$0x0], $0xffff  }
0x202: {  	v6 =	vor.u32 $0xD, v4;
	v1 =	vadd.f32 v2, v1  }
0x203: {  	v2 =	vld.idx.msk [tilespmem:v7+s20+$0x0], $0xffff  }
0x204: {  	v7 =	vor.u32 $0xE, v4;
	v1 =	vadd.f32 v3, v1  }
0x205: {  	v3 =	vld.idx.msk [tilespmem:v60+s20+$0x0], $0xffff  }
0x206: {  	v4 =	vor.u32 $0xF, v4;
	v1 =	vadd.f32 v5, v1  }
0x207: {  	v5 =	vld.idx.msk [tilespmem:v6+s20+$0x0], $0xffff  }
0x208: {  	v1 =	vadd.f32 v2, v1  }
0x209: {  	v2 =	vld.idx.msk [tilespmem:v7+s20+$0x0], $0xffff  }
0x20a: {  	v1 =	vadd.f32 v3, v1  }
0x20b: {  	v3 =	vld.idx.msk [tilespmem:v4+s20+$0x0], $0xffff  }
0x20c: {  	v1 =	vadd.f32 v5, v1;
	_ =	sdelay $0x1  }
0x20d: {  	v1 =	vadd.f32 v2, v1;
	_ =	sdelay $0x1  }
0x20e: {  	v1 =	vadd.f32 v3, v1;
	_ =	sdelay $0x1  }
0x20f: {  	v2 =	vand.u32 $0x7FFFFFFF, v1  }
0x210: {  	v2 =	vsub.f32 $0.0e+00, v2;
	_ =	sdelay $0x1  }
0x211: {  	v2 =	vmul.f32 $1.442695020e+00, v2;
	_ =	sdelay $0x1  }
0x212: {  	(erf) = vpow2.f32 v2;
	_ =	sdelay $0x8  }
0x213: {  	v2 =	vpop (erf)  }
0x214: {  	v3 =	vadd.f32 $2.000000000e+00, v2;
	_ =	sdelay $0x1  }
0x215: {  	(erf) = vrcp.f32 v3;
	_ =	sdelay $0x8  }
0x216: {  	v3 =	vpop (erf)  }
0x217: {  	v2 =	vmul.f32 v3, v2;
	_ =	sdelay $0x1  }
0x218: {  	v3 =	vmul.f32 v2, v2;
	_ =	sdelay $0x1  }
0x219: {  	v4 =	vmul.f32 $9.090909360e-02, v3;
	_ =	sdelay $0x1  }
0x21a: {  	v4 =	vadd.f32 $1.111111120e-01, v4;
	_ =	sdelay $0x1  }
0x21b: {  	v4 =	vmul.f32 v4, v3;
	_ =	sdelay $0x1  }
0x21c: {  	v4 =	vadd.f32 $1.428571490e-01, v4;
	_ =	sdelay $0x1  }
0x21d: {  	v4 =	vmul.f32 v4, v3;
	_ =	sdelay $0x1  }
0x21e: {  	v4 =	vadd.f32 $2.000000030e-01, v4;
	_ =	sdelay $0x1  }
0x21f: {  	v4 =	vmul.f32 v4, v3;
	_ =	sdelay $0x1  }
0x220: {  	v4 =	vadd.f32 $3.333333430e-01, v4;
	_ =	sdelay $0x1  }
0x221: {  	s0 =	simm.s32 $0x10;
	v3 =	vmul.f32 v4, v3  }
0x222: {  	v4 =	vmov s0  }
0x223: {  	v2 =	vadd.f32 v2, v2;
	v4 =	vshll.u32 v4, $0x7;
	v3 =	vadd.f32 $1.000000000e+00, v3  }
0x224: {  	v4 =	vor.u32 v0, v4  }
0x225: {  	v5 =	vor.u32 $0x1, v4;
	v2 =	vmul.f32 v3, v2  }
0x226: {  	v1 =	vmin.f32 v1, $0.0e+00  }
0x227: {  	v1 =	vsub.f32 v1, v2  }
0x228: {  	s29 =	simm.s32 $0x10480;
	v2 =	vor.u32 $0x2, v4  }
0x229: {  	[tilespmem:s29+$0x0] =	vst v1  }
0x22a: {  	v3 =	vor.u32 $0x3, v4;
	v1 =	vld.idx.msk [tilespmem:v5+s20+$0x0], $0xffff  }
0x22b: {  	v5 =	vld.idx.msk [tilespmem:v4+s20+$0x0], $0xffff  }
0x22c: {  	v6 =	vor.u32 $0x4, v4  }
0x22d: {  	v2 =	vld.idx.msk [tilespmem:v2+s20+$0x0], $0xffff  }
0x22e: {  	v7 =	vor.u32 $0x5, v4  }
0x22f: {  	v3 =	vld.idx.msk [tilespmem:v3+s20+$0x0], $0xffff  }
0x230: {  	v61 =	vor.u32 $0x6, v4;
	v1 =	vadd.f32 v1, v5  }
0x231: {  	v5 =	vld.idx.msk [tilespmem:v6+s20+$0x0], $0xffff  }
0x232: {  	v6 =	vor.u32 $0x7, v4;
	v1 =	vadd.f32 v2, v1  }
0x233: {  	v2 =	vld.idx.msk [tilespmem:v7+s20+$0x0], $0xffff  }
0x234: {  	v7 =	vor.u32 $0x8, v4;
	v1 =	vadd.f32 v3, v1  }
0x235: {  	v3 =	vld.idx.msk [tilespmem:v61+s20+$0x0], $0xffff  }
0x236: {  	v62 =	vor.u32 $0x9, v4;
	v1 =	vadd.f32 v5, v1  }
0x237: {  	v5 =	vld.idx.msk [tilespmem:v6+s20+$0x0], $0xffff  }
0x238: {  	v6 =	vor.u32 $0xA, v4;
	v1 =	vadd.f32 v2, v1  }
0x239: {  	v2 =	vld.idx.msk [tilespmem:v7+s20+$0x0], $0xffff  }
0x23a: {  	v7 =	vor.u32 $0xB, v4;
	v1 =	vadd.f32 v3, v1  }
0x23b: {  	v3 =	vld.idx.msk [tilespmem:v62+s20+$0x0], $0xffff  }
0x23c: {  	v63 =	vor.u32 $0xC, v4;
	v1 =	vadd.f32 v5, v1  }
0x23d: {  	v5 =	vld.idx.msk [tilespmem:v6+s20+$0x0], $0xffff  }
0x23e: {  	v6 =	vor.u32 $0xD, v4;
	v1 =	vadd.f32 v2, v1  }
0x23f: {  	v2 =	vld.idx.msk [tilespmem:v7+s20+$0x0], $0xffff  }
0x240: {  	v7 =	vor.u32 $0xE, v4;
	v1 =	vadd.f32 v3, v1  }
0x241: {  	v3 =	vld.idx.msk [tilespmem:v63+s20+$0x0], $0xffff  }
0x242: {  	v4 =	vor.u32 $0xF, v4;
	v1 =	vadd.f32 v5, v1  }
0x243: {  	v5 =	vld.idx.msk [tilespmem:v6+s20+$0x0], $0xffff  }
0x244: {  	v1 =	vadd.f32 v2, v1  }
0x245: {  	v2 =	vld.idx.msk [tilespmem:v7+s20+$0x0], $0xffff  }
0x246: {  	v1 =	vadd.f32 v3, v1  }
0x247: {  	v3 =	vld.idx.msk [tilespmem:v4+s20+$0x0], $0xffff  }
0x248: {  	v1 =	vadd.f32 v5, v1;
	_ =	sdelay $0x1  }
0x249: {  	v1 =	vadd.f32 v2, v1;
	_ =	sdelay $0x1  }
0x24a: {  	v1 =	vadd.f32 v3, v1;
	_ =	sdelay $0x1  }
0x24b: {  	v2 =	vand.u32 $0x7FFFFFFF, v1  }
0x24c: {  	v2 =	vsub.f32 $0.0e+00, v2;
	_ =	sdelay $0x1  }
0x24d: {  	v2 =	vmul.f32 $1.442695020e+00, v2;
	_ =	sdelay $0x1  }
0x24e: {  	(erf) = vpow2.f32 v2;
	_ =	sdelay $0x8  }
0x24f: {  	v2 =	vpop (erf)  }
0x250: {  	v3 =	vadd.f32 $2.000000000e+00, v2;
	_ =	sdelay $0x1  }
0x251: {  	(erf) = vrcp.f32 v3;
	_ =	sdelay $0x8  }
0x252: {  	v3 =	vpop (erf)  }
0x253: {  	v4 =	vmul.f32 v3, v2;
	_ =	sdelay $0x1  }
0x254: {  	v2 =	vmul.f32 v4, v4;
	_ =	sdelay $0x1  }
0x255: {  	v3 =	vmul.f32 $9.090909360e-02, v2;
	_ =	sdelay $0x1  }
0x256: {  	v3 =	vadd.f32 $1.111111120e-01, v3;
	_ =	sdelay $0x1  }
0x257: {  	v3 =	vmul.f32 v3, v2;
	_ =	sdelay $0x1  }
0x258: {  	v3 =	vadd.f32 $1.428571490e-01, v3;
	_ =	sdelay $0x1  }
0x259: {  	v3 =	vmul.f32 v3, v2;
	_ =	sdelay $0x1  }
0x25a: {  	v3 =	vadd.f32 $2.000000030e-01, v3;
	_ =	sdelay $0x1  }
0x25b: {  	v3 =	vmul.f32 v3, v2;
	_ =	sdelay $0x1  }
0x25c: {  	v3 =	vadd.f32 $3.333333430e-01, v3;
	_ =	sdelay $0x1  }
0x25d: {  	s31 =	simm.s32 $0x20;
	v2 =	vmul.f32 v3, v2  }
0x25e: {  	v3 =	vmov s31  }
0x25f: {  	s30 =	simm.s32 $0x30;
	v4 =	vadd.f32 v4, v4;
	v3 =	vshll.u32 v3, $0x7;
	v2 =	vadd.f32 $1.000000000e+00, v2  }
.LBB2_8:
0x260: {  	p0 =	sne.s32 s30, $0x70;
	v3 =	vor.u32 v0, v3  }
0x261: {  	v5 =	vor.u32 $0x1, v3;
	v2 =	vmul.f32 v2, v4  }
0x262: {  	v1 =	vmin.f32 v1, $0.0e+00  }
0x263: {  	v1 =	vsub.f32 v1, v2  }
0x264: {  	s29 =	sadd.s32 $0x10, s29;
	v2 =	vor.u32 $0x2, v3  }
0x265: {  	[tilespmem:s29+$0x0] =	vst v1  }
0x266: {  	v4 =	vor.u32 $0x3, v3;
	v1 =	vld.idx.msk [tilespmem:v5+s20+$0x0], $0xffff  }
0x267: {  	v5 =	vld.idx.msk [tilespmem:v3+s20+$0x0], $0xffff  }
0x268: {  	v6 =	vor.u32 $0x4, v3  }
0x269: {  	v2 =	vld.idx.msk [tilespmem:v2+s20+$0x0], $0xffff  }
0x26a: {  	v7 =	vor.u32 $0x5, v3  }
0x26b: {  	v4 =	vld.idx.msk [tilespmem:v4+s20+$0x0], $0xffff  }
0x26c: {  	v8 =	vor.u32 $0x6, v3  }
0x26d: {  	v1 =	vadd.f32 v1, v5;
	v5 =	vld.idx.msk [tilespmem:v6+s20+$0x0], $0xffff  }
0x26e: {  	v6 =	vor.u32 $0x7, v3  }
0x26f: {  	v1 =	vadd.f32 v2, v1;
	v2 =	vld.idx.msk [tilespmem:v7+s20+$0x0], $0xffff  }
0x270: {  	v7 =	vor.u32 $0x8, v3  }
0x271: {  	v1 =	vadd.f32 v4, v1;
	v4 =	vld.idx.msk [tilespmem:v8+s20+$0x0], $0xffff  }
0x272: {  	v8 =	vor.u32 $0x9, v3  }
0x273: {  	v1 =	vadd.f32 v5, v1;
	v5 =	vld.idx.msk [tilespmem:v6+s20+$0x0], $0xffff  }
0x274: {  	v6 =	vor.u32 $0xA, v3  }
0x275: {  	v1 =	vadd.f32 v2, v1;
	v2 =	vld.idx.msk [tilespmem:v7+s20+$0x0], $0xffff  }
0x276: {  	v7 =	vor.u32 $0xB, v3  }
0x277: {  	v1 =	vadd.f32 v4, v1;
	v4 =	vld.idx.msk [tilespmem:v8+s20+$0x0], $0xffff  }
0x278: {  	v8 =	vor.u32 $0xC, v3  }
0x279: {  	v1 =	vadd.f32 v5, v1;
	v5 =	vld.idx.msk [tilespmem:v6+s20+$0x0], $0xffff  }
0x27a: {  	v6 =	vor.u32 $0xD, v3  }
0x27b: {  	v1 =	vadd.f32 v2, v1;
	v2 =	vld.idx.msk [tilespmem:v7+s20+$0x0], $0xffff  }
0x27c: {  	v7 =	vor.u32 $0xE, v3  }
0x27d: {  	v1 =	vadd.f32 v4, v1;
	v4 =	vld.idx.msk [tilespmem:v8+s20+$0x0], $0xffff  }
0x27e: {  	v3 =	vor.u32 $0xF, v3  }
0x27f: {  	v1 =	vadd.f32 v5, v1;
	v5 =	vld.idx.msk [tilespmem:v6+s20+$0x0], $0xffff;
	_ =	sdelay $0x1  }
0x280: {  	v1 =	vadd.f32 v2, v1;
	v2 =	vld.idx.msk [tilespmem:v7+s20+$0x0], $0xffff;
	_ =	sdelay $0x1  }
0x281: {  	v1 =	vadd.f32 v4, v1;
	v3 =	vld.idx.msk [tilespmem:v3+s20+$0x0], $0xffff;
	_ =	sdelay $0x1  }
0x282: {  	v1 =	vadd.f32 v5, v1;
	_ =	sdelay $0x1  }
0x283: {  	v1 =	vadd.f32 v2, v1;
	_ =	sdelay $0x1  }
0x284: {  	v1 =	vadd.f32 v3, v1;
	_ =	sdelay $0x1  }
0x285: {  	v2 =	vand.u32 $0x7FFFFFFF, v1  }
0x286: {  	v2 =	vsub.f32 $0.0e+00, v2;
	_ =	sdelay $0x1  }
0x287: {  	v2 =	vmul.f32 $1.442695020e+00, v2;
	_ =	sdelay $0x1  }
0x288: {  	(erf) = vpow2.f32 v2;
	_ =	sdelay $0x8  }
0x289: {  	v2 =	vpop (erf)  }
0x28a: {  	v3 =	vadd.f32 $2.000000000e+00, v2;
	_ =	sdelay $0x1  }
0x28b: {  	(erf) = vrcp.f32 v3;
	_ =	sdelay $0x8  }
0x28c: {  	v3 =	vpop (erf)  }
0x28d: {  	v4 =	vmul.f32 v3, v2;
	_ =	sdelay $0x1  }
0x28e: {  	v2 =	vmul.f32 v4, v4;
	_ =	sdelay $0x1  }
0x28f: {  	v3 =	vmul.f32 $9.090909360e-02, v2;
	_ =	sdelay $0x1  }
0x290: {  	v3 =	vadd.f32 $1.111111120e-01, v3;
	_ =	sdelay $0x1  }
0x291: {  	v3 =	vmul.f32 v3, v2;
	_ =	sdelay $0x1  }
0x292: {  	v3 =	vadd.f32 $1.428571490e-01, v3;
	_ =	sdelay $0x1  }
0x293: {  	v3 =	vmul.f32 v3, v2;
	_ =	sdelay $0x1  }
0x294: {  	v3 =	vadd.f32 $2.000000030e-01, v3;
	_ =	sdelay $0x1  }
0x295: {  	v3 =	vmul.f32 v3, v2;
	_ =	sdelay $0x1  }
.Ltmp3:
0x296: {  	v3 =	vadd.f32 $3.333333430e-01, v3;
	(pc) =	sbr.rel @p0 .LBB2_8-.Ltmp3, $4  }
0x297: {  	_ = 	snop  }
0x298: {  	v2 =	vmul.f32 v3, v2  }
0x299: {  	v3 =	vmov s30  }
0x29a: {  	v4 =	vadd.f32 v4, v4;
	s30 =	sadd.s32 $0x10, s30;
	v3 =	vshll.u32 v3, $0x7;
	v2 =	vadd.f32 $1.000000000e+00, v2  }
0x29b: {  	v3 =	vor.u32 v0, v3  }
0x29c: {  	v5 =	vor.u32 $0x1, v3;
	v2 =	vmul.f32 v2, v4  }
0x29d: {  	v1 =	vmin.f32 v1, $0.0e+00  }
0x29e: {  	v1 =	vsub.f32 v1, v2  }
0x29f: {  	s0 =	sadd.s32 $0x10, s29;
	v2 =	vor.u32 $0x2, v3  }
0x2a0: {  	[tilespmem:s0+$0x0] =	vst v1  }
0x2a1: {  	v4 =	vor.u32 $0x3, v3;
	v1 =	vld.idx.msk [tilespmem:v5+s20+$0x0], $0xffff  }
0x2a2: {  	v5 =	vld.idx.msk [tilespmem:v3+s20+$0x0], $0xffff  }
0x2a3: {  	v6 =	vor.u32 $0x4, v3  }
0x2a4: {  	v2 =	vld.idx.msk [tilespmem:v2+s20+$0x0], $0xffff  }
0x2a5: {  	v7 =	vor.u32 $0x5, v3  }
0x2a6: {  	v4 =	vld.idx.msk [tilespmem:v4+s20+$0x0], $0xffff  }
0x2a7: {  	v8 =	vor.u32 $0x6, v3;
	v1 =	vadd.f32 v1, v5  }
0x2a8: {  	v5 =	vld.idx.msk [tilespmem:v6+s20+$0x0], $0xffff  }
0x2a9: {  	v6 =	vor.u32 $0x7, v3;
	v1 =	vadd.f32 v2, v1  }
0x2aa: {  	v2 =	vld.idx.msk [tilespmem:v7+s20+$0x0], $0xffff  }
0x2ab: {  	v7 =	vor.u32 $0x8, v3;
	v1 =	vadd.f32 v4, v1  }
0x2ac: {  	v4 =	vld.idx.msk [tilespmem:v8+s20+$0x0], $0xffff  }
0x2ad: {  	v8 =	vor.u32 $0x9, v3;
	v1 =	vadd.f32 v5, v1  }
0x2ae: {  	v5 =	vld.idx.msk [tilespmem:v6+s20+$0x0], $0xffff  }
0x2af: {  	v6 =	vor.u32 $0xA, v3;
	v1 =	vadd.f32 v2, v1  }
0x2b0: {  	v2 =	vld.idx.msk [tilespmem:v7+s20+$0x0], $0xffff  }
0x2b1: {  	v7 =	vor.u32 $0xB, v3;
	v1 =	vadd.f32 v4, v1  }
0x2b2: {  	v4 =	vld.idx.msk [tilespmem:v8+s20+$0x0], $0xffff  }
0x2b3: {  	v8 =	vor.u32 $0xC, v3;
	v1 =	vadd.f32 v5, v1  }
0x2b4: {  	v5 =	vld.idx.msk [tilespmem:v6+s20+$0x0], $0xffff  }
0x2b5: {  	v6 =	vor.u32 $0xD, v3;
	v1 =	vadd.f32 v2, v1  }
0x2b6: {  	v2 =	vld.idx.msk [tilespmem:v7+s20+$0x0], $0xffff  }
0x2b7: {  	v7 =	vor.u32 $0xE, v3;
	v1 =	vadd.f32 v4, v1  }
0x2b8: {  	v4 =	vld.idx.msk [tilespmem:v8+s20+$0x0], $0xffff  }
0x2b9: {  	v3 =	vor.u32 $0xF, v3;
	v1 =	vadd.f32 v5, v1  }
0x2ba: {  	v5 =	vld.idx.msk [tilespmem:v6+s20+$0x0], $0xffff  }
0x2bb: {  	v1 =	vadd.f32 v2, v1  }
0x2bc: {  	v2 =	vld.idx.msk [tilespmem:v7+s20+$0x0], $0xffff  }
0x2bd: {  	v1 =	vadd.f32 v4, v1  }
0x2be: {  	v3 =	vld.idx.msk [tilespmem:v3+s20+$0x0], $0xffff  }
0x2bf: {  	v1 =	vadd.f32 v5, v1;
	_ =	sdelay $0x1  }
0x2c0: {  	v1 =	vadd.f32 v2, v1;
	_ =	sdelay $0x1  }
0x2c1: {  	v1 =	vadd.f32 v3, v1;
	_ =	sdelay $0x1  }
0x2c2: {  	v2 =	vand.u32 $0x7FFFFFFF, v1  }
0x2c3: {  	v2 =	vsub.f32 $0.0e+00, v2;
	_ =	sdelay $0x1  }
0x2c4: {  	v2 =	vmul.f32 $1.442695020e+00, v2;
	_ =	sdelay $0x1  }
0x2c5: {  	(erf) = vpow2.f32 v2;
	_ =	sdelay $0x8  }
0x2c6: {  	v2 =	vpop (erf)  }
0x2c7: {  	v3 =	vadd.f32 $2.000000000e+00, v2;
	_ =	sdelay $0x1  }
0x2c8: {  	(erf) = vrcp.f32 v3;
	_ =	sdelay $0x8  }
0x2c9: {  	v3 =	vpop (erf)  }
0x2ca: {  	v2 =	vmul.f32 v3, v2;
	_ =	sdelay $0x1  }
0x2cb: {  	v3 =	vmul.f32 v2, v2;
	_ =	sdelay $0x1  }
0x2cc: {  	v4 =	vmul.f32 $9.090909360e-02, v3;
	_ =	sdelay $0x1  }
0x2cd: {  	v4 =	vadd.f32 $1.111111120e-01, v4;
	_ =	sdelay $0x1  }
0x2ce: {  	v4 =	vmul.f32 v4, v3;
	_ =	sdelay $0x1  }
0x2cf: {  	v4 =	vadd.f32 $1.428571490e-01, v4;
	_ =	sdelay $0x1  }
0x2d0: {  	v4 =	vmul.f32 v4, v3;
	_ =	sdelay $0x1  }
0x2d1: {  	v4 =	vadd.f32 $2.000000030e-01, v4;
	_ =	sdelay $0x1  }
0x2d2: {  	v4 =	vmul.f32 v4, v3;
	_ =	sdelay $0x1  }
0x2d3: {  	v4 =	vadd.f32 $3.333333430e-01, v4;
	_ =	sdelay $0x1  }
0x2d4: {  	v3 =	vmul.f32 v4, v3;
	_ =	sdelay $0x1  }
0x2d5: {  	v2 =	vadd.f32 v2, v2;
	v3 =	vadd.f32 $1.000000000e+00, v3;
	_ =	sdelay $0x1  }
0x2d6: {  	v2 =	vmul.f32 v3, v2  }
0x2d7: {  	v1 =	vmin.f32 v1, $0.0e+00  }
0x2d8: {  	v1 =	vsub.f32 v1, v2  }
0x2d9: {  	s0 =	sadd.s32 $0x10, s0  }
0x2da: {  	[tilespmem:s0+$0x0] =	vst v1  }
0x2db: {  	[tilespmem:s15], [sflag:$0x3] =	stream.indirect.gather [hbm4b:s1+s12], $0x80, s23, s12, $0xb8;
	[tilespmem:$0x14600] =	vst v63  }
0x2dc: {  	_ = 	snop  }
0x2dd: {  	[tilespmem:s17], [sflag:$0x4] =	stream.indirect.gather [hbm4b:s2+s12], $0x80, s24, s12, $0xb8;
	[tilespmem:$0x14600] =	vst v63  }
0x2de: {  	_ =	swait.ge [sflag:s18], $0x4000  }
0x2df: {  	[sflag:s18] =	ssyncset.done $0x0  }
0x2e0: {  	[sflag:s18] =	ssyncadd.s32 $0xFFFFC000  }
0x2e1: {  	_ =	swait.ge [sflag:s19], $0x4000  }
0x2e2: {  	[sflag:s19] =	ssyncset.done $0x0  }
0x2e3: {  	s29 =	simm.s32 $0x0;
	[sflag:s19] =	ssyncadd.s32 $0xFFFFC000  }
0x2e4: {  	v1 =	vld [tilespmem:s29+$0x480]  }
0x2e5: {  	v2 =	vld [tilespmem:s29+$0x8480]  }
0x2e6: {  	v3 =	vld [tilespmem:s29+$0x490]  }
0x2e7: {  	v4 =	vld [tilespmem:s29+$0x8490]  }
0x2e8: {  	v5 =	vld [tilespmem:s29+$0x4A0]  }
0x2e9: {  	v6 =	vld [tilespmem:s29+$0x84A0]  }
0x2ea: {  	v7 =	vld [tilespmem:s29+$0x4B0]  }
0x2eb: {  	v8 =	vld [tilespmem:s29+$0x84B0]  }
0x2ec: {  	v9 =	vld [tilespmem:s29+$0x4C0]  }
0x2ed: {  	v62 =	vld [tilespmem:s29+$0x400];
	v1 =	vmul.f32 v2, v1;
	v2 =	vmul.f32 v4, v3  }
0x2ee: {  	v3 =	vld [tilespmem:s29+$0x84C0]  }
0x2ef: {  	v4 =	vld [tilespmem:s29+$0x4D0];
	v1 =	vadd.f32 v2, v1;
	v2 =	vmul.f32 v6, v5  }
0x2f0: {  	v5 =	vld [tilespmem:s29+$0x84D0]  }
0x2f1: {  	v6 =	vld [tilespmem:s29+$0x4E0];
	v1 =	vadd.f32 v2, v1;
	v2 =	vmul.f32 v8, v7  }
0x2f2: {  	v7 =	vld [tilespmem:s29+$0x84E0]  }
0x2f3: {  	v8 =	vld [tilespmem:s29+$0x4F0];
	v1 =	vadd.f32 v2, v1;
	v2 =	vmul.f32 v3, v9  }
0x2f4: {  	v3 =	vld [tilespmem:s29+$0x84F0]  }
0x2f5: {  	v1 =	vadd.f32 v2, v1;
	v2 =	vmul.f32 v5, v4;
	v4 =	vld [tilespmem:s29+$0x8400]  }
0x2f6: {  	v5 =	vld [tilespmem:s29+$0x410]  }
0x2f7: {  	v1 =	vadd.f32 v2, v1;
	v2 =	vmul.f32 v7, v6;
	v6 =	vld [tilespmem:s29+$0x8410]  }
0x2f8: {  	v7 =	vld [tilespmem:s29+$0x420]  }
0x2f9: {  	v1 =	vadd.f32 v2, v1;
	v2 =	vmul.f32 v3, v8;
	v3 =	vld [tilespmem:s29+$0x8420]  }
0x2fa: {  	v8 =	vld [tilespmem:s29+$0x430]  }
0x2fb: {  	v1 =	vadd.f32 v2, v1;
	v2 =	vld [tilespmem:s29+$0x8430]  }
0x2fc: {  	v10 =	vld [tilespmem:s29+$0x440];
	v4 =	vmul.f32 v4, v62;
	v5 =	vmul.f32 v6, v5  }
0x2fd: {  	[tilespmem:s29+$0x10680] =	vst v1;
	v1 =	vld [tilespmem:s29+$0x8440]  }
0x2fe: {  	v6 =	vld [tilespmem:s29+$0x450];
	v4 =	vadd.f32 v5, v4;
	v3 =	vmul.f32 v3, v7  }
0x2ff: {  	v7 =	vld [tilespmem:s29+$0x8450]  }
0x300: {  	v63 =	vld [tilespmem:s29+$0x8460];
	v3 =	vadd.f32 v3, v4;
	v2 =	vmul.f32 v2, v8  }
0x301: {  	v8 =	vld [tilespmem:s29+$0x460]  }
0x302: {  	v5 =	vld [tilespmem:s29+$0x8470];
	v2 =	vadd.f32 v2, v3;
	v4 =	vmul.f32 v1, v10  }
0x303: {  	s31 =	simm.s32 $0x100;
	v3 =	vld [tilespmem:s29+$0x470]  }
0x304: {  	v1 =	vld [tilespmem:s31+$0x480];
	v6 =	vmul.f32 v7, v6;
	v10 =	vadd.f32 v4, v2  }
0x305: {  	v2 =	vld [tilespmem:s31+$0x8480]  }
0x306: {  	s30 =	simm.s32 $0x0;
	s0 =	simm.s32 $0x800;
	v4 =	vld [tilespmem:s31+$0x490];
	v7 =	vmul.f32 v63, v8;
	v6 =	vadd.f32 v6, v10  }
.LBB2_10:
0x307: {  	p0 =	sne.s32 s0, $0xFC00;
	v8 =	vld [tilespmem:s31+$0x8490]  }
0x308: {  	v9 =	vld [tilespmem:s31+$0x4A0];
	v6 =	vadd.f32 v7, v6;
	v3 =	vmul.f32 v5, v3  }
0x309: {  	v5 =	vld [tilespmem:s31+$0x84A0]  }
0x30a: {  	v7 =	vld [tilespmem:s31+$0x4B0];
	v3 =	vadd.f32 v3, v6  }
0x30b: {  	v6 =	vld [tilespmem:s31+$0x84B0]  }
0x30c: {  	v1 =	vmul.f32 v2, v1;
	v2 =	vmul.f32 v8, v4;
	v4 =	vld [tilespmem:s31+$0x4C0];
	[tilespmem:s29+$0x10600] =	vst v3;
	s29 =	smov.u32 s31  }
0x30d: {  	v3 =	vld [tilespmem:s29+$0x84C0]  }
0x30e: {  	v1 =	vadd.f32 v2, v1;
	v2 =	vmul.f32 v5, v9;
	v5 =	vld [tilespmem:s29+$0x4D0]  }
0x30f: {  	v8 =	vld [tilespmem:s29+$0x84D0]  }
0x310: {  	v1 =	vadd.f32 v2, v1;
	v2 =	vmul.f32 v6, v7;
	v6 =	vld [tilespmem:s29+$0x4E0]  }
0x311: {  	v7 =	vld [tilespmem:s29+$0x84E0]  }
0x312: {  	v1 =	vadd.f32 v2, v1;
	v2 =	vmul.f32 v3, v4;
	v3 =	vld [tilespmem:s29+$0x4F0]  }
0x313: {  	v4 =	vld [tilespmem:s29+$0x84F0]  }
0x314: {  	v9 =	vld [tilespmem:s29+$0x400];
	v1 =	vadd.f32 v2, v1;
	v2 =	vmul.f32 v8, v5  }
0x315: {  	v5 =	vld [tilespmem:s29+$0x8400]  }
0x316: {  	v8 =	vld [tilespmem:s29+$0x410];
	v1 =	vadd.f32 v2, v1;
	v2 =	vmul.f32 v7, v6  }
0x317: {  	v6 =	vld [tilespmem:s29+$0x8410]  }
0x318: {  	v7 =	vld [tilespmem:s29+$0x420];
	v1 =	vadd.f32 v2, v1;
	v2 =	vmul.f32 v4, v3  }
0x319: {  	v3 =	vld [tilespmem:s29+$0x8420]  }
0x31a: {  	v4 =	vmul.f32 v5, v9;
	v5 =	vld [tilespmem:s29+$0x430];
	v1 =	vadd.f32 v2, v1  }
0x31b: {  	v2 =	vld [tilespmem:s29+$0x8430]  }
0x31c: {  	v6 =	vmul.f32 v6, v8;
	v8 =	vld [tilespmem:s29+$0x440];
	[tilespmem:s29+$0x10680] =	vst v1  }
0x31d: {  	v1 =	vld [tilespmem:s29+$0x8440]  }
0x31e: {  	v4 =	vadd.f32 v6, v4;
	v3 =	vmul.f32 v3, v7;
	v6 =	vld [tilespmem:s29+$0x450]  }
0x31f: {  	v7 =	vld [tilespmem:s29+$0x8450]  }
0x320: {  	v3 =	vadd.f32 v3, v4;
	v2 =	vmul.f32 v2, v5;
	v9 =	vld [tilespmem:s29+$0x460]  }
0x321: {  	v10 =	vld [tilespmem:s29+$0x8460]  }
.Ltmp4:
0x322: {  	v2 =	vadd.f32 v2, v3;
	v4 =	vmul.f32 v1, v8;
	v3 =	vld [tilespmem:s29+$0x470];
	(pc) =	sbr.rel @p0 .LBB2_10-.Ltmp4, $4  }
0x323: {  	s31 =	sshra.s32 s0, $0x2;
	v5 =	vld [tilespmem:s29+$0x8470]  }
0x324: {  	v1 =	vld [tilespmem:s31+$0x480];
	v8 =	vadd.f32 v4, v2;
	v6 =	vmul.f32 v7, v6  }
0x325: {  	v2 =	vld [tilespmem:s31+$0x8480]  }
0x326: {  	s0 =	sadd.s32 $0x400, s0;
	v4 =	vld [tilespmem:s31+$0x490];
	v6 =	vadd.f32 v6, v8;
	v7 =	vmul.f32 v10, v9  }
0x327: {  	v8 =	vld [tilespmem:s31+$0x8490]  }
0x328: {  	v9 =	vld [tilespmem:s31+$0x4A0];
	v6 =	vadd.f32 v7, v6;
	v3 =	vmul.f32 v5, v3  }
0x329: {  	v10 =	vld [tilespmem:s31+$0x4C0]  }
0x32a: {  	v5 =	vld [tilespmem:s31+$0x84A0];
	v3 =	vadd.f32 v3, v6  }
0x32b: {  	v7 =	vld [tilespmem:s31+$0x4B0]  }
0x32c: {  	v6 =	vld [tilespmem:s31+$0x84B0];
	[tilespmem:s29+$0x10600] =	vst v3  }
0x32d: {  	v1 =	vmul.f32 v2, v1;
	v2 =	vmul.f32 v8, v4;
	v3 =	vld [tilespmem:s31+$0x84C0]  }
0x32e: {  	v4 =	vld [tilespmem:s31+$0x4D0]  }
0x32f: {  	v53 =	vld [tilespmem:s31+$0x4E0];
	v1 =	vadd.f32 v2, v1;
	v2 =	vmul.f32 v5, v9  }
0x330: {  	v5 =	vld [tilespmem:s31+$0x84D0]  }
0x331: {  	v54 =	vld [tilespmem:s31+$0x400];
	v1 =	vadd.f32 v2, v1;
	v2 =	vmul.f32 v6, v7  }
0x332: {  	v6 =	vld [tilespmem:s31+$0x84E0]  }
0x333: {  	v7 =	vld [tilespmem:s31+$0x4F0];
	v1 =	vadd.f32 v2, v1;
	v2 =	vmul.f32 v3, v10  }
0x334: {  	v3 =	vld [tilespmem:s31+$0x84F0]  }
0x335: {  	v1 =	vadd.f32 v2, v1;
	v2 =	vmul.f32 v5, v4;
	v4 =	vld [tilespmem:s31+$0x8400]  }
0x336: {  	v5 =	vld [tilespmem:s31+$0x410]  }
0x337: {  	v1 =	vadd.f32 v2, v1;
	v2 =	vmul.f32 v6, v53;
	v6 =	vld [tilespmem:s31+$0x8410]  }
0x338: {  	v55 =	vld [tilespmem:s31+$0x420]  }
0x339: {  	v1 =	vadd.f32 v2, v1;
	v2 =	vmul.f32 v3, v7;
	v3 =	vld [tilespmem:s31+$0x8420]  }
0x33a: {  	v7 =	vld [tilespmem:s31+$0x430]  }
0x33b: {  	v1 =	vadd.f32 v2, v1;
	v2 =	vld [tilespmem:s31+$0x8430]  }
0x33c: {  	v56 =	vld [tilespmem:s31+$0x440];
	v4 =	vmul.f32 v4, v54;
	v5 =	vmul.f32 v6, v5  }
0x33d: {  	[tilespmem:s31+$0x10680] =	vst v1;
	v1 =	vld [tilespmem:s31+$0x8440]  }
0x33e: {  	v6 =	vld [tilespmem:s31+$0x8450];
	v4 =	vadd.f32 v5, v4;
	v3 =	vmul.f32 v3, v55  }
0x33f: {  	v5 =	vld [tilespmem:s31+$0x450]  }
0x340: {  	v3 =	vadd.f32 v3, v4;
	v2 =	vmul.f32 v2, v7;
	v4 =	vld [tilespmem:s31+$0x460]  }
0x341: {  	v7 =	vld [tilespmem:s31+$0x8460]  }
0x342: {  	v57 =	vld [tilespmem:s31+$0x8470];
	v2 =	vadd.f32 v2, v3;
	v1 =	vmul.f32 v1, v56  }
0x343: {  	v3 =	vld [tilespmem:s31+$0x470]  }
0x344: {  	v1 =	vadd.f32 v1, v2;
	v2 =	vmul.f32 v6, v5  }
0x345: {  	v5 =	vmov s30  }
0x346: {  	v1 =	vadd.f32 v2, v1;
	v2 =	vmul.f32 v7, v4;
	v4 =	vshll.u32 v5, $0x7  }
0x347: {  	v4 =	vor.u32 v0, v4  }
0x348: {  	v1 =	vadd.f32 v2, v1;
	v2 =	vmul.f32 v57, v3;
	v3 =	vor.u32 $0x1, v4;
	_ =	sdelay $0x1  }
0x349: {  	v1 =	vadd.f32 v2, v1  }
0x34a: {  	v2 =	vor.u32 $0x2, v4  }
0x34b: {  	[tilespmem:s31+$0x10600] =	vst v1  }
0x34c: {  	v1 =	vld.idx.msk [tilespmem:v3+s20+$0x0], $0xffff;
	v3 =	vor.u32 $0x3, v4  }
0x34d: {  	v5 =	vld.idx.msk [tilespmem:v4+s20+$0x0], $0xffff  }
0x34e: {  	v6 =	vor.u32 $0x4, v4  }
0x34f: {  	v2 =	vld.idx.msk [tilespmem:v2+s20+$0x0], $0xffff  }
0x350: {  	v7 =	vor.u32 $0x5, v4  }
0x351: {  	v3 =	vld.idx.msk [tilespmem:v3+s20+$0x0], $0xffff  }
0x352: {  	v58 =	vor.u32 $0x6, v4;
	v1 =	vadd.f32 v1, v5  }
0x353: {  	v5 =	vld.idx.msk [tilespmem:v6+s20+$0x0], $0xffff  }
0x354: {  	v6 =	vor.u32 $0x7, v4;
	v1 =	vadd.f32 v2, v1  }
0x355: {  	v2 =	vld.idx.msk [tilespmem:v7+s20+$0x0], $0xffff  }
0x356: {  	v7 =	vor.u32 $0x8, v4;
	v1 =	vadd.f32 v3, v1  }
0x357: {  	v3 =	vld.idx.msk [tilespmem:v58+s20+$0x0], $0xffff  }
0x358: {  	v59 =	vor.u32 $0x9, v4;
	v1 =	vadd.f32 v5, v1  }
0x359: {  	v5 =	vld.idx.msk [tilespmem:v6+s20+$0x0], $0xffff  }
0x35a: {  	v6 =	vor.u32 $0xA, v4;
	v1 =	vadd.f32 v2, v1  }
0x35b: {  	v2 =	vld.idx.msk [tilespmem:v7+s20+$0x0], $0xffff  }
0x35c: {  	v7 =	vor.u32 $0xB, v4;
	v1 =	vadd.f32 v3, v1  }
0x35d: {  	v3 =	vld.idx.msk [tilespmem:v59+s20+$0x0], $0xffff  }
0x35e: {  	v60 =	vor.u32 $0xC, v4;
	v1 =	vadd.f32 v5, v1  }
0x35f: {  	v5 =	vld.idx.msk [tilespmem:v6+s20+$0x0], $0xffff  }
0x360: {  	v6 =	vor.u32 $0xD, v4;
	v1 =	vadd.f32 v2, v1  }
0x361: {  	v2 =	vld.idx.msk [tilespmem:v7+s20+$0x0], $0xffff  }
0x362: {  	v7 =	vor.u32 $0xE, v4;
	v1 =	vadd.f32 v3, v1  }
0x363: {  	v3 =	vld.idx.msk [tilespmem:v60+s20+$0x0], $0xffff  }
0x364: {  	v4 =	vor.u32 $0xF, v4;
	v1 =	vadd.f32 v5, v1  }
0x365: {  	v5 =	vld.idx.msk [tilespmem:v6+s20+$0x0], $0xffff  }
0x366: {  	v1 =	vadd.f32 v2, v1  }
0x367: {  	v2 =	vld.idx.msk [tilespmem:v7+s20+$0x0], $0xffff  }
0x368: {  	v1 =	vadd.f32 v3, v1  }
0x369: {  	v3 =	vld.idx.msk [tilespmem:v4+s20+$0x0], $0xffff  }
0x36a: {  	v1 =	vadd.f32 v5, v1;
	_ =	sdelay $0x1  }
0x36b: {  	v1 =	vadd.f32 v2, v1;
	_ =	sdelay $0x1  }
0x36c: {  	v1 =	vadd.f32 v3, v1;
	_ =	sdelay $0x1  }
0x36d: {  	v2 =	vand.u32 $0x7FFFFFFF, v1  }
0x36e: {  	v2 =	vsub.f32 $0.0e+00, v2;
	_ =	sdelay $0x1  }
0x36f: {  	v2 =	vmul.f32 $1.442695020e+00, v2;
	_ =	sdelay $0x1  }
0x370: {  	(erf) = vpow2.f32 v2;
	_ =	sdelay $0x8  }
0x371: {  	v2 =	vpop (erf)  }
0x372: {  	v3 =	vadd.f32 $2.000000000e+00, v2;
	_ =	sdelay $0x1  }
0x373: {  	(erf) = vrcp.f32 v3;
	_ =	sdelay $0x8  }
0x374: {  	v3 =	vpop (erf)  }
0x375: {  	v2 =	vmul.f32 v3, v2;
	_ =	sdelay $0x1  }
0x376: {  	v3 =	vmul.f32 v2, v2;
	_ =	sdelay $0x1  }
0x377: {  	v4 =	vmul.f32 $9.090909360e-02, v3;
	_ =	sdelay $0x1  }
0x378: {  	v4 =	vadd.f32 $1.111111120e-01, v4;
	_ =	sdelay $0x1  }
0x379: {  	v4 =	vmul.f32 v4, v3;
	_ =	sdelay $0x1  }
0x37a: {  	v4 =	vadd.f32 $1.428571490e-01, v4;
	_ =	sdelay $0x1  }
0x37b: {  	v4 =	vmul.f32 v4, v3;
	_ =	sdelay $0x1  }
0x37c: {  	v4 =	vadd.f32 $2.000000030e-01, v4;
	_ =	sdelay $0x1  }
0x37d: {  	v4 =	vmul.f32 v4, v3;
	_ =	sdelay $0x1  }
0x37e: {  	v4 =	vadd.f32 $3.333333430e-01, v4;
	_ =	sdelay $0x1  }
0x37f: {  	s0 =	simm.s32 $0x10;
	v3 =	vmul.f32 v4, v3  }
0x380: {  	v4 =	vmov s0  }
0x381: {  	v2 =	vadd.f32 v2, v2;
	v4 =	vshll.u32 v4, $0x7;
	v3 =	vadd.f32 $1.000000000e+00, v3  }
0x382: {  	v4 =	vor.u32 v0, v4  }
0x383: {  	v5 =	vor.u32 $0x1, v4;
	v2 =	vmul.f32 v3, v2  }
0x384: {  	v1 =	vmin.f32 v1, $0.0e+00  }
0x385: {  	v1 =	vsub.f32 v1, v2  }
0x386: {  	s29 =	simm.s32 $0x10500;
	v2 =	vor.u32 $0x2, v4  }
0x387: {  	[tilespmem:s29+$0x0] =	vst v1  }
0x388: {  	v3 =	vor.u32 $0x3, v4;
	v1 =	vld.idx.msk [tilespmem:v5+s20+$0x0], $0xffff  }
0x389: {  	v5 =	vld.idx.msk [tilespmem:v4+s20+$0x0], $0xffff  }
0x38a: {  	v6 =	vor.u32 $0x4, v4  }
0x38b: {  	v2 =	vld.idx.msk [tilespmem:v2+s20+$0x0], $0xffff  }
0x38c: {  	v7 =	vor.u32 $0x5, v4  }
0x38d: {  	v3 =	vld.idx.msk [tilespmem:v3+s20+$0x0], $0xffff  }
0x38e: {  	v61 =	vor.u32 $0x6, v4;
	v1 =	vadd.f32 v1, v5  }
0x38f: {  	v5 =	vld.idx.msk [tilespmem:v6+s20+$0x0], $0xffff  }
0x390: {  	v6 =	vor.u32 $0x7, v4;
	v1 =	vadd.f32 v2, v1  }
0x391: {  	v2 =	vld.idx.msk [tilespmem:v7+s20+$0x0], $0xffff  }
0x392: {  	v7 =	vor.u32 $0x8, v4;
	v1 =	vadd.f32 v3, v1  }
0x393: {  	v3 =	vld.idx.msk [tilespmem:v61+s20+$0x0], $0xffff  }
0x394: {  	v62 =	vor.u32 $0x9, v4;
	v1 =	vadd.f32 v5, v1  }
0x395: {  	v5 =	vld.idx.msk [tilespmem:v6+s20+$0x0], $0xffff  }
0x396: {  	v6 =	vor.u32 $0xA, v4;
	v1 =	vadd.f32 v2, v1  }
0x397: {  	v2 =	vld.idx.msk [tilespmem:v7+s20+$0x0], $0xffff  }
0x398: {  	v7 =	vor.u32 $0xB, v4;
	v1 =	vadd.f32 v3, v1  }
0x399: {  	v3 =	vld.idx.msk [tilespmem:v62+s20+$0x0], $0xffff  }
0x39a: {  	v63 =	vor.u32 $0xC, v4;
	v1 =	vadd.f32 v5, v1  }
0x39b: {  	v5 =	vld.idx.msk [tilespmem:v6+s20+$0x0], $0xffff  }
0x39c: {  	v6 =	vor.u32 $0xD, v4;
	v1 =	vadd.f32 v2, v1  }
0x39d: {  	v2 =	vld.idx.msk [tilespmem:v7+s20+$0x0], $0xffff  }
0x39e: {  	v7 =	vor.u32 $0xE, v4;
	v1 =	vadd.f32 v3, v1  }
0x39f: {  	v3 =	vld.idx.msk [tilespmem:v63+s20+$0x0], $0xffff  }
0x3a0: {  	v4 =	vor.u32 $0xF, v4;
	v1 =	vadd.f32 v5, v1  }
0x3a1: {  	v5 =	vld.idx.msk [tilespmem:v6+s20+$0x0], $0xffff  }
0x3a2: {  	v1 =	vadd.f32 v2, v1  }
0x3a3: {  	v2 =	vld.idx.msk [tilespmem:v7+s20+$0x0], $0xffff  }
0x3a4: {  	v1 =	vadd.f32 v3, v1  }
0x3a5: {  	v3 =	vld.idx.msk [tilespmem:v4+s20+$0x0], $0xffff  }
0x3a6: {  	v1 =	vadd.f32 v5, v1;
	_ =	sdelay $0x1  }
0x3a7: {  	v1 =	vadd.f32 v2, v1;
	_ =	sdelay $0x1  }
0x3a8: {  	v1 =	vadd.f32 v3, v1;
	_ =	sdelay $0x1  }
0x3a9: {  	v2 =	vand.u32 $0x7FFFFFFF, v1  }
0x3aa: {  	v2 =	vsub.f32 $0.0e+00, v2;
	_ =	sdelay $0x1  }
0x3ab: {  	v2 =	vmul.f32 $1.442695020e+00, v2;
	_ =	sdelay $0x1  }
0x3ac: {  	(erf) = vpow2.f32 v2;
	_ =	sdelay $0x8  }
0x3ad: {  	v2 =	vpop (erf)  }
0x3ae: {  	v3 =	vadd.f32 $2.000000000e+00, v2;
	_ =	sdelay $0x1  }
0x3af: {  	(erf) = vrcp.f32 v3;
	_ =	sdelay $0x8  }
0x3b0: {  	v3 =	vpop (erf)  }
0x3b1: {  	v4 =	vmul.f32 v3, v2;
	_ =	sdelay $0x1  }
0x3b2: {  	v2 =	vmul.f32 v4, v4;
	_ =	sdelay $0x1  }
0x3b3: {  	v3 =	vmul.f32 $9.090909360e-02, v2;
	_ =	sdelay $0x1  }
0x3b4: {  	v3 =	vadd.f32 $1.111111120e-01, v3;
	_ =	sdelay $0x1  }
0x3b5: {  	v3 =	vmul.f32 v3, v2;
	_ =	sdelay $0x1  }
0x3b6: {  	v3 =	vadd.f32 $1.428571490e-01, v3;
	_ =	sdelay $0x1  }
0x3b7: {  	v3 =	vmul.f32 v3, v2;
	_ =	sdelay $0x1  }
0x3b8: {  	v3 =	vadd.f32 $2.000000030e-01, v3;
	_ =	sdelay $0x1  }
0x3b9: {  	v3 =	vmul.f32 v3, v2;
	_ =	sdelay $0x1  }
0x3ba: {  	v3 =	vadd.f32 $3.333333430e-01, v3;
	_ =	sdelay $0x1  }
0x3bb: {  	s31 =	simm.s32 $0x20;
	v2 =	vmul.f32 v3, v2  }
0x3bc: {  	v3 =	vmov s31  }
0x3bd: {  	s30 =	simm.s32 $0x30;
	v4 =	vadd.f32 v4, v4;
	v3 =	vshll.u32 v3, $0x7;
	v2 =	vadd.f32 $1.000000000e+00, v2  }
.LBB2_12:
0x3be: {  	p0 =	sne.s32 s30, $0x70;
	v3 =	vor.u32 v0, v3  }
0x3bf: {  	v5 =	vor.u32 $0x1, v3;
	v2 =	vmul.f32 v2, v4  }
0x3c0: {  	v1 =	vmin.f32 v1, $0.0e+00  }
0x3c1: {  	v1 =	vsub.f32 v1, v2  }
0x3c2: {  	s29 =	sadd.s32 $0x10, s29;
	v2 =	vor.u32 $0x2, v3  }
0x3c3: {  	[tilespmem:s29+$0x0] =	vst v1  }
0x3c4: {  	v4 =	vor.u32 $0x3, v3;
	v1 =	vld.idx.msk [tilespmem:v5+s20+$0x0], $0xffff  }
0x3c5: {  	v5 =	vld.idx.msk [tilespmem:v3+s20+$0x0], $0xffff  }
0x3c6: {  	v6 =	vor.u32 $0x4, v3  }
0x3c7: {  	v2 =	vld.idx.msk [tilespmem:v2+s20+$0x0], $0xffff  }
0x3c8: {  	v7 =	vor.u32 $0x5, v3  }
0x3c9: {  	v4 =	vld.idx.msk [tilespmem:v4+s20+$0x0], $0xffff  }
0x3ca: {  	v8 =	vor.u32 $0x6, v3  }
0x3cb: {  	v1 =	vadd.f32 v1, v5;
	v5 =	vld.idx.msk [tilespmem:v6+s20+$0x0], $0xffff  }
0x3cc: {  	v6 =	vor.u32 $0x7, v3  }
0x3cd: {  	v1 =	vadd.f32 v2, v1;
	v2 =	vld.idx.msk [tilespmem:v7+s20+$0x0], $0xffff  }
0x3ce: {  	v7 =	vor.u32 $0x8, v3  }
0x3cf: {  	v1 =	vadd.f32 v4, v1;
	v4 =	vld.idx.msk [tilespmem:v8+s20+$0x0], $0xffff  }
0x3d0: {  	v8 =	vor.u32 $0x9, v3  }
0x3d1: {  	v1 =	vadd.f32 v5, v1;
	v5 =	vld.idx.msk [tilespmem:v6+s20+$0x0], $0xffff  }
0x3d2: {  	v6 =	vor.u32 $0xA, v3  }
0x3d3: {  	v1 =	vadd.f32 v2, v1;
	v2 =	vld.idx.msk [tilespmem:v7+s20+$0x0], $0xffff  }
0x3d4: {  	v7 =	vor.u32 $0xB, v3  }
0x3d5: {  	v1 =	vadd.f32 v4, v1;
	v4 =	vld.idx.msk [tilespmem:v8+s20+$0x0], $0xffff  }
0x3d6: {  	v8 =	vor.u32 $0xC, v3  }
0x3d7: {  	v1 =	vadd.f32 v5, v1;
	v5 =	vld.idx.msk [tilespmem:v6+s20+$0x0], $0xffff  }
0x3d8: {  	v6 =	vor.u32 $0xD, v3  }
0x3d9: {  	v1 =	vadd.f32 v2, v1;
	v2 =	vld.idx.msk [tilespmem:v7+s20+$0x0], $0xffff  }
0x3da: {  	v7 =	vor.u32 $0xE, v3  }
0x3db: {  	v1 =	vadd.f32 v4, v1;
	v4 =	vld.idx.msk [tilespmem:v8+s20+$0x0], $0xffff  }
0x3dc: {  	v3 =	vor.u32 $0xF, v3  }
0x3dd: {  	v1 =	vadd.f32 v5, v1;
	v5 =	vld.idx.msk [tilespmem:v6+s20+$0x0], $0xffff;
	_ =	sdelay $0x1  }
0x3de: {  	v1 =	vadd.f32 v2, v1;
	v2 =	vld.idx.msk [tilespmem:v7+s20+$0x0], $0xffff;
	_ =	sdelay $0x1  }
0x3df: {  	v1 =	vadd.f32 v4, v1;
	v3 =	vld.idx.msk [tilespmem:v3+s20+$0x0], $0xffff;
	_ =	sdelay $0x1  }
0x3e0: {  	v1 =	vadd.f32 v5, v1;
	_ =	sdelay $0x1  }
0x3e1: {  	v1 =	vadd.f32 v2, v1;
	_ =	sdelay $0x1  }
0x3e2: {  	v1 =	vadd.f32 v3, v1;
	_ =	sdelay $0x1  }
0x3e3: {  	v2 =	vand.u32 $0x7FFFFFFF, v1  }
0x3e4: {  	v2 =	vsub.f32 $0.0e+00, v2;
	_ =	sdelay $0x1  }
0x3e5: {  	v2 =	vmul.f32 $1.442695020e+00, v2;
	_ =	sdelay $0x1  }
0x3e6: {  	(erf) = vpow2.f32 v2;
	_ =	sdelay $0x8  }
0x3e7: {  	v2 =	vpop (erf)  }
0x3e8: {  	v3 =	vadd.f32 $2.000000000e+00, v2;
	_ =	sdelay $0x1  }
0x3e9: {  	(erf) = vrcp.f32 v3;
	_ =	sdelay $0x8  }
0x3ea: {  	v3 =	vpop (erf)  }
0x3eb: {  	v4 =	vmul.f32 v3, v2;
	_ =	sdelay $0x1  }
0x3ec: {  	v2 =	vmul.f32 v4, v4;
	_ =	sdelay $0x1  }
0x3ed: {  	v3 =	vmul.f32 $9.090909360e-02, v2;
	_ =	sdelay $0x1  }
0x3ee: {  	v3 =	vadd.f32 $1.111111120e-01, v3;
	_ =	sdelay $0x1  }
0x3ef: {  	v3 =	vmul.f32 v3, v2;
	_ =	sdelay $0x1  }
0x3f0: {  	v3 =	vadd.f32 $1.428571490e-01, v3;
	_ =	sdelay $0x1  }
0x3f1: {  	v3 =	vmul.f32 v3, v2;
	_ =	sdelay $0x1  }
0x3f2: {  	v3 =	vadd.f32 $2.000000030e-01, v3;
	_ =	sdelay $0x1  }
0x3f3: {  	v3 =	vmul.f32 v3, v2;
	_ =	sdelay $0x1  }
.Ltmp5:
0x3f4: {  	v3 =	vadd.f32 $3.333333430e-01, v3;
	(pc) =	sbr.rel @p0 .LBB2_12-.Ltmp5, $4  }
0x3f5: {  	_ = 	snop  }
0x3f6: {  	v2 =	vmul.f32 v3, v2  }
0x3f7: {  	v3 =	vmov s30  }
0x3f8: {  	v4 =	vadd.f32 v4, v4;
	s30 =	sadd.s32 $0x10, s30;
	v3 =	vshll.u32 v3, $0x7;
	v2 =	vadd.f32 $1.000000000e+00, v2  }
0x3f9: {  	v3 =	vor.u32 v0, v3  }
0x3fa: {  	v5 =	vor.u32 $0x1, v3;
	v2 =	vmul.f32 v2, v4  }
0x3fb: {  	v1 =	vmin.f32 v1, $0.0e+00  }
0x3fc: {  	v1 =	vsub.f32 v1, v2  }
0x3fd: {  	s0 =	sadd.s32 $0x10, s29;
	v2 =	vor.u32 $0x2, v3  }
0x3fe: {  	[tilespmem:s0+$0x0] =	vst v1  }
0x3ff: {  	v4 =	vor.u32 $0x3, v3;
	v1 =	vld.idx.msk [tilespmem:v5+s20+$0x0], $0xffff  }
0x400: {  	v5 =	vld.idx.msk [tilespmem:v3+s20+$0x0], $0xffff  }
0x401: {  	v6 =	vor.u32 $0x4, v3  }
0x402: {  	v2 =	vld.idx.msk [tilespmem:v2+s20+$0x0], $0xffff  }
0x403: {  	v7 =	vor.u32 $0x5, v3  }
0x404: {  	v4 =	vld.idx.msk [tilespmem:v4+s20+$0x0], $0xffff  }
0x405: {  	v8 =	vor.u32 $0x6, v3;
	v1 =	vadd.f32 v1, v5  }
0x406: {  	v5 =	vld.idx.msk [tilespmem:v6+s20+$0x0], $0xffff  }
0x407: {  	v6 =	vor.u32 $0x7, v3;
	v1 =	vadd.f32 v2, v1  }
0x408: {  	v2 =	vld.idx.msk [tilespmem:v7+s20+$0x0], $0xffff  }
0x409: {  	v7 =	vor.u32 $0x8, v3;
	v1 =	vadd.f32 v4, v1  }
0x40a: {  	v4 =	vld.idx.msk [tilespmem:v8+s20+$0x0], $0xffff  }
0x40b: {  	v8 =	vor.u32 $0x9, v3;
	v1 =	vadd.f32 v5, v1  }
0x40c: {  	v5 =	vld.idx.msk [tilespmem:v6+s20+$0x0], $0xffff  }
0x40d: {  	v6 =	vor.u32 $0xA, v3;
	v1 =	vadd.f32 v2, v1  }
0x40e: {  	v2 =	vld.idx.msk [tilespmem:v7+s20+$0x0], $0xffff  }
0x40f: {  	v7 =	vor.u32 $0xB, v3;
	v1 =	vadd.f32 v4, v1  }
0x410: {  	v4 =	vld.idx.msk [tilespmem:v8+s20+$0x0], $0xffff  }
0x411: {  	v8 =	vor.u32 $0xC, v3;
	v1 =	vadd.f32 v5, v1  }
0x412: {  	v5 =	vld.idx.msk [tilespmem:v6+s20+$0x0], $0xffff  }
0x413: {  	v6 =	vor.u32 $0xD, v3;
	v1 =	vadd.f32 v2, v1  }
0x414: {  	v2 =	vld.idx.msk [tilespmem:v7+s20+$0x0], $0xffff  }
0x415: {  	v7 =	vor.u32 $0xE, v3;
	v1 =	vadd.f32 v4, v1  }
0x416: {  	v4 =	vld.idx.msk [tilespmem:v8+s20+$0x0], $0xffff  }
0x417: {  	v3 =	vor.u32 $0xF, v3;
	v1 =	vadd.f32 v5, v1  }
0x418: {  	v5 =	vld.idx.msk [tilespmem:v6+s20+$0x0], $0xffff  }
0x419: {  	v1 =	vadd.f32 v2, v1  }
0x41a: {  	v2 =	vld.idx.msk [tilespmem:v7+s20+$0x0], $0xffff  }
0x41b: {  	v1 =	vadd.f32 v4, v1  }
0x41c: {  	v3 =	vld.idx.msk [tilespmem:v3+s20+$0x0], $0xffff  }
0x41d: {  	v1 =	vadd.f32 v5, v1;
	_ =	sdelay $0x1  }
0x41e: {  	v1 =	vadd.f32 v2, v1;
	_ =	sdelay $0x1  }
0x41f: {  	v1 =	vadd.f32 v3, v1;
	_ =	sdelay $0x1  }
0x420: {  	v2 =	vand.u32 $0x7FFFFFFF, v1  }
0x421: {  	v2 =	vsub.f32 $0.0e+00, v2;
	_ =	sdelay $0x1  }
0x422: {  	v2 =	vmul.f32 $1.442695020e+00, v2;
	_ =	sdelay $0x1  }
0x423: {  	(erf) = vpow2.f32 v2;
	_ =	sdelay $0x8  }
0x424: {  	v2 =	vpop (erf)  }
0x425: {  	v3 =	vadd.f32 $2.000000000e+00, v2;
	_ =	sdelay $0x1  }
0x426: {  	(erf) = vrcp.f32 v3;
	_ =	sdelay $0x8  }
0x427: {  	v3 =	vpop (erf)  }
0x428: {  	v2 =	vmul.f32 v3, v2;
	_ =	sdelay $0x1  }
0x429: {  	v3 =	vmul.f32 v2, v2;
	_ =	sdelay $0x1  }
0x42a: {  	v4 =	vmul.f32 $9.090909360e-02, v3;
	_ =	sdelay $0x1  }
0x42b: {  	v4 =	vadd.f32 $1.111111120e-01, v4;
	_ =	sdelay $0x1  }
0x42c: {  	v4 =	vmul.f32 v4, v3;
	_ =	sdelay $0x1  }
0x42d: {  	v4 =	vadd.f32 $1.428571490e-01, v4;
	_ =	sdelay $0x1  }
0x42e: {  	v4 =	vmul.f32 v4, v3;
	_ =	sdelay $0x1  }
0x42f: {  	v4 =	vadd.f32 $2.000000030e-01, v4;
	_ =	sdelay $0x1  }
0x430: {  	v4 =	vmul.f32 v4, v3;
	_ =	sdelay $0x1  }
0x431: {  	v4 =	vadd.f32 $3.333333430e-01, v4;
	_ =	sdelay $0x1  }
0x432: {  	v3 =	vmul.f32 v4, v3;
	_ =	sdelay $0x1  }
0x433: {  	v2 =	vadd.f32 v2, v2;
	v3 =	vadd.f32 $1.000000000e+00, v3;
	_ =	sdelay $0x1  }
0x434: {  	v2 =	vmul.f32 v3, v2  }
0x435: {  	v1 =	vmin.f32 v1, $0.0e+00  }
0x436: {  	v1 =	vsub.f32 v1, v2  }
0x437: {  	s0 =	sadd.s32 $0x10, s0  }
0x438: {  	[tilespmem:s0+$0x0] =	vst v1  }
0x439: {  	_ =	swait.ge [sflag:s10], $0x4000  }
0x43a: {  	[sflag:s10] =	ssyncset.done $0x0  }
0x43b: {  	[sflag:s10] =	ssyncadd.s32 $0xFFFFC000  }
0x43c: {  	_ =	swait.ge [sflag:s11], $0x4000  }
0x43d: {  	[sflag:s11] =	ssyncset.done $0x0  }
0x43e: {  	s29 =	simm.s32 $0x0;
	[sflag:s11] =	ssyncadd.s32 $0xFFFFC000  }
0x43f: {  	v1 =	vld [tilespmem:s29+$0x4480]  }
0x440: {  	v2 =	vld [tilespmem:s29+$0xC480]  }
0x441: {  	v3 =	vld [tilespmem:s29+$0x4490]  }
0x442: {  	v4 =	vld [tilespmem:s29+$0xC490]  }
0x443: {  	v5 =	vld [tilespmem:s29+$0x44A0]  }
0x444: {  	v6 =	vld [tilespmem:s29+$0xC4A0]  }
0x445: {  	v7 =	vld [tilespmem:s29+$0x44B0]  }
0x446: {  	v8 =	vld [tilespmem:s29+$0xC4B0]  }
0x447: {  	v9 =	vld [tilespmem:s29+$0x44C0]  }
0x448: {  	v62 =	vld [tilespmem:s29+$0x4400];
	v1 =	vmul.f32 v2, v1;
	v2 =	vmul.f32 v4, v3  }
0x449: {  	v3 =	vld [tilespmem:s29+$0xC4C0]  }
0x44a: {  	v4 =	vld [tilespmem:s29+$0x44D0];
	v1 =	vadd.f32 v2, v1;
	v2 =	vmul.f32 v6, v5  }
0x44b: {  	v5 =	vld [tilespmem:s29+$0xC4D0]  }
0x44c: {  	v6 =	vld [tilespmem:s29+$0x44E0];
	v1 =	vadd.f32 v2, v1;
	v2 =	vmul.f32 v8, v7  }
0x44d: {  	v7 =	vld [tilespmem:s29+$0xC4E0]  }
0x44e: {  	v8 =	vld [tilespmem:s29+$0x44F0];
	v1 =	vadd.f32 v2, v1;
	v2 =	vmul.f32 v3, v9  }
0x44f: {  	v3 =	vld [tilespmem:s29+$0xC4F0]  }
0x450: {  	v1 =	vadd.f32 v2, v1;
	v2 =	vmul.f32 v5, v4;
	v4 =	vld [tilespmem:s29+$0xC400]  }
0x451: {  	v5 =	vld [tilespmem:s29+$0x4410]  }
0x452: {  	v1 =	vadd.f32 v2, v1;
	v2 =	vmul.f32 v7, v6;
	v6 =	vld [tilespmem:s29+$0xC410]  }
0x453: {  	v7 =	vld [tilespmem:s29+$0x4420]  }
0x454: {  	v1 =	vadd.f32 v2, v1;
	v2 =	vmul.f32 v3, v8;
	v3 =	vld [tilespmem:s29+$0xC420]  }
0x455: {  	v8 =	vld [tilespmem:s29+$0x4430]  }
0x456: {  	v1 =	vadd.f32 v2, v1;
	v2 =	vld [tilespmem:s29+$0xC430]  }
0x457: {  	v10 =	vld [tilespmem:s29+$0x4440];
	v4 =	vmul.f32 v4, v62;
	v5 =	vmul.f32 v6, v5  }
0x458: {  	[tilespmem:s29+$0x10680] =	vst v1;
	v1 =	vld [tilespmem:s29+$0xC440]  }
0x459: {  	v6 =	vld [tilespmem:s29+$0x4450];
	v4 =	vadd.f32 v5, v4;
	v3 =	vmul.f32 v3, v7  }
0x45a: {  	v7 =	vld [tilespmem:s29+$0xC450]  }
0x45b: {  	v63 =	vld [tilespmem:s29+$0xC460];
	v3 =	vadd.f32 v3, v4;
	v2 =	vmul.f32 v2, v8  }
0x45c: {  	v8 =	vld [tilespmem:s29+$0x4460]  }
0x45d: {  	v5 =	vld [tilespmem:s29+$0xC470];
	v2 =	vadd.f32 v2, v3;
	v4 =	vmul.f32 v1, v10  }
0x45e: {  	s31 =	simm.s32 $0x100;
	v3 =	vld [tilespmem:s29+$0x4470]  }
0x45f: {  	v1 =	vld [tilespmem:s31+$0x4480];
	v6 =	vmul.f32 v7, v6;
	v10 =	vadd.f32 v4, v2  }
0x460: {  	v2 =	vld [tilespmem:s31+$0xC480]  }
0x461: {  	s30 =	simm.s32 $0x0;
	s0 =	simm.s32 $0x800;
	v4 =	vld [tilespmem:s31+$0x4490];
	v7 =	vmul.f32 v63, v8;
	v6 =	vadd.f32 v6, v10  }
.LBB2_14:
0x462: {  	p0 =	sne.s32 s0, $0xFC00;
	v8 =	vld [tilespmem:s31+$0xC490]  }
0x463: {  	v9 =	vld [tilespmem:s31+$0x44A0];
	v6 =	vadd.f32 v7, v6;
	v3 =	vmul.f32 v5, v3  }
0x464: {  	v5 =	vld [tilespmem:s31+$0xC4A0]  }
0x465: {  	v7 =	vld [tilespmem:s31+$0x44B0];
	v3 =	vadd.f32 v3, v6  }
0x466: {  	v6 =	vld [tilespmem:s31+$0xC4B0]  }
0x467: {  	v1 =	vmul.f32 v2, v1;
	v2 =	vmul.f32 v8, v4;
	v4 =	vld [tilespmem:s31+$0x44C0];
	[tilespmem:s29+$0x10600] =	vst v3;
	s29 =	smov.u32 s31  }
0x468: {  	v3 =	vld [tilespmem:s29+$0xC4C0]  }
0x469: {  	v1 =	vadd.f32 v2, v1;
	v2 =	vmul.f32 v5, v9;
	v5 =	vld [tilespmem:s29+$0x44D0]  }
0x46a: {  	v8 =	vld [tilespmem:s29+$0xC4D0]  }
0x46b: {  	v1 =	vadd.f32 v2, v1;
	v2 =	vmul.f32 v6, v7;
	v6 =	vld [tilespmem:s29+$0x44E0]  }
0x46c: {  	v7 =	vld [tilespmem:s29+$0xC4E0]  }
0x46d: {  	v1 =	vadd.f32 v2, v1;
	v2 =	vmul.f32 v3, v4;
	v3 =	vld [tilespmem:s29+$0x44F0]  }
0x46e: {  	v4 =	vld [tilespmem:s29+$0xC4F0]  }
0x46f: {  	v9 =	vld [tilespmem:s29+$0x4400];
	v1 =	vadd.f32 v2, v1;
	v2 =	vmul.f32 v8, v5  }
0x470: {  	v5 =	vld [tilespmem:s29+$0xC400]  }
0x471: {  	v8 =	vld [tilespmem:s29+$0x4410];
	v1 =	vadd.f32 v2, v1;
	v2 =	vmul.f32 v7, v6  }
0x472: {  	v6 =	vld [tilespmem:s29+$0xC410]  }
0x473: {  	v7 =	vld [tilespmem:s29+$0x4420];
	v1 =	vadd.f32 v2, v1;
	v2 =	vmul.f32 v4, v3  }
0x474: {  	v3 =	vld [tilespmem:s29+$0xC420]  }
0x475: {  	v4 =	vmul.f32 v5, v9;
	v5 =	vld [tilespmem:s29+$0x4430];
	v1 =	vadd.f32 v2, v1  }
0x476: {  	v2 =	vld [tilespmem:s29+$0xC430]  }
0x477: {  	v6 =	vmul.f32 v6, v8;
	v8 =	vld [tilespmem:s29+$0x4440];
	[tilespmem:s29+$0x10680] =	vst v1  }
0x478: {  	v1 =	vld [tilespmem:s29+$0xC440]  }
0x479: {  	v4 =	vadd.f32 v6, v4;
	v3 =	vmul.f32 v3, v7;
	v6 =	vld [tilespmem:s29+$0x4450]  }
0x47a: {  	v7 =	vld [tilespmem:s29+$0xC450]  }
0x47b: {  	v3 =	vadd.f32 v3, v4;
	v2 =	vmul.f32 v2, v5;
	v9 =	vld [tilespmem:s29+$0x4460]  }
0x47c: {  	v10 =	vld [tilespmem:s29+$0xC460]  }
.Ltmp6:
0x47d: {  	v2 =	vadd.f32 v2, v3;
	v4 =	vmul.f32 v1, v8;
	v3 =	vld [tilespmem:s29+$0x4470];
	(pc) =	sbr.rel @p0 .LBB2_14-.Ltmp6, $4  }
0x47e: {  	s31 =	sshra.s32 s0, $0x2;
	v5 =	vld [tilespmem:s29+$0xC470]  }
0x47f: {  	v1 =	vld [tilespmem:s31+$0x4480];
	v8 =	vadd.f32 v4, v2;
	v6 =	vmul.f32 v7, v6  }
0x480: {  	v2 =	vld [tilespmem:s31+$0xC480]  }
0x481: {  	s0 =	sadd.s32 $0x400, s0;
	v4 =	vld [tilespmem:s31+$0x4490];
	v6 =	vadd.f32 v6, v8;
	v7 =	vmul.f32 v10, v9  }
0x482: {  	v8 =	vld [tilespmem:s31+$0xC490]  }
0x483: {  	v9 =	vld [tilespmem:s31+$0x44A0];
	v6 =	vadd.f32 v7, v6;
	v3 =	vmul.f32 v5, v3  }
0x484: {  	v10 =	vld [tilespmem:s31+$0x44C0]  }
0x485: {  	v5 =	vld [tilespmem:s31+$0xC4A0];
	v3 =	vadd.f32 v3, v6  }
0x486: {  	v7 =	vld [tilespmem:s31+$0x44B0]  }
0x487: {  	v6 =	vld [tilespmem:s31+$0xC4B0];
	[tilespmem:s29+$0x10600] =	vst v3  }
0x488: {  	v1 =	vmul.f32 v2, v1;
	v2 =	vmul.f32 v8, v4;
	v3 =	vld [tilespmem:s31+$0xC4C0]  }
0x489: {  	v4 =	vld [tilespmem:s31+$0x44D0]  }
0x48a: {  	v53 =	vld [tilespmem:s31+$0x44E0];
	v1 =	vadd.f32 v2, v1;
	v2 =	vmul.f32 v5, v9  }
0x48b: {  	v5 =	vld [tilespmem:s31+$0xC4D0]  }
0x48c: {  	v54 =	vld [tilespmem:s31+$0x4400];
	v1 =	vadd.f32 v2, v1;
	v2 =	vmul.f32 v6, v7  }
0x48d: {  	v6 =	vld [tilespmem:s31+$0xC4E0]  }
0x48e: {  	v7 =	vld [tilespmem:s31+$0x44F0];
	v1 =	vadd.f32 v2, v1;
	v2 =	vmul.f32 v3, v10  }
0x48f: {  	v3 =	vld [tilespmem:s31+$0xC4F0]  }
0x490: {  	v1 =	vadd.f32 v2, v1;
	v2 =	vmul.f32 v5, v4;
	v4 =	vld [tilespmem:s31+$0xC400]  }
0x491: {  	v5 =	vld [tilespmem:s31+$0x4410]  }
0x492: {  	v1 =	vadd.f32 v2, v1;
	v2 =	vmul.f32 v6, v53;
	v6 =	vld [tilespmem:s31+$0xC410]  }
0x493: {  	v55 =	vld [tilespmem:s31+$0x4420]  }
0x494: {  	v1 =	vadd.f32 v2, v1;
	v2 =	vmul.f32 v3, v7;
	v3 =	vld [tilespmem:s31+$0xC420]  }
0x495: {  	v7 =	vld [tilespmem:s31+$0x4430]  }
0x496: {  	v1 =	vadd.f32 v2, v1;
	v2 =	vld [tilespmem:s31+$0xC430]  }
0x497: {  	v56 =	vld [tilespmem:s31+$0x4440];
	v4 =	vmul.f32 v4, v54;
	v5 =	vmul.f32 v6, v5  }
0x498: {  	[tilespmem:s31+$0x10680] =	vst v1;
	v1 =	vld [tilespmem:s31+$0xC440]  }
0x499: {  	v6 =	vld [tilespmem:s31+$0xC450];
	v4 =	vadd.f32 v5, v4;
	v3 =	vmul.f32 v3, v55  }
0x49a: {  	v5 =	vld [tilespmem:s31+$0x4450]  }
0x49b: {  	v3 =	vadd.f32 v3, v4;
	v2 =	vmul.f32 v2, v7;
	v4 =	vld [tilespmem:s31+$0x4460]  }
0x49c: {  	v7 =	vld [tilespmem:s31+$0xC460]  }
0x49d: {  	v57 =	vld [tilespmem:s31+$0xC470];
	v2 =	vadd.f32 v2, v3;
	v1 =	vmul.f32 v1, v56  }
0x49e: {  	v3 =	vld [tilespmem:s31+$0x4470]  }
0x49f: {  	v1 =	vadd.f32 v1, v2;
	v2 =	vmul.f32 v6, v5  }
0x4a0: {  	v5 =	vmov s30  }
0x4a1: {  	v1 =	vadd.f32 v2, v1;
	v2 =	vmul.f32 v7, v4;
	v4 =	vshll.u32 v5, $0x7  }
0x4a2: {  	v4 =	vor.u32 v0, v4  }
0x4a3: {  	v1 =	vadd.f32 v2, v1;
	v2 =	vmul.f32 v57, v3;
	v3 =	vor.u32 $0x1, v4;
	_ =	sdelay $0x1  }
0x4a4: {  	v1 =	vadd.f32 v2, v1  }
0x4a5: {  	v2 =	vor.u32 $0x2, v4  }
0x4a6: {  	[tilespmem:s31+$0x10600] =	vst v1  }
0x4a7: {  	v1 =	vld.idx.msk [tilespmem:v3+s20+$0x0], $0xffff;
	v3 =	vor.u32 $0x3, v4  }
0x4a8: {  	v5 =	vld.idx.msk [tilespmem:v4+s20+$0x0], $0xffff  }
0x4a9: {  	v6 =	vor.u32 $0x4, v4  }
0x4aa: {  	v2 =	vld.idx.msk [tilespmem:v2+s20+$0x0], $0xffff  }
0x4ab: {  	v7 =	vor.u32 $0x5, v4  }
0x4ac: {  	v3 =	vld.idx.msk [tilespmem:v3+s20+$0x0], $0xffff  }
0x4ad: {  	v58 =	vor.u32 $0x6, v4;
	v1 =	vadd.f32 v1, v5  }
0x4ae: {  	v5 =	vld.idx.msk [tilespmem:v6+s20+$0x0], $0xffff  }
0x4af: {  	v6 =	vor.u32 $0x7, v4;
	v1 =	vadd.f32 v2, v1  }
0x4b0: {  	v2 =	vld.idx.msk [tilespmem:v7+s20+$0x0], $0xffff  }
0x4b1: {  	v7 =	vor.u32 $0x8, v4;
	v1 =	vadd.f32 v3, v1  }
0x4b2: {  	v3 =	vld.idx.msk [tilespmem:v58+s20+$0x0], $0xffff  }
0x4b3: {  	v59 =	vor.u32 $0x9, v4;
	v1 =	vadd.f32 v5, v1  }
0x4b4: {  	v5 =	vld.idx.msk [tilespmem:v6+s20+$0x0], $0xffff  }
0x4b5: {  	v6 =	vor.u32 $0xA, v4;
	v1 =	vadd.f32 v2, v1  }
0x4b6: {  	v2 =	vld.idx.msk [tilespmem:v7+s20+$0x0], $0xffff  }
0x4b7: {  	v7 =	vor.u32 $0xB, v4;
	v1 =	vadd.f32 v3, v1  }
0x4b8: {  	v3 =	vld.idx.msk [tilespmem:v59+s20+$0x0], $0xffff  }
0x4b9: {  	v60 =	vor.u32 $0xC, v4;
	v1 =	vadd.f32 v5, v1  }
0x4ba: {  	v5 =	vld.idx.msk [tilespmem:v6+s20+$0x0], $0xffff  }
0x4bb: {  	v6 =	vor.u32 $0xD, v4;
	v1 =	vadd.f32 v2, v1  }
0x4bc: {  	v2 =	vld.idx.msk [tilespmem:v7+s20+$0x0], $0xffff  }
0x4bd: {  	v7 =	vor.u32 $0xE, v4;
	v1 =	vadd.f32 v3, v1  }
0x4be: {  	v3 =	vld.idx.msk [tilespmem:v60+s20+$0x0], $0xffff  }
0x4bf: {  	v4 =	vor.u32 $0xF, v4;
	v1 =	vadd.f32 v5, v1  }
0x4c0: {  	v5 =	vld.idx.msk [tilespmem:v6+s20+$0x0], $0xffff  }
0x4c1: {  	v1 =	vadd.f32 v2, v1  }
0x4c2: {  	v2 =	vld.idx.msk [tilespmem:v7+s20+$0x0], $0xffff  }
0x4c3: {  	v1 =	vadd.f32 v3, v1  }
0x4c4: {  	v3 =	vld.idx.msk [tilespmem:v4+s20+$0x0], $0xffff  }
0x4c5: {  	v1 =	vadd.f32 v5, v1;
	_ =	sdelay $0x1  }
0x4c6: {  	v1 =	vadd.f32 v2, v1;
	_ =	sdelay $0x1  }
0x4c7: {  	v1 =	vadd.f32 v3, v1;
	_ =	sdelay $0x1  }
0x4c8: {  	v2 =	vand.u32 $0x7FFFFFFF, v1  }
0x4c9: {  	v2 =	vsub.f32 $0.0e+00, v2;
	_ =	sdelay $0x1  }
0x4ca: {  	v2 =	vmul.f32 $1.442695020e+00, v2;
	_ =	sdelay $0x1  }
0x4cb: {  	(erf) = vpow2.f32 v2;
	_ =	sdelay $0x8  }
0x4cc: {  	v2 =	vpop (erf)  }
0x4cd: {  	v3 =	vadd.f32 $2.000000000e+00, v2;
	_ =	sdelay $0x1  }
0x4ce: {  	(erf) = vrcp.f32 v3;
	_ =	sdelay $0x8  }
0x4cf: {  	v3 =	vpop (erf)  }
0x4d0: {  	v2 =	vmul.f32 v3, v2;
	_ =	sdelay $0x1  }
0x4d1: {  	v3 =	vmul.f32 v2, v2;
	_ =	sdelay $0x1  }
0x4d2: {  	v4 =	vmul.f32 $9.090909360e-02, v3;
	_ =	sdelay $0x1  }
0x4d3: {  	v4 =	vadd.f32 $1.111111120e-01, v4;
	_ =	sdelay $0x1  }
0x4d4: {  	v4 =	vmul.f32 v4, v3;
	_ =	sdelay $0x1  }
0x4d5: {  	v4 =	vadd.f32 $1.428571490e-01, v4;
	_ =	sdelay $0x1  }
0x4d6: {  	v4 =	vmul.f32 v4, v3;
	_ =	sdelay $0x1  }
0x4d7: {  	v4 =	vadd.f32 $2.000000030e-01, v4;
	_ =	sdelay $0x1  }
0x4d8: {  	v4 =	vmul.f32 v4, v3;
	_ =	sdelay $0x1  }
0x4d9: {  	v4 =	vadd.f32 $3.333333430e-01, v4;
	_ =	sdelay $0x1  }
0x4da: {  	s0 =	simm.s32 $0x10;
	v3 =	vmul.f32 v4, v3  }
0x4db: {  	v4 =	vmov s0  }
0x4dc: {  	v2 =	vadd.f32 v2, v2;
	v4 =	vshll.u32 v4, $0x7;
	v3 =	vadd.f32 $1.000000000e+00, v3  }
0x4dd: {  	v4 =	vor.u32 v0, v4  }
0x4de: {  	v5 =	vor.u32 $0x1, v4;
	v2 =	vmul.f32 v3, v2  }
0x4df: {  	v1 =	vmin.f32 v1, $0.0e+00  }
0x4e0: {  	v1 =	vsub.f32 v1, v2  }
0x4e1: {  	s29 =	simm.s32 $0x10580;
	v2 =	vor.u32 $0x2, v4  }
0x4e2: {  	[tilespmem:s29+$0x0] =	vst v1  }
0x4e3: {  	v3 =	vor.u32 $0x3, v4;
	v1 =	vld.idx.msk [tilespmem:v5+s20+$0x0], $0xffff  }
0x4e4: {  	v5 =	vld.idx.msk [tilespmem:v4+s20+$0x0], $0xffff  }
0x4e5: {  	v6 =	vor.u32 $0x4, v4  }
0x4e6: {  	v2 =	vld.idx.msk [tilespmem:v2+s20+$0x0], $0xffff  }
0x4e7: {  	v7 =	vor.u32 $0x5, v4  }
0x4e8: {  	v3 =	vld.idx.msk [tilespmem:v3+s20+$0x0], $0xffff  }
0x4e9: {  	v61 =	vor.u32 $0x6, v4;
	v1 =	vadd.f32 v1, v5  }
0x4ea: {  	v5 =	vld.idx.msk [tilespmem:v6+s20+$0x0], $0xffff  }
0x4eb: {  	v6 =	vor.u32 $0x7, v4;
	v1 =	vadd.f32 v2, v1  }
0x4ec: {  	v2 =	vld.idx.msk [tilespmem:v7+s20+$0x0], $0xffff  }
0x4ed: {  	v7 =	vor.u32 $0x8, v4;
	v1 =	vadd.f32 v3, v1  }
0x4ee: {  	v3 =	vld.idx.msk [tilespmem:v61+s20+$0x0], $0xffff  }
0x4ef: {  	v62 =	vor.u32 $0x9, v4;
	v1 =	vadd.f32 v5, v1  }
0x4f0: {  	v5 =	vld.idx.msk [tilespmem:v6+s20+$0x0], $0xffff  }
0x4f1: {  	v6 =	vor.u32 $0xA, v4;
	v1 =	vadd.f32 v2, v1  }
0x4f2: {  	v2 =	vld.idx.msk [tilespmem:v7+s20+$0x0], $0xffff  }
0x4f3: {  	v7 =	vor.u32 $0xB, v4;
	v1 =	vadd.f32 v3, v1  }
0x4f4: {  	v3 =	vld.idx.msk [tilespmem:v62+s20+$0x0], $0xffff  }
0x4f5: {  	v63 =	vor.u32 $0xC, v4;
	v1 =	vadd.f32 v5, v1  }
0x4f6: {  	v5 =	vld.idx.msk [tilespmem:v6+s20+$0x0], $0xffff  }
0x4f7: {  	v6 =	vor.u32 $0xD, v4;
	v1 =	vadd.f32 v2, v1  }
0x4f8: {  	v2 =	vld.idx.msk [tilespmem:v7+s20+$0x0], $0xffff  }
0x4f9: {  	v7 =	vor.u32 $0xE, v4;
	v1 =	vadd.f32 v3, v1  }
0x4fa: {  	v3 =	vld.idx.msk [tilespmem:v63+s20+$0x0], $0xffff  }
0x4fb: {  	v4 =	vor.u32 $0xF, v4;
	v1 =	vadd.f32 v5, v1  }
0x4fc: {  	v5 =	vld.idx.msk [tilespmem:v6+s20+$0x0], $0xffff  }
0x4fd: {  	v1 =	vadd.f32 v2, v1  }
0x4fe: {  	v2 =	vld.idx.msk [tilespmem:v7+s20+$0x0], $0xffff  }
0x4ff: {  	v1 =	vadd.f32 v3, v1  }
0x500: {  	v3 =	vld.idx.msk [tilespmem:v4+s20+$0x0], $0xffff  }
0x501: {  	v1 =	vadd.f32 v5, v1;
	_ =	sdelay $0x1  }
0x502: {  	v1 =	vadd.f32 v2, v1;
	_ =	sdelay $0x1  }
0x503: {  	v1 =	vadd.f32 v3, v1;
	_ =	sdelay $0x1  }
0x504: {  	v2 =	vand.u32 $0x7FFFFFFF, v1  }
0x505: {  	v2 =	vsub.f32 $0.0e+00, v2;
	_ =	sdelay $0x1  }
0x506: {  	v2 =	vmul.f32 $1.442695020e+00, v2;
	_ =	sdelay $0x1  }
0x507: {  	(erf) = vpow2.f32 v2;
	_ =	sdelay $0x8  }
0x508: {  	v2 =	vpop (erf)  }
0x509: {  	v3 =	vadd.f32 $2.000000000e+00, v2;
	_ =	sdelay $0x1  }
0x50a: {  	(erf) = vrcp.f32 v3;
	_ =	sdelay $0x8  }
0x50b: {  	v3 =	vpop (erf)  }
0x50c: {  	v4 =	vmul.f32 v3, v2;
	_ =	sdelay $0x1  }
0x50d: {  	v2 =	vmul.f32 v4, v4;
	_ =	sdelay $0x1  }
0x50e: {  	v3 =	vmul.f32 $9.090909360e-02, v2;
	_ =	sdelay $0x1  }
0x50f: {  	v3 =	vadd.f32 $1.111111120e-01, v3;
	_ =	sdelay $0x1  }
0x510: {  	v3 =	vmul.f32 v3, v2;
	_ =	sdelay $0x1  }
0x511: {  	v3 =	vadd.f32 $1.428571490e-01, v3;
	_ =	sdelay $0x1  }
0x512: {  	v3 =	vmul.f32 v3, v2;
	_ =	sdelay $0x1  }
0x513: {  	v3 =	vadd.f32 $2.000000030e-01, v3;
	_ =	sdelay $0x1  }
0x514: {  	v3 =	vmul.f32 v3, v2;
	_ =	sdelay $0x1  }
0x515: {  	v3 =	vadd.f32 $3.333333430e-01, v3;
	_ =	sdelay $0x1  }
0x516: {  	s31 =	simm.s32 $0x20;
	v2 =	vmul.f32 v3, v2  }
0x517: {  	v3 =	vmov s31  }
0x518: {  	s30 =	simm.s32 $0x30;
	v4 =	vadd.f32 v4, v4;
	v3 =	vshll.u32 v3, $0x7;
	v2 =	vadd.f32 $1.000000000e+00, v2  }
.LBB2_16:
0x519: {  	p0 =	sne.s32 s30, $0x70;
	v3 =	vor.u32 v0, v3  }
0x51a: {  	v5 =	vor.u32 $0x1, v3;
	v2 =	vmul.f32 v2, v4  }
0x51b: {  	v1 =	vmin.f32 v1, $0.0e+00  }
0x51c: {  	v1 =	vsub.f32 v1, v2  }
0x51d: {  	s29 =	sadd.s32 $0x10, s29;
	v2 =	vor.u32 $0x2, v3  }
0x51e: {  	[tilespmem:s29+$0x0] =	vst v1  }
0x51f: {  	v4 =	vor.u32 $0x3, v3;
	v1 =	vld.idx.msk [tilespmem:v5+s20+$0x0], $0xffff  }
0x520: {  	v5 =	vld.idx.msk [tilespmem:v3+s20+$0x0], $0xffff  }
0x521: {  	v6 =	vor.u32 $0x4, v3  }
0x522: {  	v2 =	vld.idx.msk [tilespmem:v2+s20+$0x0], $0xffff  }
0x523: {  	v7 =	vor.u32 $0x5, v3  }
0x524: {  	v4 =	vld.idx.msk [tilespmem:v4+s20+$0x0], $0xffff  }
0x525: {  	v8 =	vor.u32 $0x6, v3  }
0x526: {  	v1 =	vadd.f32 v1, v5;
	v5 =	vld.idx.msk [tilespmem:v6+s20+$0x0], $0xffff  }
0x527: {  	v6 =	vor.u32 $0x7, v3  }
0x528: {  	v1 =	vadd.f32 v2, v1;
	v2 =	vld.idx.msk [tilespmem:v7+s20+$0x0], $0xffff  }
0x529: {  	v7 =	vor.u32 $0x8, v3  }
0x52a: {  	v1 =	vadd.f32 v4, v1;
	v4 =	vld.idx.msk [tilespmem:v8+s20+$0x0], $0xffff  }
0x52b: {  	v8 =	vor.u32 $0x9, v3  }
0x52c: {  	v1 =	vadd.f32 v5, v1;
	v5 =	vld.idx.msk [tilespmem:v6+s20+$0x0], $0xffff  }
0x52d: {  	v6 =	vor.u32 $0xA, v3  }
0x52e: {  	v1 =	vadd.f32 v2, v1;
	v2 =	vld.idx.msk [tilespmem:v7+s20+$0x0], $0xffff  }
0x52f: {  	v7 =	vor.u32 $0xB, v3  }
0x530: {  	v1 =	vadd.f32 v4, v1;
	v4 =	vld.idx.msk [tilespmem:v8+s20+$0x0], $0xffff  }
0x531: {  	v8 =	vor.u32 $0xC, v3  }
0x532: {  	v1 =	vadd.f32 v5, v1;
	v5 =	vld.idx.msk [tilespmem:v6+s20+$0x0], $0xffff  }
0x533: {  	v6 =	vor.u32 $0xD, v3  }
0x534: {  	v1 =	vadd.f32 v2, v1;
	v2 =	vld.idx.msk [tilespmem:v7+s20+$0x0], $0xffff  }
0x535: {  	v7 =	vor.u32 $0xE, v3  }
0x536: {  	v1 =	vadd.f32 v4, v1;
	v4 =	vld.idx.msk [tilespmem:v8+s20+$0x0], $0xffff  }
0x537: {  	v3 =	vor.u32 $0xF, v3  }
0x538: {  	v1 =	vadd.f32 v5, v1;
	v5 =	vld.idx.msk [tilespmem:v6+s20+$0x0], $0xffff;
	_ =	sdelay $0x1  }
0x539: {  	v1 =	vadd.f32 v2, v1;
	v2 =	vld.idx.msk [tilespmem:v7+s20+$0x0], $0xffff;
	_ =	sdelay $0x1  }
0x53a: {  	v1 =	vadd.f32 v4, v1;
	v3 =	vld.idx.msk [tilespmem:v3+s20+$0x0], $0xffff;
	_ =	sdelay $0x1  }
0x53b: {  	v1 =	vadd.f32 v5, v1;
	_ =	sdelay $0x1  }
0x53c: {  	v1 =	vadd.f32 v2, v1;
	_ =	sdelay $0x1  }
0x53d: {  	v1 =	vadd.f32 v3, v1;
	_ =	sdelay $0x1  }
0x53e: {  	v2 =	vand.u32 $0x7FFFFFFF, v1  }
0x53f: {  	v2 =	vsub.f32 $0.0e+00, v2;
	_ =	sdelay $0x1  }
0x540: {  	v2 =	vmul.f32 $1.442695020e+00, v2;
	_ =	sdelay $0x1  }
0x541: {  	(erf) = vpow2.f32 v2;
	_ =	sdelay $0x8  }
0x542: {  	v2 =	vpop (erf)  }
0x543: {  	v3 =	vadd.f32 $2.000000000e+00, v2;
	_ =	sdelay $0x1  }
0x544: {  	(erf) = vrcp.f32 v3;
	_ =	sdelay $0x8  }
0x545: {  	v3 =	vpop (erf)  }
0x546: {  	v4 =	vmul.f32 v3, v2;
	_ =	sdelay $0x1  }
0x547: {  	v2 =	vmul.f32 v4, v4;
	_ =	sdelay $0x1  }
0x548: {  	v3 =	vmul.f32 $9.090909360e-02, v2;
	_ =	sdelay $0x1  }
0x549: {  	v3 =	vadd.f32 $1.111111120e-01, v3;
	_ =	sdelay $0x1  }
0x54a: {  	v3 =	vmul.f32 v3, v2;
	_ =	sdelay $0x1  }
0x54b: {  	v3 =	vadd.f32 $1.428571490e-01, v3;
	_ =	sdelay $0x1  }
0x54c: {  	v3 =	vmul.f32 v3, v2;
	_ =	sdelay $0x1  }
0x54d: {  	v3 =	vadd.f32 $2.000000030e-01, v3;
	_ =	sdelay $0x1  }
0x54e: {  	v3 =	vmul.f32 v3, v2;
	_ =	sdelay $0x1  }
.Ltmp7:
0x54f: {  	v3 =	vadd.f32 $3.333333430e-01, v3;
	(pc) =	sbr.rel @p0 .LBB2_16-.Ltmp7, $4  }
0x550: {  	_ = 	snop  }
0x551: {  	v2 =	vmul.f32 v3, v2  }
0x552: {  	v3 =	vmov s30  }
0x553: {  	v4 =	vadd.f32 v4, v4;
	s30 =	sadd.s32 $0x10, s30;
	v3 =	vshll.u32 v3, $0x7;
	v2 =	vadd.f32 $1.000000000e+00, v2  }
0x554: {  	v3 =	vor.u32 v0, v3  }
0x555: {  	v5 =	vor.u32 $0x1, v3;
	v2 =	vmul.f32 v2, v4  }
0x556: {  	v1 =	vmin.f32 v1, $0.0e+00  }
0x557: {  	v1 =	vsub.f32 v1, v2  }
0x558: {  	s0 =	sadd.s32 $0x10, s29;
	v2 =	vor.u32 $0x2, v3  }
0x559: {  	[tilespmem:s0+$0x0] =	vst v1  }
0x55a: {  	v46 =	vor.u32 $0x3, v3;
	v1 =	vld.idx.msk [tilespmem:v5+s20+$0x0], $0xffff  }
0x55b: {  	v47 =	vld.idx.msk [tilespmem:v3+s20+$0x0], $0xffff  }
0x55c: {  	v6 =	vor.u32 $0x4, v3  }
0x55d: {  	v2 =	vld.idx.msk [tilespmem:v2+s20+$0x0], $0xffff  }
0x55e: {  	v7 =	vor.u32 $0x5, v3  }
0x55f: {  	v4 =	vld.idx.msk [tilespmem:v46+s20+$0x0], $0xffff  }
0x560: {  	v8 =	vor.u32 $0x6, v3;
	v1 =	vadd.f32 v1, v47  }
0x561: {  	v48 =	vld.idx.msk [tilespmem:v6+s20+$0x0], $0xffff  }
0x562: {  	v49 =	vor.u32 $0x7, v3;
	v1 =	vadd.f32 v2, v1  }
0x563: {  	v2 =	vld.idx.msk [tilespmem:v7+s20+$0x0], $0xffff  }
0x564: {  	v50 =	vor.u32 $0x8, v3;
	v1 =	vadd.f32 v4, v1  }
0x565: {  	v51 =	vld.idx.msk [tilespmem:v8+s20+$0x0], $0xffff  }
0x566: {  	v52 =	vor.u32 $0x9, v3;
	v1 =	vadd.f32 v48, v1  }
0x567: {  	v53 =	vld.idx.msk [tilespmem:v49+s20+$0x0], $0xffff  }
0x568: {  	v54 =	vor.u32 $0xA, v3;
	v1 =	vadd.f32 v2, v1  }
0x569: {  	v2 =	vld.idx.msk [tilespmem:v50+s20+$0x0], $0xffff  }
0x56a: {  	v55 =	vor.u32 $0xB, v3;
	v1 =	vadd.f32 v51, v1  }
0x56b: {  	v56 =	vld.idx.msk [tilespmem:v52+s20+$0x0], $0xffff  }
0x56c: {  	v57 =	vor.u32 $0xC, v3;
	v1 =	vadd.f32 v53, v1  }
0x56d: {  	v58 =	vld.idx.msk [tilespmem:v54+s20+$0x0], $0xffff  }
0x56e: {  	v59 =	vor.u32 $0xD, v3;
	v1 =	vadd.f32 v2, v1  }
0x56f: {  	v2 =	vld.idx.msk [tilespmem:v55+s20+$0x0], $0xffff  }
0x570: {  	v60 =	vor.u32 $0xE, v3;
	v1 =	vadd.f32 v56, v1  }
0x571: {  	v61 =	vld.idx.msk [tilespmem:v57+s20+$0x0], $0xffff  }
0x572: {  	v3 =	vor.u32 $0xF, v3;
	v1 =	vadd.f32 v58, v1  }
0x573: {  	v62 =	vld.idx.msk [tilespmem:v59+s20+$0x0], $0xffff  }
0x574: {  	v1 =	vadd.f32 v2, v1  }
0x575: {  	v2 =	vld.idx.msk [tilespmem:v60+s20+$0x0], $0xffff  }
0x576: {  	v1 =	vadd.f32 v61, v1  }
0x577: {  	v3 =	vld.idx.msk [tilespmem:v3+s20+$0x0], $0xffff  }
0x578: {  	v1 =	vadd.f32 v62, v1;
	_ =	sdelay $0x1  }
0x579: {  	v1 =	vadd.f32 v2, v1;
	_ =	sdelay $0x1  }
0x57a: {  	v1 =	vadd.f32 v3, v1;
	_ =	sdelay $0x1  }
0x57b: {  	v2 =	vand.u32 $0x7FFFFFFF, v1  }
0x57c: {  	v2 =	vsub.f32 $0.0e+00, v2;
	_ =	sdelay $0x1  }
0x57d: {  	v2 =	vmul.f32 $1.442695020e+00, v2;
	_ =	sdelay $0x1  }
0x57e: {  	(erf) = vpow2.f32 v2;
	_ =	sdelay $0x8  }
0x57f: {  	v2 =	vpop (erf)  }
0x580: {  	v3 =	vadd.f32 $2.000000000e+00, v2;
	_ =	sdelay $0x1  }
0x581: {  	(erf) = vrcp.f32 v3;
	_ =	sdelay $0x8  }
0x582: {  	v3 =	vpop (erf)  }
0x583: {  	v2 =	vmul.f32 v3, v2;
	_ =	sdelay $0x1  }
0x584: {  	v3 =	vmul.f32 v2, v2;
	_ =	sdelay $0x1  }
0x585: {  	v63 =	vmul.f32 $9.090909360e-02, v3;
	_ =	sdelay $0x1  }
0x586: {  	v4 =	vadd.f32 $1.111111120e-01, v63;
	_ =	sdelay $0x1  }
0x587: {  	v4 =	vmul.f32 v4, v3;
	_ =	sdelay $0x1  }
0x588: {  	v4 =	vadd.f32 $1.428571490e-01, v4;
	_ =	sdelay $0x1  }
0x589: {  	v4 =	vmul.f32 v4, v3;
	_ =	sdelay $0x1  }
0x58a: {  	v4 =	vadd.f32 $2.000000030e-01, v4;
	_ =	sdelay $0x1  }
0x58b: {  	v4 =	vmul.f32 v4, v3;
	_ =	sdelay $0x1  }
0x58c: {  	v4 =	vadd.f32 $3.333333430e-01, v4;
	_ =	sdelay $0x1  }
0x58d: {  	v3 =	vmul.f32 v4, v3;
	_ =	sdelay $0x1  }
0x58e: {  	v2 =	vadd.f32 v2, v2;
	v3 =	vadd.f32 $1.000000000e+00, v3;
	_ =	sdelay $0x1  }
0x58f: {  	v2 =	vmul.f32 v3, v2  }
0x590: {  	v1 =	vmin.f32 v1, $0.0e+00  }
0x591: {  	s28 =	sadd.s32 $0x1, s28;
	v1 =	vsub.f32 v1, v2  }
0x592: {  	p0 =	sne.s32 s28, s8;
	s0 =	sadd.s32 $0x10, s0  }
.Ltmp8:
0x593: {  	[tilespmem:s0+$0x0] =	vst v1;
	(pc) =	sbr.rel @p0 .LBB2_1-.Ltmp8, $4  }
0x594: {  	[hbm4b:s7+s4] =	stream.linear.scatter [tilespmem:s25], [sflag:$0x5], $0x200, $0x38;
	[tilespmem:$0x14600] =	vst v63  }
0x595: {  	_ =	swait.ge [sflag:s26], $0x200  }
0x596: {  	[sflag:s26] =	ssyncset.done $0x0  }
0x597: {  	[sflag:s26] =	ssyncadd.s32 $0xFFFFFE00  }
0x598: {  	_ =	sfence.sel $0x180000  }
0x599: {  	[bflag:$0x0] =	sbarrier.arrive $0xFFFF  }
0x59a: {  	_ =	strace $0x90000047  }
0x59b: {  	[bflag:$0x2] =	sbarrier.arrive $0xFFFF  }
0x59c: {  	p0 =	sne.s32 s3, $0x0;
	s0 =	rddreg [dreg:$0x5]  }
0x59d: {  	s0 =	sadd.s32 @!p0 $0x100000, s0  }
0x59e: {  	[sflag:s0] =	ssyncadd.tile.s32 @!p0 $0x1;
	_ =	shalt  }
.Lfunc_end2:
_tile_overlayer_lowered:
.L_overlay_start_2:
0x59f: {  	(tag) =	ssettag $0x2  }
0x5a0: {  	s0 =	rddreg [dreg:$0x0];
	s2 =	stileid.u32  }
0x5a1: {  	s1 =	rddreg [dreg:$0x1];
	p0 =	sne.s32 s2, $0x0  }
0x5a2: {  	s3 =	rddreg [dreg:$0x2];
	[bflag:$0x3] =	sbarrier.arrive $0xFFFF;
	s2 =	simm.s32 @!p0 $0x1C05  }
0x5a3: {  	[timem:s3], [sflag:s2] =	dma.local @!p0 [hbm:s0], s1  }
0x5a4: {  	s0 =	simm.s32 @!p0 $0x5  }
0x5a5: {  	_ =	swait.ge @!p0 [sflag:s0], s1  }
0x5a6: {  	s1 =	ssub.s32 @!p0 $0x0, s1;
	[sflag:s0] =	ssyncset.done @!p0 $0x0  }
0x5a7: {  	[sflag:s0] =	ssyncadd.s32 @!p0 s1  }
0x5a8: {  	[bflag:$0x3] =	sbarrier.arrive $0xFFFF  }
0x5a9: {  	_ =	shalt  }

</sc_bundles>
